<compile_context>
chip_gen: v7x
topology: tpu7x:2x2x1
jax: 0.10.2.dev20260603
libtpu: 0.0.44.dev20260713+nightly
codegen_flags: <defaults>
</compile_context>

<pallas_src>
import functools

import jax
import jax.numpy as jnp
from jax import lax
from jax.experimental import pallas as pl
from jax.experimental.pallas import tpu as pltpu
from jax.experimental.pallas import tpu_sc as plsc

N = 10000
E = 320000
D = 128
R_ET = 8
R_EMB = 4
R = R_ET + R_EMB

NC = 2
NS = 16
NW = NC * NS
EPW = E // NW
BV = 16
NB = EPW // BV
SBB = 5
SB = SBB * BV
NSB = NB // SBB
WW = 5 * 16
NZSUB = 10
RPS = N // NZSUB


def _prep_body(w12_ref, wfc_ref, wel_ref, weml_ref, b2_ref,
               wc_ref, wcl_ref, bias_ref):
    wf1 = wfc_ref[0:D, :]
    wf2 = wfc_ref[D:2 * D, :]
    for k in range(R):
        wf = wf1 if k < R_ET else wf2
        wc_ref[k] = jnp.dot(w12_ref[k], wf, preferred_element_type=jnp.float32)
    wcl_ref[...] = (jnp.dot(wel_ref[...], wf1, preferred_element_type=jnp.float32)
                    + jnp.dot(weml_ref[...], wf2, preferred_element_type=jnp.float32))
    bias_ref[...] = (jnp.dot(b2_ref[0:1, :], wf1, preferred_element_type=jnp.float32)
                     + jnp.dot(b2_ref[1:2, :], wf2, preferred_element_type=jnp.float32))


_prep_call = pl.pallas_call(
    _prep_body,
    out_shape=(
        jax.ShapeDtypeStruct((R, D, D), jnp.float32),
        jax.ShapeDtypeStruct((D, D), jnp.float32),
        jax.ShapeDtypeStruct((1, D), jnp.float32),
    ),
)


BN = 1000


def _dense_body(nf_ref, wc_ref, h_ref):
    h_ref[...] = jnp.dot(nf_ref[...], wc_ref[0],
                         preferred_element_type=jnp.float32)


_dense_call = pl.pallas_call(
    _dense_body,
    grid=(R, N // BN),
    in_specs=[
        pl.BlockSpec((BN, D), lambda k, i: (i, 0)),
        pl.BlockSpec((1, D, D), lambda k, i: (k, 0, 0)),
    ],
    out_specs=pl.BlockSpec((BN, D), lambda k, i: (i, k)),
    out_shape=jax.ShapeDtypeStruct((N, R * D), jnp.float32),
)


_mesh = plsc.VectorSubcoreMesh(core_axis_name="c", subcore_axis_name="s")


@functools.partial(
    pl.kernel,
    out_type=jax.ShapeDtypeStruct((NC, N, D), jnp.float32),
    mesh=_mesh,
    compiler_params=pltpu.CompilerParams(needs_layout_passes=False),
    scratch_types=[
        pltpu.VMEM((2 * SB,), jnp.int32),
        pltpu.VMEM((2 * SB,), jnp.int32),
        pltpu.VMEM((2 * SB,), jnp.int32),
        pltpu.VMEM((2 * (SB * 5 + 16),), jnp.float32),
        pltpu.VMEM((2, BV, D), jnp.float32),
        pltpu.VMEM((2, BV, 4 * D), jnp.float32),
        pltpu.VMEM((2, BV, D), jnp.float32),
        pltpu.VMEM_SHARED((N, D), jnp.float32),
        pltpu.SemaphoreType.DMA,
        pltpu.SemaphoreType.DMA((2,)),
        pltpu.SemaphoreType.DMA((2,)),
    ],
)
def _edge_call(tab_et, tab_emb, iet_hbm, iem_hbm, idst_hbm, wts_hbm, zeros_hbm,
               outp, m_iet, m_iem, m_idst, m_wts, ret_v, rem_v, msg_v, acc,
               sem_m, sem_g, sem_s):
    c = lax.axis_index("c")
    s = lax.axis_index("s")
    wid = c * NS + s

    @pl.when(s < NZSUB)
    def _zero():
        pltpu.sync_copy(zeros_hbm.at[pl.ds(s * RPS, RPS)],
                        acc.at[pl.ds(s * RPS, RPS)])
    plsc.subcore_barrier()

    def issue_meta(sb, slot):
        eb = wid * EPW + sb * SB
        pltpu.async_copy(iet_hbm.at[pl.ds(eb, SB)],
                         m_iet.at[pl.ds(slot * SB, SB)], sem_m)
        pltpu.async_copy(iem_hbm.at[pl.ds(eb, SB)],
                         m_iem.at[pl.ds(slot * SB, SB)], sem_m)
        pltpu.async_copy(idst_hbm.at[pl.ds(eb, SB)],
                         m_idst.at[pl.ds(slot * SB, SB)], sem_m)
        pltpu.async_copy(wts_hbm.at[pl.ds(eb * 5, SB * 5)],
                         m_wts.at[pl.ds(slot * (SB * 5 + 16), SB * 5)], sem_m)

    def drain_meta(slot):
        pltpu.make_async_copy(iet_hbm.at[pl.ds(0, SB)],
                              m_iet.at[pl.ds(slot * SB, SB)], sem_m).wait()
        pltpu.make_async_copy(iem_hbm.at[pl.ds(0, SB)],
                              m_iem.at[pl.ds(slot * SB, SB)], sem_m).wait()
        pltpu.make_async_copy(idst_hbm.at[pl.ds(0, SB)],
                              m_idst.at[pl.ds(slot * SB, SB)], sem_m).wait()
        pltpu.make_async_copy(wts_hbm.at[pl.ds(0, SB * 5)],
                              m_wts.at[pl.ds(slot * (SB * 5 + 16), SB * 5)],
                              sem_m).wait()

    def issue_gather(g):
        slot = lax.rem(g, 2)
        off = lax.rem(g // SBB, 2) * SB + lax.rem(g, SBB) * BV
        iet_vec = m_iet[pl.ds(off, BV)]
        iem_vec = m_iem[pl.ds(off, BV)]
        pltpu.async_copy(tab_et.at[iet_vec], ret_v.at[slot], sem_g.at[slot])
        pltpu.async_copy(tab_emb.at[iem_vec], rem_v.at[slot], sem_g.at[slot])

    def drain_gather(slot):
        pltpu.make_async_copy(tab_et.at[pl.ds(0, BV)], ret_v.at[slot],
                              sem_g.at[slot]).wait()
        pltpu.make_async_copy(tab_emb.at[pl.ds(0, BV)], rem_v.at[slot],
                              sem_g.at[slot]).wait()

    def drain_scatter(slot):
        pltpu.make_async_copy(msg_v.at[slot], acc.at[pl.ds(0, BV)],
                              sem_s.at[slot]).wait()

    issue_meta(0, 0)
    drain_meta(0)
    issue_gather(0)

    def batch_body(g, carry):
        nxt = g + 1
        slot = lax.rem(g, 2)
        sb_slot = lax.rem(g // SBB, 2)
        j = lax.rem(g, SBB)
        woff = sb_slot * (SB * 5 + 16) + j * (BV * 5)

        @pl.when(jnp.logical_and(nxt < NB, lax.rem(nxt, SBB) == 0))
        def _meta_arrived():
            drain_meta(lax.rem(nxt // SBB, 2))

        @pl.when(nxt < NB)
        def _prefetch():
            issue_gather(nxt)

        drain_gather(slot)

        @pl.when(g >= 2)
        def _msg_free():
            drain_scatter(slot)

        def edge_body(half, carry2):
            for sub in range(2):
                i = half * 2 + sub
                iw = jnp.full((16,), woff + i * 5, dtype=jnp.int32)
                w0 = plsc.load_gather(m_wts, [iw])
                w1 = plsc.load_gather(m_wts, [iw + 1])
                w2 = plsc.load_gather(m_wts, [iw + 2])
                w3 = plsc.load_gather(m_wts, [iw + 3])
                w4 = plsc.load_gather(m_wts, [iw + 4])
                for dch in range(D // 16):
                    sl = pl.ds(dch * 16, 16)
                    v = ret_v[slot, i, sl] * w0
                    v = v + rem_v[slot, i, pl.ds(0 * D + dch * 16, 16)] * w1
                    v = v + rem_v[slot, i, pl.ds(1 * D + dch * 16, 16)] * w2
                    v = v + rem_v[slot, i, pl.ds(2 * D + dch * 16, 16)] * w3
                    v = v + rem_v[slot, i, pl.ds(3 * D + dch * 16, 16)] * w4
                    msg_v[slot, i, sl] = v
            return carry2

        lax.fori_loop(0, BV // 2, edge_body, 0)
        idst_vec = m_idst[pl.ds(sb_slot * SB + j * BV, BV)]
        pltpu.async_copy(msg_v.at[slot], acc.at[idst_vec],
                         sem_s.at[slot], add=True)

        @pl.when(jnp.logical_and(lax.rem(g, SBB) == 1, g // SBB + 1 < NSB))
        def _meta_prefetch():
            issue_meta(g // SBB + 1, lax.rem(g // SBB + 1, 2))

        return carry

    lax.fori_loop(0, NB, batch_body, 0)
    drain_scatter(0)
    drain_scatter(1)
    plsc.subcore_barrier()

    @pl.when(s < NZSUB)
    def _writeback():
        pltpu.sync_copy(acc.at[pl.ds(s * RPS, RPS)],
                        outp.at[c, pl.ds(s * RPS, RPS)])


def _final_body(p0_ref, p1_ref, nf_ref, wcl_ref, bias_ref, out_ref):
    out_ref[...] = (p0_ref[...] + p1_ref[...] + bias_ref[...]
                    + jnp.dot(nf_ref[...], wcl_ref[...],
                              preferred_element_type=jnp.float32))


_final_call = pl.pallas_call(
    _final_body,
    grid=(N // BN,),
    in_specs=[
        pl.BlockSpec((BN, D), lambda i: (i, 0)),
        pl.BlockSpec((BN, D), lambda i: (i, 0)),
        pl.BlockSpec((BN, D), lambda i: (i, 0)),
        pl.BlockSpec((D, D), lambda i: (0, 0)),
        pl.BlockSpec((1, D), lambda i: (0, 0)),
    ],
    out_specs=pl.BlockSpec((BN, D), lambda i: (i, 0)),
    out_shape=jax.ShapeDtypeStruct((N, D), jnp.float32),
)


def kernel(nfeats, edge_index, etypes, mask, edge_mask, efeats,
           W_et, W_et_loop, b_et, W_emb, W_emb_loop, b_emb, W_fc):
    src = edge_index[0]
    dst = edge_index[1]

    w12 = jnp.concatenate([W_et, W_emb], axis=0)
    b2 = jnp.stack([b_et, b_emb])
    wc_all, wcl, bias = _prep_call(w12, W_fc, W_et_loop, W_emb_loop, b2)

    h_all = _dense_call(nfeats, wc_all)
    tab_et = h_all.reshape(N * R, D)
    tab_emb = h_all.reshape(N * 3, 4 * D)

    iet = src * R + etypes
    iem = src * 3 + 2
    m = (edge_mask == 1.0).astype(jnp.float32)
    wts = jnp.stack([mask[:, 0],
                     edge_mask + efeats[:, 0] * m,
                     efeats[:, 1] * m,
                     efeats[:, 2] * m,
                     efeats[:, 3] * m], axis=1).reshape(-1)
    zeros = jnp.zeros((N, D), jnp.float32)

    outp = _edge_call(tab_et, tab_emb, iet, iem, dst, wts, zeros)
    return _final_call(outp[0], outp[1], nfeats, wcl, bias)

# --- scband reference (transcript-rebuilt; emitter-appended) ---
"""Pipeline reference for scband-edge-fusion-gcn-64072322122517 (READ-ONLY COPY).

The authoritative reference and input builder live on the scoring server;
editing this copy changes nothing except your own understanding.
"""

import jax, jax.numpy as jnp
import numpy as np

N_NODES = 10000
N_EDGES = 320000
D_IN = 128
D_OUT = 128
N_ETYPES = 8
N_EFEATS = 4


def setup_inputs(seed: int = 0):
    key = jax.random.key(seed)
    ks = jax.random.split(key, 12)
    nfeats = jax.random.normal(ks[0], (N_NODES, D_IN), dtype=jnp.float32)
    edge_index = jax.random.randint(ks[1], (2, N_EDGES), 0, N_NODES, dtype=jnp.int32)
    etypes = jax.random.randint(ks[2], (N_EDGES,), 0, N_ETYPES, dtype=jnp.int32)
    mask = jax.random.uniform(ks[3], (N_EDGES, 1), dtype=jnp.float32)
    edge_mask = jnp.ones((N_EDGES,), dtype=jnp.float32)
    efeats = jax.random.uniform(ks[4], (N_EDGES, N_EFEATS), dtype=jnp.float32)
    s = 1.0 / np.sqrt(D_IN)
    W_et = jax.random.uniform(ks[5], (N_ETYPES, D_IN, D_OUT), minval=-s, maxval=s, dtype=jnp.float32)
    W_et_loop = jax.random.uniform(ks[6], (D_IN, D_OUT), minval=-s, maxval=s, dtype=jnp.float32)
    b_et = jnp.zeros((D_OUT,), dtype=jnp.float32)
    W_emb = jax.random.uniform(ks[7], (N_EFEATS, D_IN, D_OUT), minval=-s, maxval=s, dtype=jnp.float32)
    W_emb_loop = jax.random.uniform(ks[8], (D_IN, D_OUT), minval=-s, maxval=s, dtype=jnp.float32)
    b_emb = jnp.zeros((D_OUT,), dtype=jnp.float32)
    s2 = 1.0 / np.sqrt(2 * D_OUT)
    W_fc = jax.random.uniform(ks[9], (2 * D_OUT, D_OUT), minval=-s2, maxval=s2, dtype=jnp.float32)
    return {"nfeats": nfeats, "edge_index": edge_index, "etypes": etypes, "mask": mask,
            "edge_mask": edge_mask, "efeats": efeats, "W_et": W_et, "W_et_loop": W_et_loop,
            "b_et": b_et, "W_emb": W_emb, "W_emb_loop": W_emb_loop, "b_emb": b_emb, "W_fc": W_fc}


def _rel_graph_conv(feat, src, dst, etypes, norm, W, W_loop, b, n_nodes):
    # DGL RelGraphConv (regularizer=None, bias=True, self_loop=True):
    # msg_e = (feat[src_e] @ W[etype_e]) * norm_e ; h_v = sum_e msg + feat_v @ W_loop + b
    H = jnp.einsum('ni,rio->rno', feat, W)          # per-relation transformed node feats
    msg = H[etypes, src] * norm                      # gather by (relation, src) then scale
    agg = jnp.zeros((n_nodes, W.shape[2]), dtype=feat.dtype).at[dst].add(msg)
    return agg + feat @ W_loop + b


def reference(nfeats, edge_index, etypes, mask, edge_mask, efeats,
              W_et, W_et_loop, b_et, W_emb, W_emb_loop, b_emb, W_fc):
    src = edge_index[0]
    dst = edge_index[1]
    n = nfeats.shape[0]
    # etype_conv on the original graph with etypes and norm=mask
    x_etype = _rel_graph_conv(nfeats, src, dst, etypes, mask, W_et, W_et_loop, b_et, n)
    # first=True: replicate edges with edge_mask==1 once per edge-feature channel.
    # Original edges keep edge_mask as norm and get emb_etype=0 (DGL zero-fills new edata);
    # added copies for channel i get norm=efeats[:, i][mask==1] and emb_etype=i.
    m = (edge_mask == 1.0).astype(edge_mask.dtype)
    src_all = jnp.concatenate([src] + [src] * N_EFEATS)
    dst_all = jnp.concatenate([dst] + [dst] * N_EFEATS)
    et_all = jnp.concatenate([jnp.zeros_like(etypes)] + [jnp.full((src.shape[0],), i, dtype=etypes.dtype) for i in range(N_EFEATS)])
    norm_all = jnp.concatenate([edge_mask] + [efeats[:, i] * m for i in range(N_EFEATS)])[:, None]
    x_emb = _rel_graph_conv(nfeats, src_all, dst_all, et_all, norm_all, W_emb, W_emb_loop, b_emb, n)
    # relation=True: concat then fc (Linear without bias)
    x = jnp.concatenate([x_etype, x_emb], axis=1) @ W_fc
    return x

if __name__ == "__main__":
    import jax
    _d = setup_inputs()
    print(jax.jit(kernel)(*tuple(_d.values())))

</pallas_src>

<mosaic_0001>
#map = affine_map<(d0, d1) -> (0, 0)>
#map1 = affine_map<(d0, d1) -> (0)>
#map2 = affine_map<(d0, d1) -> (0, 0, 0)>
module attributes {stable_mosaic.version = 14 : i64} {
  func.func @_edge_call(%arg0: i32, %arg1: i32, %arg2: memref<120000x128xf32, #tpu.memory_space<hbm>>, %arg3: memref<30000x512xf32, #tpu.memory_space<hbm>>, %arg4: memref<320000xi32, #tpu.memory_space<hbm>>, %arg5: memref<320000xi32, #tpu.memory_space<hbm>>, %arg6: memref<320000xi32, #tpu.memory_space<hbm>>, %arg7: memref<1600000xf32, #tpu.memory_space<hbm>>, %arg8: memref<10000x128xf32, #tpu.memory_space<hbm>>, %arg9: memref<2x10000x128xf32, #tpu.memory_space<hbm>>, %arg10: memref<160xi32, #tpu.memory_space<vmem>>, %arg11: memref<160xi32, #tpu.memory_space<vmem>>, %arg12: memref<160xi32, #tpu.memory_space<vmem>>, %arg13: memref<832xf32, #tpu.memory_space<vmem>>, %arg14: memref<2x16x128xf32, #tpu.memory_space<vmem>>, %arg15: memref<2x16x512xf32, #tpu.memory_space<vmem>>, %arg16: memref<2x16x128xf32, #tpu.memory_space<vmem>>, %arg17: memref<10000x128xf32, #tpu.memory_space<vmem_shared>>, %arg18: memref<!tpu.dma_semaphore, #tpu.memory_space<semaphore_mem>>, %arg19: memref<2x!tpu.dma_semaphore, #tpu.memory_space<semaphore_mem>>, %arg20: memref<2x!tpu.dma_semaphore, #tpu.memory_space<semaphore_mem>>) attributes {dimension_semantics = [#tpu.dimension_semantics<core_parallel>, #tpu.dimension_semantics<subcore_parallel>], iteration_bounds = array<i64: 2, 16>, scalar_prefetch = 0 : i64, scratch_operands = 11 : i64, tpu.core_type = #tpu.core_type<sc_vector_subcore>, window_params = [{transform_indices = #map}, {transform_indices = #map}, {transform_indices = #map1}, {transform_indices = #map1}, {transform_indices = #map1}, {transform_indices = #map1}, {transform_indices = #map}, {transform_indices = #map2}]} {
    %mul3A = arith.constant 16 : i32
    %mul3A_0 = arith.muli %arg0, %mul3A : i32
    %add3A = arith.addi %mul3A_0, %arg1 : i32
    %lt3A = arith.constant 10 : i32
    %lt3A_1 = arith.cmpi slt, %arg1, %lt3A : i32
    %convert_element_type3A = arith.extui %lt3A_1 : i1 to i32
    %cond3A = arith.constant 0 : i32
    %cond3A_2 = arith.cmpi ne, %convert_element_type3A, %cond3A : i32
    scf.if %cond3A_2 {
      %mul3A_144 = arith.constant 1000 : i32
      %mul3A_145 = arith.muli %arg1, %mul3A_144 : i32
      %mul3A_146 = arith.constant 1000 : i32
      %mul3A_147 = arith.muli %arg1, %mul3A_146 : i32
      "tpu.region"() ({
        %run_scoped3A = tpu.sem_alloc : memref<!tpu.dma_semaphore, #tpu.memory_space<semaphore_mem>>
        %dma_start3A_148 = arith.constant 0 : i32
        %dma_start3A_149 = tpu.memref_slice %arg17[%mul3A_147, %dma_start3A_148] : memref<10000x128xf32, #tpu.memory_space<vmem_shared>> -> memref<1000x128xf32, #tpu.memory_space<vmem_shared>>
        %dma_start3A_150 = arith.constant 0 : i32
        %dma_start3A_151 = tpu.memref_slice %arg8[%mul3A_145, %dma_start3A_150] : memref<10000x128xf32, #tpu.memory_space<hbm>> -> memref<1000x128xf32, #tpu.memory_space<hbm>>
        tpu.enqueue_dma source(%dma_start3A_151 : memref<1000x128xf32, #tpu.memory_space<hbm>>) target(%dma_start3A_149 : memref<1000x128xf32, #tpu.memory_space<vmem_shared>>) target_semaphore(%run_scoped3A : memref<!tpu.dma_semaphore, #tpu.memory_space<semaphore_mem>>)
        %dma_wait3A_152 = arith.constant 0 : i32
        %dma_wait3A_153 = tpu.memref_slice %arg17[%mul3A_147, %dma_wait3A_152] : memref<10000x128xf32, #tpu.memory_space<vmem_shared>> -> memref<1000x128xf32, #tpu.memory_space<vmem_shared>>
        %dma_wait3A_154 = arith.constant 0 : i32
        %dma_wait3A_155 = tpu.memref_slice %arg8[%mul3A_145, %dma_wait3A_154] : memref<10000x128xf32, #tpu.memory_space<hbm>> -> memref<1000x128xf32, #tpu.memory_space<hbm>>
        tpu.wait_dma2 semaphore(%run_scoped3A : memref<!tpu.dma_semaphore, #tpu.memory_space<semaphore_mem>>) src(%dma_wait3A_155 : memref<1000x128xf32, #tpu.memory_space<hbm>>) dst(%dma_wait3A_153 : memref<1000x128xf32, #tpu.memory_space<vmem_shared>>)
        tpu.yield
      }) : () -> ()
    } else {
    }
    %barrier3A = arith.constant 0 : index
    tpu.barrier barrier_id(%barrier3A)
    %mul3A_3 = arith.constant 10000 : i32
    %mul3A_4 = arith.muli %add3A, %mul3A_3 : i32
    %add3A_5 = arith.constant 0 : i32
    %add3A_6 = arith.addi %mul3A_4, %add3A_5 : i32
    %dma_start3A = arith.constant 0 : i32
    %dma_start3A_7 = tpu.memref_slice %arg10[%dma_start3A] : memref<160xi32, #tpu.memory_space<vmem>> -> memref<80xi32, #tpu.memory_space<vmem>>
    %dma_start3A_8 = tpu.memref_slice %arg4[%add3A_6] : memref<320000xi32, #tpu.memory_space<hbm>> -> memref<80xi32, #tpu.memory_space<hbm>>
    %dma_start3A_9 = arith.constant 0 : i32
    %dma_start3A_10 = tpu.memref_slice %arg10[%dma_start3A_9] : memref<160xi32, #tpu.memory_space<vmem>> -> memref<80xi32, #tpu.memory_space<vmem>>
    %dma_start3A_11 = tpu.memref_slice %arg4[%add3A_6] : memref<320000xi32, #tpu.memory_space<hbm>> -> memref<80xi32, #tpu.memory_space<hbm>>
    tpu.enqueue_dma source(%dma_start3A_11 : memref<80xi32, #tpu.memory_space<hbm>>) target(%dma_start3A_10 : memref<80xi32, #tpu.memory_space<vmem>>) target_semaphore(%arg18 : memref<!tpu.dma_semaphore, #tpu.memory_space<semaphore_mem>>)
    %dma_start3A_12 = arith.constant 0 : i32
    %dma_start3A_13 = tpu.memref_slice %arg11[%dma_start3A_12] : memref<160xi32, #tpu.memory_space<vmem>> -> memref<80xi32, #tpu.memory_space<vmem>>
    %dma_start3A_14 = tpu.memref_slice %arg5[%add3A_6] : memref<320000xi32, #tpu.memory_space<hbm>> -> memref<80xi32, #tpu.memory_space<hbm>>
    %dma_start3A_15 = arith.constant 0 : i32
    %dma_start3A_16 = tpu.memref_slice %arg11[%dma_start3A_15] : memref<160xi32, #tpu.memory_space<vmem>> -> memref<80xi32, #tpu.memory_space<vmem>>
    %dma_start3A_17 = tpu.memref_slice %arg5[%add3A_6] : memref<320000xi32, #tpu.memory_space<hbm>> -> memref<80xi32, #tpu.memory_space<hbm>>
    tpu.enqueue_dma source(%dma_start3A_17 : memref<80xi32, #tpu.memory_space<hbm>>) target(%dma_start3A_16 : memref<80xi32, #tpu.memory_space<vmem>>) target_semaphore(%arg18 : memref<!tpu.dma_semaphore, #tpu.memory_space<semaphore_mem>>)
    %dma_start3A_18 = arith.constant 0 : i32
    %dma_start3A_19 = tpu.memref_slice %arg12[%dma_start3A_18] : memref<160xi32, #tpu.memory_space<vmem>> -> memref<80xi32, #tpu.memory_space<vmem>>
    %dma_start3A_20 = tpu.memref_slice %arg6[%add3A_6] : memref<320000xi32, #tpu.memory_space<hbm>> -> memref<80xi32, #tpu.memory_space<hbm>>
    %dma_start3A_21 = arith.constant 0 : i32
    %dma_start3A_22 = tpu.memref_slice %arg12[%dma_start3A_21] : memref<160xi32, #tpu.memory_space<vmem>> -> memref<80xi32, #tpu.memory_space<vmem>>
    %dma_start3A_23 = tpu.memref_slice %arg6[%add3A_6] : memref<320000xi32, #tpu.memory_space<hbm>> -> memref<80xi32, #tpu.memory_space<hbm>>
    tpu.enqueue_dma source(%dma_start3A_23 : memref<80xi32, #tpu.memory_space<hbm>>) target(%dma_start3A_22 : memref<80xi32, #tpu.memory_space<vmem>>) target_semaphore(%arg18 : memref<!tpu.dma_semaphore, #tpu.memory_space<semaphore_mem>>)
    %mul3A_24 = arith.constant 5 : i32
    %mul3A_25 = arith.muli %add3A_6, %mul3A_24 : i32
    %dma_start3A_26 = arith.constant 0 : i32
    %dma_start3A_27 = tpu.memref_slice %arg13[%dma_start3A_26] : memref<832xf32, #tpu.memory_space<vmem>> -> memref<400xf32, #tpu.memory_space<vmem>>
    %dma_start3A_28 = tpu.memref_slice %arg7[%mul3A_25] : memref<1600000xf32, #tpu.memory_space<hbm>> -> memref<400xf32, #tpu.memory_space<hbm>>
    %dma_start3A_29 = arith.constant 0 : i32
    %dma_start3A_30 = tpu.memref_slice %arg13[%dma_start3A_29] : memref<832xf32, #tpu.memory_space<vmem>> -> memref<400xf32, #tpu.memory_space<vmem>>
    %dma_start3A_31 = tpu.memref_slice %arg7[%mul3A_25] : memref<1600000xf32, #tpu.memory_space<hbm>> -> memref<400xf32, #tpu.memory_space<hbm>>
    tpu.enqueue_dma source(%dma_start3A_31 : memref<400xf32, #tpu.memory_space<hbm>>) target(%dma_start3A_30 : memref<400xf32, #tpu.memory_space<vmem>>) target_semaphore(%arg18 : memref<!tpu.dma_semaphore, #tpu.memory_space<semaphore_mem>>)
    %dma_wait3A = arith.constant 0 : i32
    %dma_wait3A_32 = tpu.memref_slice %arg10[%dma_wait3A] : memref<160xi32, #tpu.memory_space<vmem>> -> memref<80xi32, #tpu.memory_space<vmem>>
    %dma_wait3A_33 = arith.constant 0 : i32
    %dma_wait3A_34 = tpu.memref_slice %arg4[%dma_wait3A_33] : memref<320000xi32, #tpu.memory_space<hbm>> -> memref<80xi32, #tpu.memory_space<hbm>>
    %dma_wait3A_35 = arith.constant 0 : i32
    %dma_wait3A_36 = tpu.memref_slice %arg10[%dma_wait3A_35] : memref<160xi32, #tpu.memory_space<vmem>> -> memref<80xi32, #tpu.memory_space<vmem>>
    %dma_wait3A_37 = arith.constant 0 : i32
    %dma_wait3A_38 = tpu.memref_slice %arg4[%dma_wait3A_37] : memref<320000xi32, #tpu.memory_space<hbm>> -> memref<80xi32, #tpu.memory_space<hbm>>
    tpu.wait_dma2 semaphore(%arg18 : memref<!tpu.dma_semaphore, #tpu.memory_space<semaphore_mem>>) src(%dma_wait3A_38 : memref<80xi32, #tpu.memory_space<hbm>>) dst(%dma_wait3A_36 : memref<80xi32, #tpu.memory_space<vmem>>)
    %dma_wait3A_39 = arith.constant 0 : i32
    %dma_wait3A_40 = tpu.memref_slice %arg11[%dma_wait3A_39] : memref<160xi32, #tpu.memory_space<vmem>> -> memref<80xi32, #tpu.memory_space<vmem>>
    %dma_wait3A_41 = arith.constant 0 : i32
    %dma_wait3A_42 = tpu.memref_slice %arg5[%dma_wait3A_41] : memref<320000xi32, #tpu.memory_space<hbm>> -> memref<80xi32, #tpu.memory_space<hbm>>
    %dma_wait3A_43 = arith.constant 0 : i32
    %dma_wait3A_44 = tpu.memref_slice %arg11[%dma_wait3A_43] : memref<160xi32, #tpu.memory_space<vmem>> -> memref<80xi32, #tpu.memory_space<vmem>>
    %dma_wait3A_45 = arith.constant 0 : i32
    %dma_wait3A_46 = tpu.memref_slice %arg5[%dma_wait3A_45] : memref<320000xi32, #tpu.memory_space<hbm>> -> memref<80xi32, #tpu.memory_space<hbm>>
    tpu.wait_dma2 semaphore(%arg18 : memref<!tpu.dma_semaphore, #tpu.memory_space<semaphore_mem>>) src(%dma_wait3A_46 : memref<80xi32, #tpu.memory_space<hbm>>) dst(%dma_wait3A_44 : memref<80xi32, #tpu.memory_space<vmem>>)
    %dma_wait3A_47 = arith.constant 0 : i32
    %dma_wait3A_48 = tpu.memref_slice %arg12[%dma_wait3A_47] : memref<160xi32, #tpu.memory_space<vmem>> -> memref<80xi32, #tpu.memory_space<vmem>>
    %dma_wait3A_49 = arith.constant 0 : i32
    %dma_wait3A_50 = tpu.memref_slice %arg6[%dma_wait3A_49] : memref<320000xi32, #tpu.memory_space<hbm>> -> memref<80xi32, #tpu.memory_space<hbm>>
    %dma_wait3A_51 = arith.constant 0 : i32
    %dma_wait3A_52 = tpu.memref_slice %arg12[%dma_wait3A_51] : memref<160xi32, #tpu.memory_space<vmem>> -> memref<80xi32, #tpu.memory_space<vmem>>
    %dma_wait3A_53 = arith.constant 0 : i32
    %dma_wait3A_54 = tpu.memref_slice %arg6[%dma_wait3A_53] : memref<320000xi32, #tpu.memory_space<hbm>> -> memref<80xi32, #tpu.memory_space<hbm>>
    tpu.wait_dma2 semaphore(%arg18 : memref<!tpu.dma_semaphore, #tpu.memory_space<semaphore_mem>>) src(%dma_wait3A_54 : memref<80xi32, #tpu.memory_space<hbm>>) dst(%dma_wait3A_52 : memref<80xi32, #tpu.memory_space<vmem>>)
    %dma_wait3A_55 = arith.constant 0 : i32
    %dma_wait3A_56 = tpu.memref_slice %arg13[%dma_wait3A_55] : memref<832xf32, #tpu.memory_space<vmem>> -> memref<400xf32, #tpu.memory_space<vmem>>
    %dma_wait3A_57 = arith.constant 0 : i32
    %dma_wait3A_58 = tpu.memref_slice %arg7[%dma_wait3A_57] : memref<1600000xf32, #tpu.memory_space<hbm>> -> memref<400xf32, #tpu.memory_space<hbm>>
    %dma_wait3A_59 = arith.constant 0 : i32
    %dma_wait3A_60 = tpu.memref_slice %arg13[%dma_wait3A_59] : memref<832xf32, #tpu.memory_space<vmem>> -> memref<400xf32, #tpu.memory_space<vmem>>
    %dma_wait3A_61 = arith.constant 0 : i32
    %dma_wait3A_62 = tpu.memref_slice %arg7[%dma_wait3A_61] : memref<1600000xf32, #tpu.memory_space<hbm>> -> memref<400xf32, #tpu.memory_space<hbm>>
    tpu.wait_dma2 semaphore(%arg18 : memref<!tpu.dma_semaphore, #tpu.memory_space<semaphore_mem>>) src(%dma_wait3A_62 : memref<400xf32, #tpu.memory_space<hbm>>) dst(%dma_wait3A_60 : memref<400xf32, #tpu.memory_space<vmem>>)
    %rem3A = arith.constant 0 : i32
    %rem3A_63 = arith.constant 2 : i32
    %rem3A_64 = arith.remsi %rem3A, %rem3A_63 : i32
    %rem3A_65 = arith.constant 0 : i32
    %rem3A_66 = arith.constant 2 : i32
    %rem3A_67 = arith.remsi %rem3A_65, %rem3A_66 : i32
    %mul3A_68 = arith.constant 80 : i32
    %mul3A_69 = arith.muli %rem3A_67, %mul3A_68 : i32
    %rem3A_70 = arith.constant 0 : i32
    %rem3A_71 = arith.constant 5 : i32
    %rem3A_72 = arith.remsi %rem3A_70, %rem3A_71 : i32
    %mul3A_73 = arith.constant 16 : i32
    %mul3A_74 = arith.muli %rem3A_72, %mul3A_73 : i32
    %add3A_75 = arith.addi %mul3A_69, %mul3A_74 : i32
    %get3A = arith.index_cast %add3A_75 : i32 to index
    %get3A_76 = tpu.vector_load %arg10[%get3A] {strides = array<i32>} : memref<160xi32, #tpu.memory_space<vmem>>, vector<16xi32>,
    %get3A_77 = arith.index_cast %add3A_75 : i32 to index
    %get3A_78 = tpu.vector_load %arg11[%get3A_77] {strides = array<i32>} : memref<160xi32, #tpu.memory_space<vmem>>, vector<16xi32>,
    %dma_start3A_79 = arith.constant 0 : i32
    %dma_start3A_80 = arith.constant 0 : i32
    %dma_start3A_81 = tpu.memref_slice %arg14[%rem3A_64, %dma_start3A_79, %dma_start3A_80] : memref<2x16x128xf32, #tpu.memory_space<vmem>> -> memref<1x16x128xf32, #tpu.memory_space<vmem>>
    %dma_start3A_82 = tpu.memref_squeeze %dma_start3A_81 : memref<1x16x128xf32, #tpu.memory_space<vmem>> -> memref<16x128xf32, #tpu.memory_space<vmem>>
    %dma_start3A_83 = arith.constant 0 : i32
    %dma_start3A_84 = arith.constant 0 : i32
    %dma_start3A_85 = tpu.memref_slice %arg2[%dma_start3A_83, %dma_start3A_84] : memref<120000x128xf32, #tpu.memory_space<hbm>> -> memref<120000x128xf32, #tpu.memory_space<hbm>>
    %dma_start3A_86 = tpu.memref_slice %arg19[%rem3A_64] : memref<2x!tpu.dma_semaphore, #tpu.memory_space<semaphore_mem>> -> memref<1x!tpu.dma_semaphore, #tpu.memory_space<semaphore_mem>>
    %dma_start3A_87 = tpu.memref_squeeze %dma_start3A_86 : memref<1x!tpu.dma_semaphore, #tpu.memory_space<semaphore_mem>> -> memref<!tpu.dma_semaphore, #tpu.memory_space<semaphore_mem>>
    tpu.enqueue_indirect_dma source(%dma_start3A_85 : memref<120000x128xf32, #tpu.memory_space<hbm>>) target(%dma_start3A_82 : memref<16x128xf32, #tpu.memory_space<vmem>>) offsets(%get3A_76 : vector<16xi32>) semaphore(%dma_start3A_87 : memref<!tpu.dma_semaphore, #tpu.memory_space<semaphore_mem>>)
    %dma_start3A_88 = arith.constant 0 : i32
    %dma_start3A_89 = arith.constant 0 : i32
    %dma_start3A_90 = tpu.memref_slice %arg15[%rem3A_64, %dma_start3A_88, %dma_start3A_89] : memref<2x16x512xf32, #tpu.memory_space<vmem>> -> memref<1x16x512xf32, #tpu.memory_space<vmem>>
    %dma_start3A_91 = tpu.memref_squeeze %dma_start3A_90 : memref<1x16x512xf32, #tpu.memory_space<vmem>> -> memref<16x512xf32, #tpu.memory_space<vmem>>
    %dma_start3A_92 = arith.constant 0 : i32
    %dma_start3A_93 = arith.constant 0 : i32
    %dma_start3A_94 = tpu.memref_slice %arg3[%dma_start3A_92, %dma_start3A_93] : memref<30000x512xf32, #tpu.memory_space<hbm>> -> memref<30000x512xf32, #tpu.memory_space<hbm>>
    %dma_start3A_95 = tpu.memref_slice %arg19[%rem3A_64] : memref<2x!tpu.dma_semaphore, #tpu.memory_space<semaphore_mem>> -> memref<1x!tpu.dma_semaphore, #tpu.memory_space<semaphore_mem>>
    %dma_start3A_96 = tpu.memref_squeeze %dma_start3A_95 : memref<1x!tpu.dma_semaphore, #tpu.memory_space<semaphore_mem>> -> memref<!tpu.dma_semaphore, #tpu.memory_space<semaphore_mem>>
    tpu.enqueue_indirect_dma source(%dma_start3A_94 : memref<30000x512xf32, #tpu.memory_space<hbm>>) target(%dma_start3A_91 : memref<16x512xf32, #tpu.memory_space<vmem>>) offsets(%get3A_78 : vector<16xi32>) semaphore(%dma_start3A_96 : memref<!tpu.dma_semaphore, #tpu.memory_space<semaphore_mem>>)
    %scan3A = arith.constant 0 : i32
    %scan3A_97 = arith.constant 0 : i32
    %scan3A_98 = arith.constant 625 : i32
    %scan3A_99 = arith.addi %scan3A_97, %scan3A_98 : i32
    %scan3A_100 = arith.constant 1 : i32
    scf.for %scan3A_144 = %scan3A_97 to %scan3A_99 step %scan3A_100  : i32 {
      %add3A_145 = arith.constant 1 : i32
      %add3A_146 = arith.addi %scan3A_144, %add3A_145 : i32
      %rem3A_147 = arith.constant 2 : i32
      %rem3A_148 = arith.remsi %scan3A_144, %rem3A_147 : i32
      %jit3A = arith.constant 5 : i32
      %div3A = arith.divsi %scan3A_144, %jit3A : i32
      %sign3A = arith.constant 0 : i32
      %sign3A_149 = arith.cmpi sgt, %scan3A_144, %sign3A : i32
      %sign3A_150 = arith.extui %sign3A_149 : i1 to i32
      %sign3A_151 = arith.constant 0 : i32
      %sign3A_152 = arith.cmpi slt, %scan3A_144, %sign3A_151 : i32
      %sign3A_153 = arith.extui %sign3A_152 : i1 to i32
      %sign3A_154 = arith.subi %sign3A_150, %sign3A_153 : i32
      %sign3A_155 = arith.constant 0 : i32
      %sign3A_156 = arith.cmpi sgt, %jit3A, %sign3A_155 : i32
      %sign3A_157 = arith.extui %sign3A_156 : i1 to i32
      %sign3A_158 = arith.constant 0 : i32
      %sign3A_159 = arith.cmpi slt, %jit3A, %sign3A_158 : i32
      %sign3A_160 = arith.extui %sign3A_159 : i1 to i32
      %sign3A_161 = arith.subi %sign3A_157, %sign3A_160 : i32
      %ne3A = arith.cmpi ne, %sign3A_154, %sign3A_161 : i32
      %rem3A_162 = arith.remsi %scan3A_144, %jit3A : i32
      %ne3A_163 = arith.constant 0 : i32
      %ne3A_164 = arith.cmpi ne, %rem3A_162, %ne3A_163 : i32
      %and3A = arith.andi %ne3A, %ne3A_164 : i1
      %sub3A = arith.constant 1 : i32
      %sub3A_165 = arith.subi %div3A, %sub3A : i32
      %select_n3A = arith.select %and3A, %sub3A_165, %div3A : i32
      %rem3A_166 = arith.constant 2 : i32
      %rem3A_167 = arith.remsi %select_n3A, %rem3A_166 : i32
      %rem3A_168 = arith.constant 5 : i32
      %rem3A_169 = arith.remsi %scan3A_144, %rem3A_168 : i32
      %mul3A_170 = arith.constant 416 : i32
      %mul3A_171 = arith.muli %rem3A_167, %mul3A_170 : i32
      %mul3A_172 = arith.constant 80 : i32
      %mul3A_173 = arith.muli %rem3A_169, %mul3A_172 : i32
      %add3A_174 = arith.addi %mul3A_171, %mul3A_173 : i32
      %lt3A_175 = arith.constant 625 : i32
      %lt3A_176 = arith.cmpi slt, %add3A_146, %lt3A_175 : i32
      %rem3A_177 = arith.constant 5 : i32
      %rem3A_178 = arith.remsi %add3A_146, %rem3A_177 : i32
      %eq3A = arith.constant 0 : i32
      %eq3A_179 = arith.cmpi eq, %rem3A_178, %eq3A : i32
      %and3A_180 = arith.andi %lt3A_176, %eq3A_179 : i1
      %convert_element_type3A_181 = arith.extui %and3A_180 : i1 to i32
      %cond3A_182 = arith.constant 0 : i32
      %cond3A_183 = arith.cmpi ne, %convert_element_type3A_181, %cond3A_182 : i32
      scf.if %cond3A_183 {
        %jit3A_283 = arith.constant 5 : i32
        %div3A_284 = arith.divsi %add3A_146, %jit3A_283 : i32
        %sign3A_285 = arith.constant 0 : i32
        %sign3A_286 = arith.cmpi sgt, %add3A_146, %sign3A_285 : i32
        %sign3A_287 = arith.extui %sign3A_286 : i1 to i32
        %sign3A_288 = arith.constant 0 : i32
        %sign3A_289 = arith.cmpi slt, %add3A_146, %sign3A_288 : i32
        %sign3A_290 = arith.extui %sign3A_289 : i1 to i32
        %sign3A_291 = arith.subi %sign3A_287, %sign3A_290 : i32
        %sign3A_292 = arith.constant 0 : i32
        %sign3A_293 = arith.cmpi sgt, %jit3A_283, %sign3A_292 : i32
        %sign3A_294 = arith.extui %sign3A_293 : i1 to i32
        %sign3A_295 = arith.constant 0 : i32
        %sign3A_296 = arith.cmpi slt, %jit3A_283, %sign3A_295 : i32
        %sign3A_297 = arith.extui %sign3A_296 : i1 to i32
        %sign3A_298 = arith.subi %sign3A_294, %sign3A_297 : i32
        %ne3A_299 = arith.cmpi ne, %sign3A_291, %sign3A_298 : i32
        %rem3A_300 = arith.remsi %add3A_146, %jit3A_283 : i32
        %ne3A_301 = arith.constant 0 : i32
        %ne3A_302 = arith.cmpi ne, %rem3A_300, %ne3A_301 : i32
        %and3A_303 = arith.andi %ne3A_299, %ne3A_302 : i1
        %sub3A_304 = arith.constant 1 : i32
        %sub3A_305 = arith.subi %div3A_284, %sub3A_304 : i32
        %select_n3A_306 = arith.select %and3A_303, %sub3A_305, %div3A_284 : i32
        %rem3A_307 = arith.constant 2 : i32
        %rem3A_308 = arith.remsi %select_n3A_306, %rem3A_307 : i32
        %mul3A_309 = arith.constant 80 : i32
        %mul3A_310 = arith.muli %rem3A_308, %mul3A_309 : i32
        %dma_wait3A_311 = tpu.memref_slice %arg10[%mul3A_310] : memref<160xi32, #tpu.memory_space<vmem>> -> memref<80xi32, #tpu.memory_space<vmem>>
        %dma_wait3A_312 = arith.constant 0 : i32
        %dma_wait3A_313 = tpu.memref_slice %arg4[%dma_wait3A_312] : memref<320000xi32, #tpu.memory_space<hbm>> -> memref<80xi32, #tpu.memory_space<hbm>>
        %dma_wait3A_314 = tpu.memref_slice %arg10[%mul3A_310] : memref<160xi32, #tpu.memory_space<vmem>> -> memref<80xi32, #tpu.memory_space<vmem>>
        %dma_wait3A_315 = arith.constant 0 : i32
        %dma_wait3A_316 = tpu.memref_slice %arg4[%dma_wait3A_315] : memref<320000xi32, #tpu.memory_space<hbm>> -> memref<80xi32, #tpu.memory_space<hbm>>
        tpu.wait_dma2 semaphore(%arg18 : memref<!tpu.dma_semaphore, #tpu.memory_space<semaphore_mem>>) src(%dma_wait3A_316 : memref<80xi32, #tpu.memory_space<hbm>>) dst(%dma_wait3A_314 : memref<80xi32, #tpu.memory_space<vmem>>)
        %mul3A_317 = arith.constant 80 : i32
        %mul3A_318 = arith.muli %rem3A_308, %mul3A_317 : i32
        %dma_wait3A_319 = tpu.memref_slice %arg11[%mul3A_318] : memref<160xi32, #tpu.memory_space<vmem>> -> memref<80xi32, #tpu.memory_space<vmem>>
        %dma_wait3A_320 = arith.constant 0 : i32
        %dma_wait3A_321 = tpu.memref_slice %arg5[%dma_wait3A_320] : memref<320000xi32, #tpu.memory_space<hbm>> -> memref<80xi32, #tpu.memory_space<hbm>>
        %dma_wait3A_322 = tpu.memref_slice %arg11[%mul3A_318] : memref<160xi32, #tpu.memory_space<vmem>> -> memref<80xi32, #tpu.memory_space<vmem>>
        %dma_wait3A_323 = arith.constant 0 : i32
        %dma_wait3A_324 = tpu.memref_slice %arg5[%dma_wait3A_323] : memref<320000xi32, #tpu.memory_space<hbm>> -> memref<80xi32, #tpu.memory_space<hbm>>
        tpu.wait_dma2 semaphore(%arg18 : memref<!tpu.dma_semaphore, #tpu.memory_space<semaphore_mem>>) src(%dma_wait3A_324 : memref<80xi32, #tpu.memory_space<hbm>>) dst(%dma_wait3A_322 : memref<80xi32, #tpu.memory_space<vmem>>)
        %mul3A_325 = arith.constant 80 : i32
        %mul3A_326 = arith.muli %rem3A_308, %mul3A_325 : i32
        %dma_wait3A_327 = tpu.memref_slice %arg12[%mul3A_326] : memref<160xi32, #tpu.memory_space<vmem>> -> memref<80xi32, #tpu.memory_space<vmem>>
        %dma_wait3A_328 = arith.constant 0 : i32
        %dma_wait3A_329 = tpu.memref_slice %arg6[%dma_wait3A_328] : memref<320000xi32, #tpu.memory_space<hbm>> -> memref<80xi32, #tpu.memory_space<hbm>>
        %dma_wait3A_330 = tpu.memref_slice %arg12[%mul3A_326] : memref<160xi32, #tpu.memory_space<vmem>> -> memref<80xi32, #tpu.memory_space<vmem>>
        %dma_wait3A_331 = arith.constant 0 : i32
        %dma_wait3A_332 = tpu.memref_slice %arg6[%dma_wait3A_331] : memref<320000xi32, #tpu.memory_space<hbm>> -> memref<80xi32, #tpu.memory_space<hbm>>
        tpu.wait_dma2 semaphore(%arg18 : memref<!tpu.dma_semaphore, #tpu.memory_space<semaphore_mem>>) src(%dma_wait3A_332 : memref<80xi32, #tpu.memory_space<hbm>>) dst(%dma_wait3A_330 : memref<80xi32, #tpu.memory_space<vmem>>)
        %mul3A_333 = arith.constant 416 : i32
        %mul3A_334 = arith.muli %rem3A_308, %mul3A_333 : i32
        %dma_wait3A_335 = tpu.memref_slice %arg13[%mul3A_334] : memref<832xf32, #tpu.memory_space<vmem>> -> memref<400xf32, #tpu.memory_space<vmem>>
        %dma_wait3A_336 = arith.constant 0 : i32
        %dma_wait3A_337 = tpu.memref_slice %arg7[%dma_wait3A_336] : memref<1600000xf32, #tpu.memory_space<hbm>> -> memref<400xf32, #tpu.memory_space<hbm>>
        %dma_wait3A_338 = tpu.memref_slice %arg13[%mul3A_334] : memref<832xf32, #tpu.memory_space<vmem>> -> memref<400xf32, #tpu.memory_space<vmem>>
        %dma_wait3A_339 = arith.constant 0 : i32
        %dma_wait3A_340 = tpu.memref_slice %arg7[%dma_wait3A_339] : memref<1600000xf32, #tpu.memory_space<hbm>> -> memref<400xf32, #tpu.memory_space<hbm>>
        tpu.wait_dma2 semaphore(%arg18 : memref<!tpu.dma_semaphore, #tpu.memory_space<semaphore_mem>>) src(%dma_wait3A_340 : memref<400xf32, #tpu.memory_space<hbm>>) dst(%dma_wait3A_338 : memref<400xf32, #tpu.memory_space<vmem>>)
      } else {
      }
      %lt3A_184 = arith.constant 625 : i32
      %lt3A_185 = arith.cmpi slt, %add3A_146, %lt3A_184 : i32
      %convert_element_type3A_186 = arith.extui %lt3A_185 : i1 to i32
      %cond3A_187 = arith.constant 0 : i32
      %cond3A_188 = arith.cmpi ne, %convert_element_type3A_186, %cond3A_187 : i32
      scf.if %cond3A_188 {
        %rem3A_283 = arith.constant 2 : i32
        %rem3A_284 = arith.remsi %add3A_146, %rem3A_283 : i32
        %jit3A_285 = arith.constant 5 : i32
        %div3A_286 = arith.divsi %add3A_146, %jit3A_285 : i32
        %sign3A_287 = arith.constant 0 : i32
        %sign3A_288 = arith.cmpi sgt, %add3A_146, %sign3A_287 : i32
        %sign3A_289 = arith.extui %sign3A_288 : i1 to i32
        %sign3A_290 = arith.constant 0 : i32
        %sign3A_291 = arith.cmpi slt, %add3A_146, %sign3A_290 : i32
        %sign3A_292 = arith.extui %sign3A_291 : i1 to i32
        %sign3A_293 = arith.subi %sign3A_289, %sign3A_292 : i32
        %sign3A_294 = arith.constant 0 : i32
        %sign3A_295 = arith.cmpi sgt, %jit3A_285, %sign3A_294 : i32
        %sign3A_296 = arith.extui %sign3A_295 : i1 to i32
        %sign3A_297 = arith.constant 0 : i32
        %sign3A_298 = arith.cmpi slt, %jit3A_285, %sign3A_297 : i32
        %sign3A_299 = arith.extui %sign3A_298 : i1 to i32
        %sign3A_300 = arith.subi %sign3A_296, %sign3A_299 : i32
        %ne3A_301 = arith.cmpi ne, %sign3A_293, %sign3A_300 : i32
        %rem3A_302 = arith.remsi %add3A_146, %jit3A_285 : i32
        %ne3A_303 = arith.constant 0 : i32
        %ne3A_304 = arith.cmpi ne, %rem3A_302, %ne3A_303 : i32
        %and3A_305 = arith.andi %ne3A_301, %ne3A_304 : i1
        %sub3A_306 = arith.constant 1 : i32
        %sub3A_307 = arith.subi %div3A_286, %sub3A_306 : i32
        %select_n3A_308 = arith.select %and3A_305, %sub3A_307, %div3A_286 : i32
        %rem3A_309 = arith.constant 2 : i32
        %rem3A_310 = arith.remsi %select_n3A_308, %rem3A_309 : i32
        %mul3A_311 = arith.constant 80 : i32
        %mul3A_312 = arith.muli %rem3A_310, %mul3A_311 : i32
        %rem3A_313 = arith.constant 5 : i32
        %rem3A_314 = arith.remsi %add3A_146, %rem3A_313 : i32
        %mul3A_315 = arith.constant 16 : i32
        %mul3A_316 = arith.muli %rem3A_314, %mul3A_315 : i32
        %add3A_317 = arith.addi %mul3A_312, %mul3A_316 : i32
        %get3A_318 = arith.index_cast %add3A_317 : i32 to index
        %get3A_319 = tpu.vector_load %arg10[%get3A_318] {strides = array<i32>} : memref<160xi32, #tpu.memory_space<vmem>>, vector<16xi32>,
        %get3A_320 = arith.index_cast %add3A_317 : i32 to index
        %get3A_321 = tpu.vector_load %arg11[%get3A_320] {strides = array<i32>} : memref<160xi32, #tpu.memory_space<vmem>>, vector<16xi32>,
        %dma_start3A_322 = arith.constant 0 : i32
        %dma_start3A_323 = arith.constant 0 : i32
        %dma_start3A_324 = tpu.memref_slice %arg14[%rem3A_284, %dma_start3A_322, %dma_start3A_323] : memref<2x16x128xf32, #tpu.memory_space<vmem>> -> memref<1x16x128xf32, #tpu.memory_space<vmem>>
        %dma_start3A_325 = tpu.memref_squeeze %dma_start3A_324 : memref<1x16x128xf32, #tpu.memory_space<vmem>> -> memref<16x128xf32, #tpu.memory_space<vmem>>
        %dma_start3A_326 = arith.constant 0 : i32
        %dma_start3A_327 = arith.constant 0 : i32
        %dma_start3A_328 = tpu.memref_slice %arg2[%dma_start3A_326, %dma_start3A_327] : memref<120000x128xf32, #tpu.memory_space<hbm>> -> memref<120000x128xf32, #tpu.memory_space<hbm>>
        %dma_start3A_329 = tpu.memref_slice %arg19[%rem3A_284] : memref<2x!tpu.dma_semaphore, #tpu.memory_space<semaphore_mem>> -> memref<1x!tpu.dma_semaphore, #tpu.memory_space<semaphore_mem>>
        %dma_start3A_330 = tpu.memref_squeeze %dma_start3A_329 : memref<1x!tpu.dma_semaphore, #tpu.memory_space<semaphore_mem>> -> memref<!tpu.dma_semaphore, #tpu.memory_space<semaphore_mem>>
        tpu.enqueue_indirect_dma source(%dma_start3A_328 : memref<120000x128xf32, #tpu.memory_space<hbm>>) target(%dma_start3A_325 : memref<16x128xf32, #tpu.memory_space<vmem>>) offsets(%get3A_319 : vector<16xi32>) semaphore(%dma_start3A_330 : memref<!tpu.dma_semaphore, #tpu.memory_space<semaphore_mem>>)
        %dma_start3A_331 = arith.constant 0 : i32
        %dma_start3A_332 = arith.constant 0 : i32
        %dma_start3A_333 = tpu.memref_slice %arg15[%rem3A_284, %dma_start3A_331, %dma_start3A_332] : memref<2x16x512xf32, #tpu.memory_space<vmem>> -> memref<1x16x512xf32, #tpu.memory_space<vmem>>
        %dma_start3A_334 = tpu.memref_squeeze %dma_start3A_333 : memref<1x16x512xf32, #tpu.memory_space<vmem>> -> memref<16x512xf32, #tpu.memory_space<vmem>>
        %dma_start3A_335 = arith.constant 0 : i32
        %dma_start3A_336 = arith.constant 0 : i32
        %dma_start3A_337 = tpu.memref_slice %arg3[%dma_start3A_335, %dma_start3A_336] : memref<30000x512xf32, #tpu.memory_space<hbm>> -> memref<30000x512xf32, #tpu.memory_space<hbm>>
        %dma_start3A_338 = tpu.memref_slice %arg19[%rem3A_284] : memref<2x!tpu.dma_semaphore, #tpu.memory_space<semaphore_mem>> -> memref<1x!tpu.dma_semaphore, #tpu.memory_space<semaphore_mem>>
        %dma_start3A_339 = tpu.memref_squeeze %dma_start3A_338 : memref<1x!tpu.dma_semaphore, #tpu.memory_space<semaphore_mem>> -> memref<!tpu.dma_semaphore, #tpu.memory_space<semaphore_mem>>
        tpu.enqueue_indirect_dma source(%dma_start3A_337 : memref<30000x512xf32, #tpu.memory_space<hbm>>) target(%dma_start3A_334 : memref<16x512xf32, #tpu.memory_space<vmem>>) offsets(%get3A_321 : vector<16xi32>) semaphore(%dma_start3A_339 : memref<!tpu.dma_semaphore, #tpu.memory_space<semaphore_mem>>)
      } else {
      }
      %dma_wait3A_189 = arith.constant 0 : i32
      %dma_wait3A_190 = arith.constant 0 : i32
      %dma_wait3A_191 = tpu.memref_slice %arg14[%rem3A_148, %dma_wait3A_189, %dma_wait3A_190] : memref<2x16x128xf32, #tpu.memory_space<vmem>> -> memref<1x16x128xf32, #tpu.memory_space<vmem>>
      %dma_wait3A_192 = tpu.memref_squeeze %dma_wait3A_191 : memref<1x16x128xf32, #tpu.memory_space<vmem>> -> memref<16x128xf32, #tpu.memory_space<vmem>>
      %dma_wait3A_193 = arith.constant 0 : i32
      %dma_wait3A_194 = arith.constant 0 : i32
      %dma_wait3A_195 = tpu.memref_slice %arg2[%dma_wait3A_193, %dma_wait3A_194] : memref<120000x128xf32, #tpu.memory_space<hbm>> -> memref<16x128xf32, #tpu.memory_space<hbm>>
      %dma_wait3A_196 = tpu.memref_slice %arg19[%rem3A_148] : memref<2x!tpu.dma_semaphore, #tpu.memory_space<semaphore_mem>> -> memref<1x!tpu.dma_semaphore, #tpu.memory_space<semaphore_mem>>
      %dma_wait3A_197 = tpu.memref_squeeze %dma_wait3A_196 : memref<1x!tpu.dma_semaphore, #tpu.memory_space<semaphore_mem>> -> memref<!tpu.dma_semaphore, #tpu.memory_space<semaphore_mem>>
      %dma_wait3A_198 = arith.constant 0 : i32
      %dma_wait3A_199 = arith.constant 0 : i32
      %dma_wait3A_200 = tpu.memref_slice %arg14[%rem3A_148, %dma_wait3A_198, %dma_wait3A_199] : memref<2x16x128xf32, #tpu.memory_space<vmem>> -> memref<1x16x128xf32, #tpu.memory_space<vmem>>
      %dma_wait3A_201 = tpu.memref_squeeze %dma_wait3A_200 : memref<1x16x128xf32, #tpu.memory_space<vmem>> -> memref<16x128xf32, #tpu.memory_space<vmem>>
      %dma_wait3A_202 = arith.constant 0 : i32
      %dma_wait3A_203 = arith.constant 0 : i32
      %dma_wait3A_204 = tpu.memref_slice %arg2[%dma_wait3A_202, %dma_wait3A_203] : memref<120000x128xf32, #tpu.memory_space<hbm>> -> memref<16x128xf32, #tpu.memory_space<hbm>>
      tpu.wait_dma2 semaphore(%dma_wait3A_197 : memref<!tpu.dma_semaphore, #tpu.memory_space<semaphore_mem>>) src(%dma_wait3A_204 : memref<16x128xf32, #tpu.memory_space<hbm>>) dst(%dma_wait3A_201 : memref<16x128xf32, #tpu.memory_space<vmem>>)
      %dma_wait3A_205 = arith.constant 0 : i32
      %dma_wait3A_206 = arith.constant 0 : i32
      %dma_wait3A_207 = tpu.memref_slice %arg15[%rem3A_148, %dma_wait3A_205, %dma_wait3A_206] : memref<2x16x512xf32, #tpu.memory_space<vmem>> -> memref<1x16x512xf32, #tpu.memory_space<vmem>>
      %dma_wait3A_208 = tpu.memref_squeeze %dma_wait3A_207 : memref<1x16x512xf32, #tpu.memory_space<vmem>> -> memref<16x512xf32, #tpu.memory_space<vmem>>
      %dma_wait3A_209 = arith.constant 0 : i32
      %dma_wait3A_210 = arith.constant 0 : i32
      %dma_wait3A_211 = tpu.memref_slice %arg3[%dma_wait3A_209, %dma_wait3A_210] : memref<30000x512xf32, #tpu.memory_space<hbm>> -> memref<16x512xf32, #tpu.memory_space<hbm>>
      %dma_wait3A_212 = tpu.memref_slice %arg19[%rem3A_148] : memref<2x!tpu.dma_semaphore, #tpu.memory_space<semaphore_mem>> -> memref<1x!tpu.dma_semaphore, #tpu.memory_space<semaphore_mem>>
      %dma_wait3A_213 = tpu.memref_squeeze %dma_wait3A_212 : memref<1x!tpu.dma_semaphore, #tpu.memory_space<semaphore_mem>> -> memref<!tpu.dma_semaphore, #tpu.memory_space<semaphore_mem>>
      %dma_wait3A_214 = arith.constant 0 : i32
      %dma_wait3A_215 = arith.constant 0 : i32
      %dma_wait3A_216 = tpu.memref_slice %arg15[%rem3A_148, %dma_wait3A_214, %dma_wait3A_215] : memref<2x16x512xf32, #tpu.memory_space<vmem>> -> memref<1x16x512xf32, #tpu.memory_space<vmem>>
      %dma_wait3A_217 = tpu.memref_squeeze %dma_wait3A_216 : memref<1x16x512xf32, #tpu.memory_space<vmem>> -> memref<16x512xf32, #tpu.memory_space<vmem>>
      %dma_wait3A_218 = arith.constant 0 : i32
      %dma_wait3A_219 = arith.constant 0 : i32
      %dma_wait3A_220 = tpu.memref_slice %arg3[%dma_wait3A_218, %dma_wait3A_219] : memref<30000x512xf32, #tpu.memory_space<hbm>> -> memref<16x512xf32, #tpu.memory_space<hbm>>
      tpu.wait_dma2 semaphore(%dma_wait3A_213 : memref<!tpu.dma_semaphore, #tpu.memory_space<semaphore_mem>>) src(%dma_wait3A_220 : memref<16x512xf32, #tpu.memory_space<hbm>>) dst(%dma_wait3A_217 : memref<16x512xf32, #tpu.memory_space<vmem>>)
      %ge3A = arith.constant 2 : i32
      %ge3A_221 = arith.cmpi sge, %scan3A_144, %ge3A : i32
      %convert_element_type3A_222 = arith.extui %ge3A_221 : i1 to i32
      %cond3A_223 = arith.constant 0 : i32
      %cond3A_224 = arith.cmpi ne, %convert_element_type3A_222, %cond3A_223 : i32
      scf.if %cond3A_224 {
        %dma_wait3A_283 = arith.constant 0 : i32
        %dma_wait3A_284 = arith.constant 0 : i32
        %dma_wait3A_285 = tpu.memref_slice %arg16[%rem3A_148, %dma_wait3A_283, %dma_wait3A_284] : memref<2x16x128xf32, #tpu.memory_space<vmem>> -> memref<1x16x128xf32, #tpu.memory_space<vmem>>
        %dma_wait3A_286 = tpu.memref_squeeze %dma_wait3A_285 : memref<1x16x128xf32, #tpu.memory_space<vmem>> -> memref<16x128xf32, #tpu.memory_space<vmem>>
        %dma_wait3A_287 = arith.constant 0 : i32
        %dma_wait3A_288 = arith.constant 0 : i32
        %dma_wait3A_289 = tpu.memref_slice %arg17[%dma_wait3A_287, %dma_wait3A_288] : memref<10000x128xf32, #tpu.memory_space<vmem_shared>> -> memref<16x128xf32, #tpu.memory_space<vmem_shared>>
        %dma_wait3A_290 = tpu.memref_slice %arg20[%rem3A_148] : memref<2x!tpu.dma_semaphore, #tpu.memory_space<semaphore_mem>> -> memref<1x!tpu.dma_semaphore, #tpu.memory_space<semaphore_mem>>
        %dma_wait3A_291 = tpu.memref_squeeze %dma_wait3A_290 : memref<1x!tpu.dma_semaphore, #tpu.memory_space<semaphore_mem>> -> memref<!tpu.dma_semaphore, #tpu.memory_space<semaphore_mem>>
        %dma_wait3A_292 = arith.constant 0 : i32
        %dma_wait3A_293 = arith.constant 0 : i32
        %dma_wait3A_294 = tpu.memref_slice %arg17[%dma_wait3A_292, %dma_wait3A_293] : memref<10000x128xf32, #tpu.memory_space<vmem_shared>> -> memref<16x128xf32, #tpu.memory_space<vmem_shared>>
        %dma_wait3A_295 = arith.constant 0 : i32
        %dma_wait3A_296 = arith.constant 0 : i32
        %dma_wait3A_297 = tpu.memref_slice %arg16[%rem3A_148, %dma_wait3A_295, %dma_wait3A_296] : memref<2x16x128xf32, #tpu.memory_space<vmem>> -> memref<1x16x128xf32, #tpu.memory_space<vmem>>
        %dma_wait3A_298 = tpu.memref_squeeze %dma_wait3A_297 : memref<1x16x128xf32, #tpu.memory_space<vmem>> -> memref<16x128xf32, #tpu.memory_space<vmem>>
        tpu.wait_dma2 semaphore(%dma_wait3A_291 : memref<!tpu.dma_semaphore, #tpu.memory_space<semaphore_mem>>) src(%dma_wait3A_298 : memref<16x128xf32, #tpu.memory_space<vmem>>) dst(%dma_wait3A_294 : memref<16x128xf32, #tpu.memory_space<vmem_shared>>)
      } else {
      }
      %scan3A_225 = arith.constant 0 : i32
      %scan3A_226 = arith.constant 0 : i32
      %scan3A_227 = arith.constant 8 : i32
      %scan3A_228 = arith.addi %scan3A_226, %scan3A_227 : i32
      %scan3A_229 = arith.constant 1 : i32
      scf.for %scan3A_283 = %scan3A_226 to %scan3A_228 step %scan3A_229  : i32 {
        %mul3A_284 = arith.constant 2 : i32
        %mul3A_285 = arith.muli %scan3A_283, %mul3A_284 : i32
        %add3A_286 = arith.constant 0 : i32
        %add3A_287 = arith.addi %mul3A_285, %add3A_286 : i32
        %mul3A_288 = arith.constant 5 : i32
        %mul3A_289 = arith.muli %add3A_287, %mul3A_288 : i32
        %add3A_290 = arith.addi %add3A_174, %mul3A_289 : i32
        %broadcast_in_dim3A = vector.broadcast %add3A_290 : i32 to vector<16xi32>
        %gather3A = tpu.vector_load_idx %arg13[%broadcast_in_dim3A] : memref<832xf32, #tpu.memory_space<vmem>>[vector<16xi32>], vector<16xf32>,
        %add3A_291 = arith.constant 1 : i32
        %add3A_292 = vector.broadcast %add3A_291 : i32 to vector<16xi32>
        %add3A_293 = arith.addi %broadcast_in_dim3A, %add3A_292 : vector<16xi32>
        %gather3A_294 = tpu.vector_load_idx %arg13[%add3A_293] : memref<832xf32, #tpu.memory_space<vmem>>[vector<16xi32>], vector<16xf32>,
        %add3A_295 = arith.constant 2 : i32
        %add3A_296 = vector.broadcast %add3A_295 : i32 to vector<16xi32>
        %add3A_297 = arith.addi %broadcast_in_dim3A, %add3A_296 : vector<16xi32>
        %gather3A_298 = tpu.vector_load_idx %arg13[%add3A_297] : memref<832xf32, #tpu.memory_space<vmem>>[vector<16xi32>], vector<16xf32>,
        %add3A_299 = arith.constant 3 : i32
        %add3A_300 = vector.broadcast %add3A_299 : i32 to vector<16xi32>
        %add3A_301 = arith.addi %broadcast_in_dim3A, %add3A_300 : vector<16xi32>
        %gather3A_302 = tpu.vector_load_idx %arg13[%add3A_301] : memref<832xf32, #tpu.memory_space<vmem>>[vector<16xi32>], vector<16xf32>,
        %add3A_303 = arith.constant 4 : i32
        %add3A_304 = vector.broadcast %add3A_303 : i32 to vector<16xi32>
        %add3A_305 = arith.addi %broadcast_in_dim3A, %add3A_304 : vector<16xi32>
        %gather3A_306 = tpu.vector_load_idx %arg13[%add3A_305] : memref<832xf32, #tpu.memory_space<vmem>>[vector<16xi32>], vector<16xf32>,
        %get3A_307 = arith.index_cast %rem3A_148 : i32 to index
        %get3A_308 = arith.index_cast %add3A_287 : i32 to index
        %get3A_309 = arith.constant 0 : index
        %get3A_310 = tpu.vector_load %arg14[%get3A_307, %get3A_308, %get3A_309] {strides = array<i32>} : memref<2x16x128xf32, #tpu.memory_space<vmem>>, vector<16xf32>,
        %mul3A_311 = arith.mulf %get3A_310, %gather3A : vector<16xf32>
        %get3A_312 = arith.index_cast %rem3A_148 : i32 to index
        %get3A_313 = arith.index_cast %add3A_287 : i32 to index
        %get3A_314 = arith.constant 0 : index
        %get3A_315 = tpu.vector_load %arg15[%get3A_312, %get3A_313, %get3A_314] {strides = array<i32>} : memref<2x16x512xf32, #tpu.memory_space<vmem>>, vector<16xf32>,
        %mul3A_316 = arith.mulf %get3A_315, %gather3A_294 : vector<16xf32>
        %add3A_317 = arith.addf %mul3A_311, %mul3A_316 : vector<16xf32>
        %get3A_318 = arith.index_cast %rem3A_148 : i32 to index
        %get3A_319 = arith.index_cast %add3A_287 : i32 to index
        %get3A_320 = arith.constant 128 : index
        %get3A_321 = tpu.vector_load %arg15[%get3A_318, %get3A_319, %get3A_320] {strides = array<i32>} : memref<2x16x512xf32, #tpu.memory_space<vmem>>, vector<16xf32>,
        %mul3A_322 = arith.mulf %get3A_321, %gather3A_298 : vector<16xf32>
        %add3A_323 = arith.addf %add3A_317, %mul3A_322 : vector<16xf32>
        %get3A_324 = arith.index_cast %rem3A_148 : i32 to index
        %get3A_325 = arith.index_cast %add3A_287 : i32 to index
        %get3A_326 = arith.constant 256 : index
        %get3A_327 = tpu.vector_load %arg15[%get3A_324, %get3A_325, %get3A_326] {strides = array<i32>} : memref<2x16x512xf32, #tpu.memory_space<vmem>>, vector<16xf32>,
        %mul3A_328 = arith.mulf %get3A_327, %gather3A_302 : vector<16xf32>
        %add3A_329 = arith.addf %add3A_323, %mul3A_328 : vector<16xf32>
        %get3A_330 = arith.index_cast %rem3A_148 : i32 to index
        %get3A_331 = arith.index_cast %add3A_287 : i32 to index
        %get3A_332 = arith.constant 384 : index
        %get3A_333 = tpu.vector_load %arg15[%get3A_330, %get3A_331, %get3A_332] {strides = array<i32>} : memref<2x16x512xf32, #tpu.memory_space<vmem>>, vector<16xf32>,
        %mul3A_334 = arith.mulf %get3A_333, %gather3A_306 : vector<16xf32>
        %add3A_335 = arith.addf %add3A_329, %mul3A_334 : vector<16xf32>
        %swap3A = arith.index_cast %rem3A_148 : i32 to index
        %swap3A_336 = arith.index_cast %add3A_287 : i32 to index
        %swap3A_337 = arith.constant 0 : index
        %swap3A_338 = tpu.vector_load %arg16[%swap3A, %swap3A_336, %swap3A_337] {strides = array<i32>} : memref<2x16x128xf32, #tpu.memory_space<vmem>>, vector<16xf32>,
        tpu.vector_store %arg16[%swap3A, %swap3A_336, %swap3A_337], %add3A_335 {strides = array<i32>} : memref<2x16x128xf32, #tpu.memory_space<vmem>>, vector<16xf32>,
        %get3A_339 = arith.index_cast %rem3A_148 : i32 to index
        %get3A_340 = arith.index_cast %add3A_287 : i32 to index
        %get3A_341 = arith.constant 16 : index
        %get3A_342 = tpu.vector_load %arg14[%get3A_339, %get3A_340, %get3A_341] {strides = array<i32>} : memref<2x16x128xf32, #tpu.memory_space<vmem>>, vector<16xf32>,
        %mul3A_343 = arith.mulf %get3A_342, %gather3A : vector<16xf32>
        %get3A_344 = arith.index_cast %rem3A_148 : i32 to index
        %get3A_345 = arith.index_cast %add3A_287 : i32 to index
        %get3A_346 = arith.constant 16 : index
        %get3A_347 = tpu.vector_load %arg15[%get3A_344, %get3A_345, %get3A_346] {strides = array<i32>} : memref<2x16x512xf32, #tpu.memory_space<vmem>>, vector<16xf32>,
        %mul3A_348 = arith.mulf %get3A_347, %gather3A_294 : vector<16xf32>
        %add3A_349 = arith.addf %mul3A_343, %mul3A_348 : vector<16xf32>
        %get3A_350 = arith.index_cast %rem3A_148 : i32 to index
        %get3A_351 = arith.index_cast %add3A_287 : i32 to index
        %get3A_352 = arith.constant 144 : index
        %get3A_353 = tpu.vector_load %arg15[%get3A_350, %get3A_351, %get3A_352] {strides = array<i32>} : memref<2x16x512xf32, #tpu.memory_space<vmem>>, vector<16xf32>,
        %mul3A_354 = arith.mulf %get3A_353, %gather3A_298 : vector<16xf32>
        %add3A_355 = arith.addf %add3A_349, %mul3A_354 : vector<16xf32>
        %get3A_356 = arith.index_cast %rem3A_148 : i32 to index
        %get3A_357 = arith.index_cast %add3A_287 : i32 to index
        %get3A_358 = arith.constant 272 : index
        %get3A_359 = tpu.vector_load %arg15[%get3A_356, %get3A_357, %get3A_358] {strides = array<i32>} : memref<2x16x512xf32, #tpu.memory_space<vmem>>, vector<16xf32>,
        %mul3A_360 = arith.mulf %get3A_359, %gather3A_302 : vector<16xf32>
        %add3A_361 = arith.addf %add3A_355, %mul3A_360 : vector<16xf32>
        %get3A_362 = arith.index_cast %rem3A_148 : i32 to index
        %get3A_363 = arith.index_cast %add3A_287 : i32 to index
        %get3A_364 = arith.constant 400 : index
        %get3A_365 = tpu.vector_load %arg15[%get3A_362, %get3A_363, %get3A_364] {strides = array<i32>} : memref<2x16x512xf32, #tpu.memory_space<vmem>>, vector<16xf32>,
        %mul3A_366 = arith.mulf %get3A_365, %gather3A_306 : vector<16xf32>
        %add3A_367 = arith.addf %add3A_361, %mul3A_366 : vector<16xf32>
        %swap3A_368 = arith.index_cast %rem3A_148 : i32 to index
        %swap3A_369 = arith.index_cast %add3A_287 : i32 to index
        %swap3A_370 = arith.constant 16 : index
        %swap3A_371 = tpu.vector_load %arg16[%swap3A_368, %swap3A_369, %swap3A_370] {strides = array<i32>} : memref<2x16x128xf32, #tpu.memory_space<vmem>>, vector<16xf32>,
        tpu.vector_store %arg16[%swap3A_368, %swap3A_369, %swap3A_370], %add3A_367 {strides = array<i32>} : memref<2x16x128xf32, #tpu.memory_space<vmem>>, vector<16xf32>,
        %get3A_372 = arith.index_cast %rem3A_148 : i32 to index
        %get3A_373 = arith.index_cast %add3A_287 : i32 to index
        %get3A_374 = arith.constant 32 : index
        %get3A_375 = tpu.vector_load %arg14[%get3A_372, %get3A_373, %get3A_374] {strides = array<i32>} : memref<2x16x128xf32, #tpu.memory_space<vmem>>, vector<16xf32>,
        %mul3A_376 = arith.mulf %get3A_375, %gather3A : vector<16xf32>
        %get3A_377 = arith.index_cast %rem3A_148 : i32 to index
        %get3A_378 = arith.index_cast %add3A_287 : i32 to index
        %get3A_379 = arith.constant 32 : index
        %get3A_380 = tpu.vector_load %arg15[%get3A_377, %get3A_378, %get3A_379] {strides = array<i32>} : memref<2x16x512xf32, #tpu.memory_space<vmem>>, vector<16xf32>,
        %mul3A_381 = arith.mulf %get3A_380, %gather3A_294 : vector<16xf32>
        %add3A_382 = arith.addf %mul3A_376, %mul3A_381 : vector<16xf32>
        %get3A_383 = arith.index_cast %rem3A_148 : i32 to index
        %get3A_384 = arith.index_cast %add3A_287 : i32 to index
        %get3A_385 = arith.constant 160 : index
        %get3A_386 = tpu.vector_load %arg15[%get3A_383, %get3A_384, %get3A_385] {strides = array<i32>} : memref<2x16x512xf32, #tpu.memory_space<vmem>>, vector<16xf32>,
        %mul3A_387 = arith.mulf %get3A_386, %gather3A_298 : vector<16xf32>
        %add3A_388 = arith.addf %add3A_382, %mul3A_387 : vector<16xf32>
        %get3A_389 = arith.index_cast %rem3A_148 : i32 to index
        %get3A_390 = arith.index_cast %add3A_287 : i32 to index
        %get3A_391 = arith.constant 288 : index
        %get3A_392 = tpu.vector_load %arg15[%get3A_389, %get3A_390, %get3A_391] {strides = array<i32>} : memref<2x16x512xf32, #tpu.memory_space<vmem>>, vector<16xf32>,
        %mul3A_393 = arith.mulf %get3A_392, %gather3A_302 : vector<16xf32>
        %add3A_394 = arith.addf %add3A_388, %mul3A_393 : vector<16xf32>
        %get3A_395 = arith.index_cast %rem3A_148 : i32 to index
        %get3A_396 = arith.index_cast %add3A_287 : i32 to index
        %get3A_397 = arith.constant 416 : index
        %get3A_398 = tpu.vector_load %arg15[%get3A_395, %get3A_396, %get3A_397] {strides = array<i32>} : memref<2x16x512xf32, #tpu.memory_space<vmem>>, vector<16xf32>,
        %mul3A_399 = arith.mulf %get3A_398, %gather3A_306 : vector<16xf32>
        %add3A_400 = arith.addf %add3A_394, %mul3A_399 : vector<16xf32>
        %swap3A_401 = arith.index_cast %rem3A_148 : i32 to index
        %swap3A_402 = arith.index_cast %add3A_287 : i32 to index
        %swap3A_403 = arith.constant 32 : index
        %swap3A_404 = tpu.vector_load %arg16[%swap3A_401, %swap3A_402, %swap3A_403] {strides = array<i32>} : memref<2x16x128xf32, #tpu.memory_space<vmem>>, vector<16xf32>,
        tpu.vector_store %arg16[%swap3A_401, %swap3A_402, %swap3A_403], %add3A_400 {strides = array<i32>} : memref<2x16x128xf32, #tpu.memory_space<vmem>>, vector<16xf32>,
        %get3A_405 = arith.index_cast %rem3A_148 : i32 to index
        %get3A_406 = arith.index_cast %add3A_287 : i32 to index
        %get3A_407 = arith.constant 48 : index
        %get3A_408 = tpu.vector_load %arg14[%get3A_405, %get3A_406, %get3A_407] {strides = array<i32>} : memref<2x16x128xf32, #tpu.memory_space<vmem>>, vector<16xf32>,
        %mul3A_409 = arith.mulf %get3A_408, %gather3A : vector<16xf32>
        %get3A_410 = arith.index_cast %rem3A_148 : i32 to index
        %get3A_411 = arith.index_cast %add3A_287 : i32 to index
        %get3A_412 = arith.constant 48 : index
        %get3A_413 = tpu.vector_load %arg15[%get3A_410, %get3A_411, %get3A_412] {strides = array<i32>} : memref<2x16x512xf32, #tpu.memory_space<vmem>>, vector<16xf32>,
        %mul3A_414 = arith.mulf %get3A_413, %gather3A_294 : vector<16xf32>
        %add3A_415 = arith.addf %mul3A_409, %mul3A_414 : vector<16xf32>
        %get3A_416 = arith.index_cast %rem3A_148 : i32 to index
        %get3A_417 = arith.index_cast %add3A_287 : i32 to index
        %get3A_418 = arith.constant 176 : index
        %get3A_419 = tpu.vector_load %arg15[%get3A_416, %get3A_417, %get3A_418] {strides = array<i32>} : memref<2x16x512xf32, #tpu.memory_space<vmem>>, vector<16xf32>,
        %mul3A_420 = arith.mulf %get3A_419, %gather3A_298 : vector<16xf32>
        %add3A_421 = arith.addf %add3A_415, %mul3A_420 : vector<16xf32>
        %get3A_422 = arith.index_cast %rem3A_148 : i32 to index
        %get3A_423 = arith.index_cast %add3A_287 : i32 to index
        %get3A_424 = arith.constant 304 : index
        %get3A_425 = tpu.vector_load %arg15[%get3A_422, %get3A_423, %get3A_424] {strides = array<i32>} : memref<2x16x512xf32, #tpu.memory_space<vmem>>, vector<16xf32>,
        %mul3A_426 = arith.mulf %get3A_425, %gather3A_302 : vector<16xf32>
        %add3A_427 = arith.addf %add3A_421, %mul3A_426 : vector<16xf32>
        %get3A_428 = arith.index_cast %rem3A_148 : i32 to index
        %get3A_429 = arith.index_cast %add3A_287 : i32 to index
        %get3A_430 = arith.constant 432 : index
        %get3A_431 = tpu.vector_load %arg15[%get3A_428, %get3A_429, %get3A_430] {strides = array<i32>} : memref<2x16x512xf32, #tpu.memory_space<vmem>>, vector<16xf32>,
        %mul3A_432 = arith.mulf %get3A_431, %gather3A_306 : vector<16xf32>
        %add3A_433 = arith.addf %add3A_427, %mul3A_432 : vector<16xf32>
        %swap3A_434 = arith.index_cast %rem3A_148 : i32 to index
        %swap3A_435 = arith.index_cast %add3A_287 : i32 to index
        %swap3A_436 = arith.constant 48 : index
        %swap3A_437 = tpu.vector_load %arg16[%swap3A_434, %swap3A_435, %swap3A_436] {strides = array<i32>} : memref<2x16x128xf32, #tpu.memory_space<vmem>>, vector<16xf32>,
        tpu.vector_store %arg16[%swap3A_434, %swap3A_435, %swap3A_436], %add3A_433 {strides = array<i32>} : memref<2x16x128xf32, #tpu.memory_space<vmem>>, vector<16xf32>,
        %get3A_438 = arith.index_cast %rem3A_148 : i32 to index
        %get3A_439 = arith.index_cast %add3A_287 : i32 to index
        %get3A_440 = arith.constant 64 : index
        %get3A_441 = tpu.vector_load %arg14[%get3A_438, %get3A_439, %get3A_440] {strides = array<i32>} : memref<2x16x128xf32, #tpu.memory_space<vmem>>, vector<16xf32>,
        %mul3A_442 = arith.mulf %get3A_441, %gather3A : vector<16xf32>
        %get3A_443 = arith.index_cast %rem3A_148 : i32 to index
        %get3A_444 = arith.index_cast %add3A_287 : i32 to index
        %get3A_445 = arith.constant 64 : index
        %get3A_446 = tpu.vector_load %arg15[%get3A_443, %get3A_444, %get3A_445] {strides = array<i32>} : memref<2x16x512xf32, #tpu.memory_space<vmem>>, vector<16xf32>,
        %mul3A_447 = arith.mulf %get3A_446, %gather3A_294 : vector<16xf32>
        %add3A_448 = arith.addf %mul3A_442, %mul3A_447 : vector<16xf32>
        %get3A_449 = arith.index_cast %rem3A_148 : i32 to index
        %get3A_450 = arith.index_cast %add3A_287 : i32 to index
        %get3A_451 = arith.constant 192 : index
        %get3A_452 = tpu.vector_load %arg15[%get3A_449, %get3A_450, %get3A_451] {strides = array<i32>} : memref<2x16x512xf32, #tpu.memory_space<vmem>>, vector<16xf32>,
        %mul3A_453 = arith.mulf %get3A_452, %gather3A_298 : vector<16xf32>
        %add3A_454 = arith.addf %add3A_448, %mul3A_453 : vector<16xf32>
        %get3A_455 = arith.index_cast %rem3A_148 : i32 to index
        %get3A_456 = arith.index_cast %add3A_287 : i32 to index
        %get3A_457 = arith.constant 320 : index
        %get3A_458 = tpu.vector_load %arg15[%get3A_455, %get3A_456, %get3A_457] {strides = array<i32>} : memref<2x16x512xf32, #tpu.memory_space<vmem>>, vector<16xf32>,
        %mul3A_459 = arith.mulf %get3A_458, %gather3A_302 : vector<16xf32>
        %add3A_460 = arith.addf %add3A_454, %mul3A_459 : vector<16xf32>
        %get3A_461 = arith.index_cast %rem3A_148 : i32 to index
        %get3A_462 = arith.index_cast %add3A_287 : i32 to index
        %get3A_463 = arith.constant 448 : index
        %get3A_464 = tpu.vector_load %arg15[%get3A_461, %get3A_462, %get3A_463] {strides = array<i32>} : memref<2x16x512xf32, #tpu.memory_space<vmem>>, vector<16xf32>,
        %mul3A_465 = arith.mulf %get3A_464, %gather3A_306 : vector<16xf32>
        %add3A_466 = arith.addf %add3A_460, %mul3A_465 : vector<16xf32>
        %swap3A_467 = arith.index_cast %rem3A_148 : i32 to index
        %swap3A_468 = arith.index_cast %add3A_287 : i32 to index
        %swap3A_469 = arith.constant 64 : index
        %swap3A_470 = tpu.vector_load %arg16[%swap3A_467, %swap3A_468, %swap3A_469] {strides = array<i32>} : memref<2x16x128xf32, #tpu.memory_space<vmem>>, vector<16xf32>,
        tpu.vector_store %arg16[%swap3A_467, %swap3A_468, %swap3A_469], %add3A_466 {strides = array<i32>} : memref<2x16x128xf32, #tpu.memory_space<vmem>>, vector<16xf32>,
        %get3A_471 = arith.index_cast %rem3A_148 : i32 to index
        %get3A_472 = arith.index_cast %add3A_287 : i32 to index
        %get3A_473 = arith.constant 80 : index
        %get3A_474 = tpu.vector_load %arg14[%get3A_471, %get3A_472, %get3A_473] {strides = array<i32>} : memref<2x16x128xf32, #tpu.memory_space<vmem>>, vector<16xf32>,
        %mul3A_475 = arith.mulf %get3A_474, %gather3A : vector<16xf32>
        %get3A_476 = arith.index_cast %rem3A_148 : i32 to index
        %get3A_477 = arith.index_cast %add3A_287 : i32 to index
        %get3A_478 = arith.constant 80 : index
        %get3A_479 = tpu.vector_load %arg15[%get3A_476, %get3A_477, %get3A_478] {strides = array<i32>} : memref<2x16x512xf32, #tpu.memory_space<vmem>>, vector<16xf32>,
        %mul3A_480 = arith.mulf %get3A_479, %gather3A_294 : vector<16xf32>
        %add3A_481 = arith.addf %mul3A_475, %mul3A_480 : vector<16xf32>
        %get3A_482 = arith.index_cast %rem3A_148 : i32 to index
        %get3A_483 = arith.index_cast %add3A_287 : i32 to index
        %get3A_484 = arith.constant 208 : index
        %get3A_485 = tpu.vector_load %arg15[%get3A_482, %get3A_483, %get3A_484] {strides = array<i32>} : memref<2x16x512xf32, #tpu.memory_space<vmem>>, vector<16xf32>,
        %mul3A_486 = arith.mulf %get3A_485, %gather3A_298 : vector<16xf32>
        %add3A_487 = arith.addf %add3A_481, %mul3A_486 : vector<16xf32>
        %get3A_488 = arith.index_cast %rem3A_148 : i32 to index
        %get3A_489 = arith.index_cast %add3A_287 : i32 to index
        %get3A_490 = arith.constant 336 : index
        %get3A_491 = tpu.vector_load %arg15[%get3A_488, %get3A_489, %get3A_490] {strides = array<i32>} : memref<2x16x512xf32, #tpu.memory_space<vmem>>, vector<16xf32>,
        %mul3A_492 = arith.mulf %get3A_491, %gather3A_302 : vector<16xf32>
        %add3A_493 = arith.addf %add3A_487, %mul3A_492 : vector<16xf32>
        %get3A_494 = arith.index_cast %rem3A_148 : i32 to index
        %get3A_495 = arith.index_cast %add3A_287 : i32 to index
        %get3A_496 = arith.constant 464 : index
        %get3A_497 = tpu.vector_load %arg15[%get3A_494, %get3A_495, %get3A_496] {strides = array<i32>} : memref<2x16x512xf32, #tpu.memory_space<vmem>>, vector<16xf32>,
        %mul3A_498 = arith.mulf %get3A_497, %gather3A_306 : vector<16xf32>
        %add3A_499 = arith.addf %add3A_493, %mul3A_498 : vector<16xf32>
        %swap3A_500 = arith.index_cast %rem3A_148 : i32 to index
        %swap3A_501 = arith.index_cast %add3A_287 : i32 to index
        %swap3A_502 = arith.constant 80 : index
        %swap3A_503 = tpu.vector_load %arg16[%swap3A_500, %swap3A_501, %swap3A_502] {strides = array<i32>} : memref<2x16x128xf32, #tpu.memory_space<vmem>>, vector<16xf32>,
        tpu.vector_store %arg16[%swap3A_500, %swap3A_501, %swap3A_502], %add3A_499 {strides = array<i32>} : memref<2x16x128xf32, #tpu.memory_space<vmem>>, vector<16xf32>,
        %get3A_504 = arith.index_cast %rem3A_148 : i32 to index
        %get3A_505 = arith.index_cast %add3A_287 : i32 to index
        %get3A_506 = arith.constant 96 : index
        %get3A_507 = tpu.vector_load %arg14[%get3A_504, %get3A_505, %get3A_506] {strides = array<i32>} : memref<2x16x128xf32, #tpu.memory_space<vmem>>, vector<16xf32>,
        %mul3A_508 = arith.mulf %get3A_507, %gather3A : vector<16xf32>
        %get3A_509 = arith.index_cast %rem3A_148 : i32 to index
        %get3A_510 = arith.index_cast %add3A_287 : i32 to index
        %get3A_511 = arith.constant 96 : index
        %get3A_512 = tpu.vector_load %arg15[%get3A_509, %get3A_510, %get3A_511] {strides = array<i32>} : memref<2x16x512xf32, #tpu.memory_space<vmem>>, vector<16xf32>,
        %mul3A_513 = arith.mulf %get3A_512, %gather3A_294 : vector<16xf32>
        %add3A_514 = arith.addf %mul3A_508, %mul3A_513 : vector<16xf32>
        %get3A_515 = arith.index_cast %rem3A_148 : i32 to index
        %get3A_516 = arith.index_cast %add3A_287 : i32 to index
        %get3A_517 = arith.constant 224 : index
        %get3A_518 = tpu.vector_load %arg15[%get3A_515, %get3A_516, %get3A_517] {strides = array<i32>} : memref<2x16x512xf32, #tpu.memory_space<vmem>>, vector<16xf32>,
        %mul3A_519 = arith.mulf %get3A_518, %gather3A_298 : vector<16xf32>
        %add3A_520 = arith.addf %add3A_514, %mul3A_519 : vector<16xf32>
        %get3A_521 = arith.index_cast %rem3A_148 : i32 to index
        %get3A_522 = arith.index_cast %add3A_287 : i32 to index
        %get3A_523 = arith.constant 352 : index
        %get3A_524 = tpu.vector_load %arg15[%get3A_521, %get3A_522, %get3A_523] {strides = array<i32>} : memref<2x16x512xf32, #tpu.memory_space<vmem>>, vector<16xf32>,
        %mul3A_525 = arith.mulf %get3A_524, %gather3A_302 : vector<16xf32>
        %add3A_526 = arith.addf %add3A_520, %mul3A_525 : vector<16xf32>
        %get3A_527 = arith.index_cast %rem3A_148 : i32 to index
        %get3A_528 = arith.index_cast %add3A_287 : i32 to index
        %get3A_529 = arith.constant 480 : index
        %get3A_530 = tpu.vector_load %arg15[%get3A_527, %get3A_528, %get3A_529] {strides = array<i32>} : memref<2x16x512xf32, #tpu.memory_space<vmem>>, vector<16xf32>,
        %mul3A_531 = arith.mulf %get3A_530, %gather3A_306 : vector<16xf32>
        %add3A_532 = arith.addf %add3A_526, %mul3A_531 : vector<16xf32>
        %swap3A_533 = arith.index_cast %rem3A_148 : i32 to index
        %swap3A_534 = arith.index_cast %add3A_287 : i32 to index
        %swap3A_535 = arith.constant 96 : index
        %swap3A_536 = tpu.vector_load %arg16[%swap3A_533, %swap3A_534, %swap3A_535] {strides = array<i32>} : memref<2x16x128xf32, #tpu.memory_space<vmem>>, vector<16xf32>,
        tpu.vector_store %arg16[%swap3A_533, %swap3A_534, %swap3A_535], %add3A_532 {strides = array<i32>} : memref<2x16x128xf32, #tpu.memory_space<vmem>>, vector<16xf32>,
        %get3A_537 = arith.index_cast %rem3A_148 : i32 to index
        %get3A_538 = arith.index_cast %add3A_287 : i32 to index
        %get3A_539 = arith.constant 112 : index
        %get3A_540 = tpu.vector_load %arg14[%get3A_537, %get3A_538, %get3A_539] {strides = array<i32>} : memref<2x16x128xf32, #tpu.memory_space<vmem>>, vector<16xf32>,
        %mul3A_541 = arith.mulf %get3A_540, %gather3A : vector<16xf32>
        %get3A_542 = arith.index_cast %rem3A_148 : i32 to index
        %get3A_543 = arith.index_cast %add3A_287 : i32 to index
        %get3A_544 = arith.constant 112 : index
        %get3A_545 = tpu.vector_load %arg15[%get3A_542, %get3A_543, %get3A_544] {strides = array<i32>} : memref<2x16x512xf32, #tpu.memory_space<vmem>>, vector<16xf32>,
        %mul3A_546 = arith.mulf %get3A_545, %gather3A_294 : vector<16xf32>
        %add3A_547 = arith.addf %mul3A_541, %mul3A_546 : vector<16xf32>
        %get3A_548 = arith.index_cast %rem3A_148 : i32 to index
        %get3A_549 = arith.index_cast %add3A_287 : i32 to index
        %get3A_550 = arith.constant 240 : index
        %get3A_551 = tpu.vector_load %arg15[%get3A_548, %get3A_549, %get3A_550] {strides = array<i32>} : memref<2x16x512xf32, #tpu.memory_space<vmem>>, vector<16xf32>,
        %mul3A_552 = arith.mulf %get3A_551, %gather3A_298 : vector<16xf32>
        %add3A_553 = arith.addf %add3A_547, %mul3A_552 : vector<16xf32>
        %get3A_554 = arith.index_cast %rem3A_148 : i32 to index
        %get3A_555 = arith.index_cast %add3A_287 : i32 to index
        %get3A_556 = arith.constant 368 : index
        %get3A_557 = tpu.vector_load %arg15[%get3A_554, %get3A_555, %get3A_556] {strides = array<i32>} : memref<2x16x512xf32, #tpu.memory_space<vmem>>, vector<16xf32>,
        %mul3A_558 = arith.mulf %get3A_557, %gather3A_302 : vector<16xf32>
        %add3A_559 = arith.addf %add3A_553, %mul3A_558 : vector<16xf32>
        %get3A_560 = arith.index_cast %rem3A_148 : i32 to index
        %get3A_561 = arith.index_cast %add3A_287 : i32 to index
        %get3A_562 = arith.constant 496 : index
        %get3A_563 = tpu.vector_load %arg15[%get3A_560, %get3A_561, %get3A_562] {strides = array<i32>} : memref<2x16x512xf32, #tpu.memory_space<vmem>>, vector<16xf32>,
        %mul3A_564 = arith.mulf %get3A_563, %gather3A_306 : vector<16xf32>
        %add3A_565 = arith.addf %add3A_559, %mul3A_564 : vector<16xf32>
        %swap3A_566 = arith.index_cast %rem3A_148 : i32 to index
        %swap3A_567 = arith.index_cast %add3A_287 : i32 to index
        %swap3A_568 = arith.constant 112 : index
        %swap3A_569 = tpu.vector_load %arg16[%swap3A_566, %swap3A_567, %swap3A_568] {strides = array<i32>} : memref<2x16x128xf32, #tpu.memory_space<vmem>>, vector<16xf32>,
        tpu.vector_store %arg16[%swap3A_566, %swap3A_567, %swap3A_568], %add3A_565 {strides = array<i32>} : memref<2x16x128xf32, #tpu.memory_space<vmem>>, vector<16xf32>,
        %mul3A_570 = arith.constant 2 : i32
        %mul3A_571 = arith.muli %scan3A_283, %mul3A_570 : i32
        %add3A_572 = arith.constant 1 : i32
        %add3A_573 = arith.addi %mul3A_571, %add3A_572 : i32
        %mul3A_574 = arith.constant 5 : i32
        %mul3A_575 = arith.muli %add3A_573, %mul3A_574 : i32
        %add3A_576 = arith.addi %add3A_174, %mul3A_575 : i32
        %broadcast_in_dim3A_577 = vector.broadcast %add3A_576 : i32 to vector<16xi32>
        %gather3A_578 = tpu.vector_load_idx %arg13[%broadcast_in_dim3A_577] : memref<832xf32, #tpu.memory_space<vmem>>[vector<16xi32>], vector<16xf32>,
        %add3A_579 = arith.constant 1 : i32
        %add3A_580 = vector.broadcast %add3A_579 : i32 to vector<16xi32>
        %add3A_581 = arith.addi %broadcast_in_dim3A_577, %add3A_580 : vector<16xi32>
        %gather3A_582 = tpu.vector_load_idx %arg13[%add3A_581] : memref<832xf32, #tpu.memory_space<vmem>>[vector<16xi32>], vector<16xf32>,
        %add3A_583 = arith.constant 2 : i32
        %add3A_584 = vector.broadcast %add3A_583 : i32 to vector<16xi32>
        %add3A_585 = arith.addi %broadcast_in_dim3A_577, %add3A_584 : vector<16xi32>
        %gather3A_586 = tpu.vector_load_idx %arg13[%add3A_585] : memref<832xf32, #tpu.memory_space<vmem>>[vector<16xi32>], vector<16xf32>,
        %add3A_587 = arith.constant 3 : i32
        %add3A_588 = vector.broadcast %add3A_587 : i32 to vector<16xi32>
        %add3A_589 = arith.addi %broadcast_in_dim3A_577, %add3A_588 : vector<16xi32>
        %gather3A_590 = tpu.vector_load_idx %arg13[%add3A_589] : memref<832xf32, #tpu.memory_space<vmem>>[vector<16xi32>], vector<16xf32>,
        %add3A_591 = arith.constant 4 : i32
        %add3A_592 = vector.broadcast %add3A_591 : i32 to vector<16xi32>
        %add3A_593 = arith.addi %broadcast_in_dim3A_577, %add3A_592 : vector<16xi32>
        %gather3A_594 = tpu.vector_load_idx %arg13[%add3A_593] : memref<832xf32, #tpu.memory_space<vmem>>[vector<16xi32>], vector<16xf32>,
        %get3A_595 = arith.index_cast %rem3A_148 : i32 to index
        %get3A_596 = arith.index_cast %add3A_573 : i32 to index
        %get3A_597 = arith.constant 0 : index
        %get3A_598 = tpu.vector_load %arg14[%get3A_595, %get3A_596, %get3A_597] {strides = array<i32>} : memref<2x16x128xf32, #tpu.memory_space<vmem>>, vector<16xf32>,
        %mul3A_599 = arith.mulf %get3A_598, %gather3A_578 : vector<16xf32>
        %get3A_600 = arith.index_cast %rem3A_148 : i32 to index
        %get3A_601 = arith.index_cast %add3A_573 : i32 to index
        %get3A_602 = arith.constant 0 : index
        %get3A_603 = tpu.vector_load %arg15[%get3A_600, %get3A_601, %get3A_602] {strides = array<i32>} : memref<2x16x512xf32, #tpu.memory_space<vmem>>, vector<16xf32>,
        %mul3A_604 = arith.mulf %get3A_603, %gather3A_582 : vector<16xf32>
        %add3A_605 = arith.addf %mul3A_599, %mul3A_604 : vector<16xf32>
        %get3A_606 = arith.index_cast %rem3A_148 : i32 to index
        %get3A_607 = arith.index_cast %add3A_573 : i32 to index
        %get3A_608 = arith.constant 128 : index
        %get3A_609 = tpu.vector_load %arg15[%get3A_606, %get3A_607, %get3A_608] {strides = array<i32>} : memref<2x16x512xf32, #tpu.memory_space<vmem>>, vector<16xf32>,
        %mul3A_610 = arith.mulf %get3A_609, %gather3A_586 : vector<16xf32>
        %add3A_611 = arith.addf %add3A_605, %mul3A_610 : vector<16xf32>
        %get3A_612 = arith.index_cast %rem3A_148 : i32 to index
        %get3A_613 = arith.index_cast %add3A_573 : i32 to index
        %get3A_614 = arith.constant 256 : index
        %get3A_615 = tpu.vector_load %arg15[%get3A_612, %get3A_613, %get3A_614] {strides = array<i32>} : memref<2x16x512xf32, #tpu.memory_space<vmem>>, vector<16xf32>,
        %mul3A_616 = arith.mulf %get3A_615, %gather3A_590 : vector<16xf32>
        %add3A_617 = arith.addf %add3A_611, %mul3A_616 : vector<16xf32>
        %get3A_618 = arith.index_cast %rem3A_148 : i32 to index
        %get3A_619 = arith.index_cast %add3A_573 : i32 to index
        %get3A_620 = arith.constant 384 : index
        %get3A_621 = tpu.vector_load %arg15[%get3A_618, %get3A_619, %get3A_620] {strides = array<i32>} : memref<2x16x512xf32, #tpu.memory_space<vmem>>, vector<16xf32>,
        %mul3A_622 = arith.mulf %get3A_621, %gather3A_594 : vector<16xf32>
        %add3A_623 = arith.addf %add3A_617, %mul3A_622 : vector<16xf32>
        %swap3A_624 = arith.index_cast %rem3A_148 : i32 to index
        %swap3A_625 = arith.index_cast %add3A_573 : i32 to index
        %swap3A_626 = arith.constant 0 : index
        %swap3A_627 = tpu.vector_load %arg16[%swap3A_624, %swap3A_625, %swap3A_626] {strides = array<i32>} : memref<2x16x128xf32, #tpu.memory_space<vmem>>, vector<16xf32>,
        tpu.vector_store %arg16[%swap3A_624, %swap3A_625, %swap3A_626], %add3A_623 {strides = array<i32>} : memref<2x16x128xf32, #tpu.memory_space<vmem>>, vector<16xf32>,
        %get3A_628 = arith.index_cast %rem3A_148 : i32 to index
        %get3A_629 = arith.index_cast %add3A_573 : i32 to index
        %get3A_630 = arith.constant 16 : index
        %get3A_631 = tpu.vector_load %arg14[%get3A_628, %get3A_629, %get3A_630] {strides = array<i32>} : memref<2x16x128xf32, #tpu.memory_space<vmem>>, vector<16xf32>,
        %mul3A_632 = arith.mulf %get3A_631, %gather3A_578 : vector<16xf32>
        %get3A_633 = arith.index_cast %rem3A_148 : i32 to index
        %get3A_634 = arith.index_cast %add3A_573 : i32 to index
        %get3A_635 = arith.constant 16 : index
        %get3A_636 = tpu.vector_load %arg15[%get3A_633, %get3A_634, %get3A_635] {strides = array<i32>} : memref<2x16x512xf32, #tpu.memory_space<vmem>>, vector<16xf32>,
        %mul3A_637 = arith.mulf %get3A_636, %gather3A_582 : vector<16xf32>
        %add3A_638 = arith.addf %mul3A_632, %mul3A_637 : vector<16xf32>
        %get3A_639 = arith.index_cast %rem3A_148 : i32 to index
        %get3A_640 = arith.index_cast %add3A_573 : i32 to index
        %get3A_641 = arith.constant 144 : index
        %get3A_642 = tpu.vector_load %arg15[%get3A_639, %get3A_640, %get3A_641] {strides = array<i32>} : memref<2x16x512xf32, #tpu.memory_space<vmem>>, vector<16xf32>,
        %mul3A_643 = arith.mulf %get3A_642, %gather3A_586 : vector<16xf32>
        %add3A_644 = arith.addf %add3A_638, %mul3A_643 : vector<16xf32>
        %get3A_645 = arith.index_cast %rem3A_148 : i32 to index
        %get3A_646 = arith.index_cast %add3A_573 : i32 to index
        %get3A_647 = arith.constant 272 : index
        %get3A_648 = tpu.vector_load %arg15[%get3A_645, %get3A_646, %get3A_647] {strides = array<i32>} : memref<2x16x512xf32, #tpu.memory_space<vmem>>, vector<16xf32>,
        %mul3A_649 = arith.mulf %get3A_648, %gather3A_590 : vector<16xf32>
        %add3A_650 = arith.addf %add3A_644, %mul3A_649 : vector<16xf32>
        %get3A_651 = arith.index_cast %rem3A_148 : i32 to index
        %get3A_652 = arith.index_cast %add3A_573 : i32 to index
        %get3A_653 = arith.constant 400 : index
        %get3A_654 = tpu.vector_load %arg15[%get3A_651, %get3A_652, %get3A_653] {strides = array<i32>} : memref<2x16x512xf32, #tpu.memory_space<vmem>>, vector<16xf32>,
        %mul3A_655 = arith.mulf %get3A_654, %gather3A_594 : vector<16xf32>
        %add3A_656 = arith.addf %add3A_650, %mul3A_655 : vector<16xf32>
        %swap3A_657 = arith.index_cast %rem3A_148 : i32 to index
        %swap3A_658 = arith.index_cast %add3A_573 : i32 to index
        %swap3A_659 = arith.constant 16 : index
        %swap3A_660 = tpu.vector_load %arg16[%swap3A_657, %swap3A_658, %swap3A_659] {strides = array<i32>} : memref<2x16x128xf32, #tpu.memory_space<vmem>>, vector<16xf32>,
        tpu.vector_store %arg16[%swap3A_657, %swap3A_658, %swap3A_659], %add3A_656 {strides = array<i32>} : memref<2x16x128xf32, #tpu.memory_space<vmem>>, vector<16xf32>,
        %get3A_661 = arith.index_cast %rem3A_148 : i32 to index
        %get3A_662 = arith.index_cast %add3A_573 : i32 to index
        %get3A_663 = arith.constant 32 : index
        %get3A_664 = tpu.vector_load %arg14[%get3A_661, %get3A_662, %get3A_663] {strides = array<i32>} : memref<2x16x128xf32, #tpu.memory_space<vmem>>, vector<16xf32>,
        %mul3A_665 = arith.mulf %get3A_664, %gather3A_578 : vector<16xf32>
        %get3A_666 = arith.index_cast %rem3A_148 : i32 to index
        %get3A_667 = arith.index_cast %add3A_573 : i32 to index
        %get3A_668 = arith.constant 32 : index
        %get3A_669 = tpu.vector_load %arg15[%get3A_666, %get3A_667, %get3A_668] {strides = array<i32>} : memref<2x16x512xf32, #tpu.memory_space<vmem>>, vector<16xf32>,
        %mul3A_670 = arith.mulf %get3A_669, %gather3A_582 : vector<16xf32>
        %add3A_671 = arith.addf %mul3A_665, %mul3A_670 : vector<16xf32>
        %get3A_672 = arith.index_cast %rem3A_148 : i32 to index
        %get3A_673 = arith.index_cast %add3A_573 : i32 to index
        %get3A_674 = arith.constant 160 : index
        %get3A_675 = tpu.vector_load %arg15[%get3A_672, %get3A_673, %get3A_674] {strides = array<i32>} : memref<2x16x512xf32, #tpu.memory_space<vmem>>, vector<16xf32>,
        %mul3A_676 = arith.mulf %get3A_675, %gather3A_586 : vector<16xf32>
        %add3A_677 = arith.addf %add3A_671, %mul3A_676 : vector<16xf32>
        %get3A_678 = arith.index_cast %rem3A_148 : i32 to index
        %get3A_679 = arith.index_cast %add3A_573 : i32 to index
        %get3A_680 = arith.constant 288 : index
        %get3A_681 = tpu.vector_load %arg15[%get3A_678, %get3A_679, %get3A_680] {strides = array<i32>} : memref<2x16x512xf32, #tpu.memory_space<vmem>>, vector<16xf32>,
        %mul3A_682 = arith.mulf %get3A_681, %gather3A_590 : vector<16xf32>
        %add3A_683 = arith.addf %add3A_677, %mul3A_682 : vector<16xf32>
        %get3A_684 = arith.index_cast %rem3A_148 : i32 to index
        %get3A_685 = arith.index_cast %add3A_573 : i32 to index
        %get3A_686 = arith.constant 416 : index
        %get3A_687 = tpu.vector_load %arg15[%get3A_684, %get3A_685, %get3A_686] {strides = array<i32>} : memref<2x16x512xf32, #tpu.memory_space<vmem>>, vector<16xf32>,
        %mul3A_688 = arith.mulf %get3A_687, %gather3A_594 : vector<16xf32>
        %add3A_689 = arith.addf %add3A_683, %mul3A_688 : vector<16xf32>
        %swap3A_690 = arith.index_cast %rem3A_148 : i32 to index
        %swap3A_691 = arith.index_cast %add3A_573 : i32 to index
        %swap3A_692 = arith.constant 32 : index
        %swap3A_693 = tpu.vector_load %arg16[%swap3A_690, %swap3A_691, %swap3A_692] {strides = array<i32>} : memref<2x16x128xf32, #tpu.memory_space<vmem>>, vector<16xf32>,
        tpu.vector_store %arg16[%swap3A_690, %swap3A_691, %swap3A_692], %add3A_689 {strides = array<i32>} : memref<2x16x128xf32, #tpu.memory_space<vmem>>, vector<16xf32>,
        %get3A_694 = arith.index_cast %rem3A_148 : i32 to index
        %get3A_695 = arith.index_cast %add3A_573 : i32 to index
        %get3A_696 = arith.constant 48 : index
        %get3A_697 = tpu.vector_load %arg14[%get3A_694, %get3A_695, %get3A_696] {strides = array<i32>} : memref<2x16x128xf32, #tpu.memory_space<vmem>>, vector<16xf32>,
        %mul3A_698 = arith.mulf %get3A_697, %gather3A_578 : vector<16xf32>
        %get3A_699 = arith.index_cast %rem3A_148 : i32 to index
        %get3A_700 = arith.index_cast %add3A_573 : i32 to index
        %get3A_701 = arith.constant 48 : index
        %get3A_702 = tpu.vector_load %arg15[%get3A_699, %get3A_700, %get3A_701] {strides = array<i32>} : memref<2x16x512xf32, #tpu.memory_space<vmem>>, vector<16xf32>,
        %mul3A_703 = arith.mulf %get3A_702, %gather3A_582 : vector<16xf32>
        %add3A_704 = arith.addf %mul3A_698, %mul3A_703 : vector<16xf32>
        %get3A_705 = arith.index_cast %rem3A_148 : i32 to index
        %get3A_706 = arith.index_cast %add3A_573 : i32 to index
        %get3A_707 = arith.constant 176 : index
        %get3A_708 = tpu.vector_load %arg15[%get3A_705, %get3A_706, %get3A_707] {strides = array<i32>} : memref<2x16x512xf32, #tpu.memory_space<vmem>>, vector<16xf32>,
        %mul3A_709 = arith.mulf %get3A_708, %gather3A_586 : vector<16xf32>
        %add3A_710 = arith.addf %add3A_704, %mul3A_709 : vector<16xf32>
        %get3A_711 = arith.index_cast %rem3A_148 : i32 to index
        %get3A_712 = arith.index_cast %add3A_573 : i32 to index
        %get3A_713 = arith.constant 304 : index
        %get3A_714 = tpu.vector_load %arg15[%get3A_711, %get3A_712, %get3A_713] {strides = array<i32>} : memref<2x16x512xf32, #tpu.memory_space<vmem>>, vector<16xf32>,
        %mul3A_715 = arith.mulf %get3A_714, %gather3A_590 : vector<16xf32>
        %add3A_716 = arith.addf %add3A_710, %mul3A_715 : vector<16xf32>
        %get3A_717 = arith.index_cast %rem3A_148 : i32 to index
        %get3A_718 = arith.index_cast %add3A_573 : i32 to index
        %get3A_719 = arith.constant 432 : index
        %get3A_720 = tpu.vector_load %arg15[%get3A_717, %get3A_718, %get3A_719] {strides = array<i32>} : memref<2x16x512xf32, #tpu.memory_space<vmem>>, vector<16xf32>,
        %mul3A_721 = arith.mulf %get3A_720, %gather3A_594 : vector<16xf32>
        %add3A_722 = arith.addf %add3A_716, %mul3A_721 : vector<16xf32>
        %swap3A_723 = arith.index_cast %rem3A_148 : i32 to index
        %swap3A_724 = arith.index_cast %add3A_573 : i32 to index
        %swap3A_725 = arith.constant 48 : index
        %swap3A_726 = tpu.vector_load %arg16[%swap3A_723, %swap3A_724, %swap3A_725] {strides = array<i32>} : memref<2x16x128xf32, #tpu.memory_space<vmem>>, vector<16xf32>,
        tpu.vector_store %arg16[%swap3A_723, %swap3A_724, %swap3A_725], %add3A_722 {strides = array<i32>} : memref<2x16x128xf32, #tpu.memory_space<vmem>>, vector<16xf32>,
        %get3A_727 = arith.index_cast %rem3A_148 : i32 to index
        %get3A_728 = arith.index_cast %add3A_573 : i32 to index
        %get3A_729 = arith.constant 64 : index
        %get3A_730 = tpu.vector_load %arg14[%get3A_727, %get3A_728, %get3A_729] {strides = array<i32>} : memref<2x16x128xf32, #tpu.memory_space<vmem>>, vector<16xf32>,
        %mul3A_731 = arith.mulf %get3A_730, %gather3A_578 : vector<16xf32>
        %get3A_732 = arith.index_cast %rem3A_148 : i32 to index
        %get3A_733 = arith.index_cast %add3A_573 : i32 to index
        %get3A_734 = arith.constant 64 : index
        %get3A_735 = tpu.vector_load %arg15[%get3A_732, %get3A_733, %get3A_734] {strides = array<i32>} : memref<2x16x512xf32, #tpu.memory_space<vmem>>, vector<16xf32>,
        %mul3A_736 = arith.mulf %get3A_735, %gather3A_582 : vector<16xf32>
        %add3A_737 = arith.addf %mul3A_731, %mul3A_736 : vector<16xf32>
        %get3A_738 = arith.index_cast %rem3A_148 : i32 to index
        %get3A_739 = arith.index_cast %add3A_573 : i32 to index
        %get3A_740 = arith.constant 192 : index
        %get3A_741 = tpu.vector_load %arg15[%get3A_738, %get3A_739, %get3A_740] {strides = array<i32>} : memref<2x16x512xf32, #tpu.memory_space<vmem>>, vector<16xf32>,
        %mul3A_742 = arith.mulf %get3A_741, %gather3A_586 : vector<16xf32>
        %add3A_743 = arith.addf %add3A_737, %mul3A_742 : vector<16xf32>
        %get3A_744 = arith.index_cast %rem3A_148 : i32 to index
        %get3A_745 = arith.index_cast %add3A_573 : i32 to index
        %get3A_746 = arith.constant 320 : index
        %get3A_747 = tpu.vector_load %arg15[%get3A_744, %get3A_745, %get3A_746] {strides = array<i32>} : memref<2x16x512xf32, #tpu.memory_space<vmem>>, vector<16xf32>,
        %mul3A_748 = arith.mulf %get3A_747, %gather3A_590 : vector<16xf32>
        %add3A_749 = arith.addf %add3A_743, %mul3A_748 : vector<16xf32>
        %get3A_750 = arith.index_cast %rem3A_148 : i32 to index
        %get3A_751 = arith.index_cast %add3A_573 : i32 to index
        %get3A_752 = arith.constant 448 : index
        %get3A_753 = tpu.vector_load %arg15[%get3A_750, %get3A_751, %get3A_752] {strides = array<i32>} : memref<2x16x512xf32, #tpu.memory_space<vmem>>, vector<16xf32>,
        %mul3A_754 = arith.mulf %get3A_753, %gather3A_594 : vector<16xf32>
        %add3A_755 = arith.addf %add3A_749, %mul3A_754 : vector<16xf32>
        %swap3A_756 = arith.index_cast %rem3A_148 : i32 to index
        %swap3A_757 = arith.index_cast %add3A_573 : i32 to index
        %swap3A_758 = arith.constant 64 : index
        %swap3A_759 = tpu.vector_load %arg16[%swap3A_756, %swap3A_757, %swap3A_758] {strides = array<i32>} : memref<2x16x128xf32, #tpu.memory_space<vmem>>, vector<16xf32>,
        tpu.vector_store %arg16[%swap3A_756, %swap3A_757, %swap3A_758], %add3A_755 {strides = array<i32>} : memref<2x16x128xf32, #tpu.memory_space<vmem>>, vector<16xf32>,
        %get3A_760 = arith.index_cast %rem3A_148 : i32 to index
        %get3A_761 = arith.index_cast %add3A_573 : i32 to index
        %get3A_762 = arith.constant 80 : index
        %get3A_763 = tpu.vector_load %arg14[%get3A_760, %get3A_761, %get3A_762] {strides = array<i32>} : memref<2x16x128xf32, #tpu.memory_space<vmem>>, vector<16xf32>,
        %mul3A_764 = arith.mulf %get3A_763, %gather3A_578 : vector<16xf32>
        %get3A_765 = arith.index_cast %rem3A_148 : i32 to index
        %get3A_766 = arith.index_cast %add3A_573 : i32 to index
        %get3A_767 = arith.constant 80 : index
        %get3A_768 = tpu.vector_load %arg15[%get3A_765, %get3A_766, %get3A_767] {strides = array<i32>} : memref<2x16x512xf32, #tpu.memory_space<vmem>>, vector<16xf32>,
        %mul3A_769 = arith.mulf %get3A_768, %gather3A_582 : vector<16xf32>
        %add3A_770 = arith.addf %mul3A_764, %mul3A_769 : vector<16xf32>
        %get3A_771 = arith.index_cast %rem3A_148 : i32 to index
        %get3A_772 = arith.index_cast %add3A_573 : i32 to index
        %get3A_773 = arith.constant 208 : index
        %get3A_774 = tpu.vector_load %arg15[%get3A_771, %get3A_772, %get3A_773] {strides = array<i32>} : memref<2x16x512xf32, #tpu.memory_space<vmem>>, vector<16xf32>,
        %mul3A_775 = arith.mulf %get3A_774, %gather3A_586 : vector<16xf32>
        %add3A_776 = arith.addf %add3A_770, %mul3A_775 : vector<16xf32>
        %get3A_777 = arith.index_cast %rem3A_148 : i32 to index
        %get3A_778 = arith.index_cast %add3A_573 : i32 to index
        %get3A_779 = arith.constant 336 : index
        %get3A_780 = tpu.vector_load %arg15[%get3A_777, %get3A_778, %get3A_779] {strides = array<i32>} : memref<2x16x512xf32, #tpu.memory_space<vmem>>, vector<16xf32>,
        %mul3A_781 = arith.mulf %get3A_780, %gather3A_590 : vector<16xf32>
        %add3A_782 = arith.addf %add3A_776, %mul3A_781 : vector<16xf32>
        %get3A_783 = arith.index_cast %rem3A_148 : i32 to index
        %get3A_784 = arith.index_cast %add3A_573 : i32 to index
        %get3A_785 = arith.constant 464 : index
        %get3A_786 = tpu.vector_load %arg15[%get3A_783, %get3A_784, %get3A_785] {strides = array<i32>} : memref<2x16x512xf32, #tpu.memory_space<vmem>>, vector<16xf32>,
        %mul3A_787 = arith.mulf %get3A_786, %gather3A_594 : vector<16xf32>
        %add3A_788 = arith.addf %add3A_782, %mul3A_787 : vector<16xf32>
        %swap3A_789 = arith.index_cast %rem3A_148 : i32 to index
        %swap3A_790 = arith.index_cast %add3A_573 : i32 to index
        %swap3A_791 = arith.constant 80 : index
        %swap3A_792 = tpu.vector_load %arg16[%swap3A_789, %swap3A_790, %swap3A_791] {strides = array<i32>} : memref<2x16x128xf32, #tpu.memory_space<vmem>>, vector<16xf32>,
        tpu.vector_store %arg16[%swap3A_789, %swap3A_790, %swap3A_791], %add3A_788 {strides = array<i32>} : memref<2x16x128xf32, #tpu.memory_space<vmem>>, vector<16xf32>,
        %get3A_793 = arith.index_cast %rem3A_148 : i32 to index
        %get3A_794 = arith.index_cast %add3A_573 : i32 to index
        %get3A_795 = arith.constant 96 : index
        %get3A_796 = tpu.vector_load %arg14[%get3A_793, %get3A_794, %get3A_795] {strides = array<i32>} : memref<2x16x128xf32, #tpu.memory_space<vmem>>, vector<16xf32>,
        %mul3A_797 = arith.mulf %get3A_796, %gather3A_578 : vector<16xf32>
        %get3A_798 = arith.index_cast %rem3A_148 : i32 to index
        %get3A_799 = arith.index_cast %add3A_573 : i32 to index
        %get3A_800 = arith.constant 96 : index
        %get3A_801 = tpu.vector_load %arg15[%get3A_798, %get3A_799, %get3A_800] {strides = array<i32>} : memref<2x16x512xf32, #tpu.memory_space<vmem>>, vector<16xf32>,
        %mul3A_802 = arith.mulf %get3A_801, %gather3A_582 : vector<16xf32>
        %add3A_803 = arith.addf %mul3A_797, %mul3A_802 : vector<16xf32>
        %get3A_804 = arith.index_cast %rem3A_148 : i32 to index
        %get3A_805 = arith.index_cast %add3A_573 : i32 to index
        %get3A_806 = arith.constant 224 : index
        %get3A_807 = tpu.vector_load %arg15[%get3A_804, %get3A_805, %get3A_806] {strides = array<i32>} : memref<2x16x512xf32, #tpu.memory_space<vmem>>, vector<16xf32>,
        %mul3A_808 = arith.mulf %get3A_807, %gather3A_586 : vector<16xf32>
        %add3A_809 = arith.addf %add3A_803, %mul3A_808 : vector<16xf32>
        %get3A_810 = arith.index_cast %rem3A_148 : i32 to index
        %get3A_811 = arith.index_cast %add3A_573 : i32 to index
        %get3A_812 = arith.constant 352 : index
        %get3A_813 = tpu.vector_load %arg15[%get3A_810, %get3A_811, %get3A_812] {strides = array<i32>} : memref<2x16x512xf32, #tpu.memory_space<vmem>>, vector<16xf32>,
        %mul3A_814 = arith.mulf %get3A_813, %gather3A_590 : vector<16xf32>
        %add3A_815 = arith.addf %add3A_809, %mul3A_814 : vector<16xf32>
        %get3A_816 = arith.index_cast %rem3A_148 : i32 to index
        %get3A_817 = arith.index_cast %add3A_573 : i32 to index
        %get3A_818 = arith.constant 480 : index
        %get3A_819 = tpu.vector_load %arg15[%get3A_816, %get3A_817, %get3A_818] {strides = array<i32>} : memref<2x16x512xf32, #tpu.memory_space<vmem>>, vector<16xf32>,
        %mul3A_820 = arith.mulf %get3A_819, %gather3A_594 : vector<16xf32>
        %add3A_821 = arith.addf %add3A_815, %mul3A_820 : vector<16xf32>
        %swap3A_822 = arith.index_cast %rem3A_148 : i32 to index
        %swap3A_823 = arith.index_cast %add3A_573 : i32 to index
        %swap3A_824 = arith.constant 96 : index
        %swap3A_825 = tpu.vector_load %arg16[%swap3A_822, %swap3A_823, %swap3A_824] {strides = array<i32>} : memref<2x16x128xf32, #tpu.memory_space<vmem>>, vector<16xf32>,
        tpu.vector_store %arg16[%swap3A_822, %swap3A_823, %swap3A_824], %add3A_821 {strides = array<i32>} : memref<2x16x128xf32, #tpu.memory_space<vmem>>, vector<16xf32>,
        %get3A_826 = arith.index_cast %rem3A_148 : i32 to index
        %get3A_827 = arith.index_cast %add3A_573 : i32 to index
        %get3A_828 = arith.constant 112 : index
        %get3A_829 = tpu.vector_load %arg14[%get3A_826, %get3A_827, %get3A_828] {strides = array<i32>} : memref<2x16x128xf32, #tpu.memory_space<vmem>>, vector<16xf32>,
        %mul3A_830 = arith.mulf %get3A_829, %gather3A_578 : vector<16xf32>
        %get3A_831 = arith.index_cast %rem3A_148 : i32 to index
        %get3A_832 = arith.index_cast %add3A_573 : i32 to index
        %get3A_833 = arith.constant 112 : index
        %get3A_834 = tpu.vector_load %arg15[%get3A_831, %get3A_832, %get3A_833] {strides = array<i32>} : memref<2x16x512xf32, #tpu.memory_space<vmem>>, vector<16xf32>,
        %mul3A_835 = arith.mulf %get3A_834, %gather3A_582 : vector<16xf32>
        %add3A_836 = arith.addf %mul3A_830, %mul3A_835 : vector<16xf32>
        %get3A_837 = arith.index_cast %rem3A_148 : i32 to index
        %get3A_838 = arith.index_cast %add3A_573 : i32 to index
        %get3A_839 = arith.constant 240 : index
        %get3A_840 = tpu.vector_load %arg15[%get3A_837, %get3A_838, %get3A_839] {strides = array<i32>} : memref<2x16x512xf32, #tpu.memory_space<vmem>>, vector<16xf32>,
        %mul3A_841 = arith.mulf %get3A_840, %gather3A_586 : vector<16xf32>
        %add3A_842 = arith.addf %add3A_836, %mul3A_841 : vector<16xf32>
        %get3A_843 = arith.index_cast %rem3A_148 : i32 to index
        %get3A_844 = arith.index_cast %add3A_573 : i32 to index
        %get3A_845 = arith.constant 368 : index
        %get3A_846 = tpu.vector_load %arg15[%get3A_843, %get3A_844, %get3A_845] {strides = array<i32>} : memref<2x16x512xf32, #tpu.memory_space<vmem>>, vector<16xf32>,
        %mul3A_847 = arith.mulf %get3A_846, %gather3A_590 : vector<16xf32>
        %add3A_848 = arith.addf %add3A_842, %mul3A_847 : vector<16xf32>
        %get3A_849 = arith.index_cast %rem3A_148 : i32 to index
        %get3A_850 = arith.index_cast %add3A_573 : i32 to index
        %get3A_851 = arith.constant 496 : index
        %get3A_852 = tpu.vector_load %arg15[%get3A_849, %get3A_850, %get3A_851] {strides = array<i32>} : memref<2x16x512xf32, #tpu.memory_space<vmem>>, vector<16xf32>,
        %mul3A_853 = arith.mulf %get3A_852, %gather3A_594 : vector<16xf32>
        %add3A_854 = arith.addf %add3A_848, %mul3A_853 : vector<16xf32>
        %swap3A_855 = arith.index_cast %rem3A_148 : i32 to index
        %swap3A_856 = arith.index_cast %add3A_573 : i32 to index
        %swap3A_857 = arith.constant 112 : index
        %swap3A_858 = tpu.vector_load %arg16[%swap3A_855, %swap3A_856, %swap3A_857] {strides = array<i32>} : memref<2x16x128xf32, #tpu.memory_space<vmem>>, vector<16xf32>,
        tpu.vector_store %arg16[%swap3A_855, %swap3A_856, %swap3A_857], %add3A_854 {strides = array<i32>} : memref<2x16x128xf32, #tpu.memory_space<vmem>>, vector<16xf32>,
      }
      %scan3A_230 = arith.constant 8 : i32
      %mul3A_231 = arith.constant 80 : i32
      %mul3A_232 = arith.muli %rem3A_167, %mul3A_231 : i32
      %mul3A_233 = arith.constant 16 : i32
      %mul3A_234 = arith.muli %rem3A_169, %mul3A_233 : i32
      %add3A_235 = arith.addi %mul3A_232, %mul3A_234 : i32
      %get3A_236 = arith.index_cast %add3A_235 : i32 to index
      %get3A_237 = tpu.vector_load %arg12[%get3A_236] {strides = array<i32>} : memref<160xi32, #tpu.memory_space<vmem>>, vector<16xi32>,
      %dma_start3A_238 = arith.constant 0 : i32
      %dma_start3A_239 = arith.constant 0 : i32
      %dma_start3A_240 = tpu.memref_slice %arg16[%rem3A_148, %dma_start3A_238, %dma_start3A_239] : memref<2x16x128xf32, #tpu.memory_space<vmem>> -> memref<1x16x128xf32, #tpu.memory_space<vmem>>
      %dma_start3A_241 = tpu.memref_squeeze %dma_start3A_240 : memref<1x16x128xf32, #tpu.memory_space<vmem>> -> memref<16x128xf32, #tpu.memory_space<vmem>>
      %dma_start3A_242 = arith.constant 0 : i32
      %dma_start3A_243 = arith.constant 0 : i32
      %dma_start3A_244 = tpu.memref_slice %arg17[%dma_start3A_242, %dma_start3A_243] : memref<10000x128xf32, #tpu.memory_space<vmem_shared>> -> memref<10000x128xf32, #tpu.memory_space<vmem_shared>>
      %dma_start3A_245 = tpu.memref_slice %arg20[%rem3A_148] : memref<2x!tpu.dma_semaphore, #tpu.memory_space<semaphore_mem>> -> memref<1x!tpu.dma_semaphore, #tpu.memory_space<semaphore_mem>>
      %dma_start3A_246 = tpu.memref_squeeze %dma_start3A_245 : memref<1x!tpu.dma_semaphore, #tpu.memory_space<semaphore_mem>> -> memref<!tpu.dma_semaphore, #tpu.memory_space<semaphore_mem>>
      tpu.enqueue_indirect_dma source(%dma_start3A_241 : memref<16x128xf32, #tpu.memory_space<vmem>>) target(%dma_start3A_244 : memref<10000x128xf32, #tpu.memory_space<vmem_shared>>) offsets(%get3A_237 : vector<16xi32>) semaphore(%dma_start3A_246 : memref<!tpu.dma_semaphore, #tpu.memory_space<semaphore_mem>>) {add = true}
      %rem3A_247 = arith.constant 5 : i32
      %rem3A_248 = arith.remsi %scan3A_144, %rem3A_247 : i32
      %eq3A_249 = arith.constant 1 : i32
      %eq3A_250 = arith.cmpi eq, %rem3A_248, %eq3A_249 : i32
      %jit3A_251 = arith.constant 5 : i32
      %div3A_252 = arith.divsi %scan3A_144, %jit3A_251 : i32
      %sign3A_253 = arith.constant 0 : i32
      %sign3A_254 = arith.cmpi sgt, %scan3A_144, %sign3A_253 : i32
      %sign3A_255 = arith.extui %sign3A_254 : i1 to i32
      %sign3A_256 = arith.constant 0 : i32
      %sign3A_257 = arith.cmpi slt, %scan3A_144, %sign3A_256 : i32
      %sign3A_258 = arith.extui %sign3A_257 : i1 to i32
      %sign3A_259 = arith.subi %sign3A_255, %sign3A_258 : i32
      %sign3A_260 = arith.constant 0 : i32
      %sign3A_261 = arith.cmpi sgt, %jit3A_251, %sign3A_260 : i32
      %sign3A_262 = arith.extui %sign3A_261 : i1 to i32
      %sign3A_263 = arith.constant 0 : i32
      %sign3A_264 = arith.cmpi slt, %jit3A_251, %sign3A_263 : i32
      %sign3A_265 = arith.extui %sign3A_264 : i1 to i32
      %sign3A_266 = arith.subi %sign3A_262, %sign3A_265 : i32
      %ne3A_267 = arith.cmpi ne, %sign3A_259, %sign3A_266 : i32
      %rem3A_268 = arith.remsi %scan3A_144, %jit3A_251 : i32
      %ne3A_269 = arith.constant 0 : i32
      %ne3A_270 = arith.cmpi ne, %rem3A_268, %ne3A_269 : i32
      %and3A_271 = arith.andi %ne3A_267, %ne3A_270 : i1
      %sub3A_272 = arith.constant 1 : i32
      %sub3A_273 = arith.subi %div3A_252, %sub3A_272 : i32
      %select_n3A_274 = arith.select %and3A_271, %sub3A_273, %div3A_252 : i32
      %add3A_275 = arith.constant 1 : i32
      %add3A_276 = arith.addi %select_n3A_274, %add3A_275 : i32
      %lt3A_277 = arith.constant 125 : i32
      %lt3A_278 = arith.cmpi slt, %add3A_276, %lt3A_277 : i32
      %and3A_279 = arith.andi %eq3A_250, %lt3A_278 : i1
      %convert_element_type3A_280 = arith.extui %and3A_279 : i1 to i32
      %cond3A_281 = arith.constant 0 : i32
      %cond3A_282 = arith.cmpi ne, %convert_element_type3A_280, %cond3A_281 : i32
      scf.if %cond3A_282 {
        %jit3A_283 = arith.constant 5 : i32
        %div3A_284 = arith.divsi %scan3A_144, %jit3A_283 : i32
        %sign3A_285 = arith.constant 0 : i32
        %sign3A_286 = arith.cmpi sgt, %scan3A_144, %sign3A_285 : i32
        %sign3A_287 = arith.extui %sign3A_286 : i1 to i32
        %sign3A_288 = arith.constant 0 : i32
        %sign3A_289 = arith.cmpi slt, %scan3A_144, %sign3A_288 : i32
        %sign3A_290 = arith.extui %sign3A_289 : i1 to i32
        %sign3A_291 = arith.subi %sign3A_287, %sign3A_290 : i32
        %sign3A_292 = arith.constant 0 : i32
        %sign3A_293 = arith.cmpi sgt, %jit3A_283, %sign3A_292 : i32
        %sign3A_294 = arith.extui %sign3A_293 : i1 to i32
        %sign3A_295 = arith.constant 0 : i32
        %sign3A_296 = arith.cmpi slt, %jit3A_283, %sign3A_295 : i32
        %sign3A_297 = arith.extui %sign3A_296 : i1 to i32
        %sign3A_298 = arith.subi %sign3A_294, %sign3A_297 : i32
        %ne3A_299 = arith.cmpi ne, %sign3A_291, %sign3A_298 : i32
        %rem3A_300 = arith.remsi %scan3A_144, %jit3A_283 : i32
        %ne3A_301 = arith.constant 0 : i32
        %ne3A_302 = arith.cmpi ne, %rem3A_300, %ne3A_301 : i32
        %and3A_303 = arith.andi %ne3A_299, %ne3A_302 : i1
        %sub3A_304 = arith.constant 1 : i32
        %sub3A_305 = arith.subi %div3A_284, %sub3A_304 : i32
        %select_n3A_306 = arith.select %and3A_303, %sub3A_305, %div3A_284 : i32
        %add3A_307 = arith.constant 1 : i32
        %add3A_308 = arith.addi %select_n3A_306, %add3A_307 : i32
        %jit3A_309 = arith.constant 5 : i32
        %div3A_310 = arith.divsi %scan3A_144, %jit3A_309 : i32
        %sign3A_311 = arith.constant 0 : i32
        %sign3A_312 = arith.cmpi sgt, %scan3A_144, %sign3A_311 : i32
        %sign3A_313 = arith.extui %sign3A_312 : i1 to i32
        %sign3A_314 = arith.constant 0 : i32
        %sign3A_315 = arith.cmpi slt, %scan3A_144, %sign3A_314 : i32
        %sign3A_316 = arith.extui %sign3A_315 : i1 to i32
        %sign3A_317 = arith.subi %sign3A_313, %sign3A_316 : i32
        %sign3A_318 = arith.constant 0 : i32
        %sign3A_319 = arith.cmpi sgt, %jit3A_309, %sign3A_318 : i32
        %sign3A_320 = arith.extui %sign3A_319 : i1 to i32
        %sign3A_321 = arith.constant 0 : i32
        %sign3A_322 = arith.cmpi slt, %jit3A_309, %sign3A_321 : i32
        %sign3A_323 = arith.extui %sign3A_322 : i1 to i32
        %sign3A_324 = arith.subi %sign3A_320, %sign3A_323 : i32
        %ne3A_325 = arith.cmpi ne, %sign3A_317, %sign3A_324 : i32
        %rem3A_326 = arith.remsi %scan3A_144, %jit3A_309 : i32
        %ne3A_327 = arith.constant 0 : i32
        %ne3A_328 = arith.cmpi ne, %rem3A_326, %ne3A_327 : i32
        %and3A_329 = arith.andi %ne3A_325, %ne3A_328 : i1
        %sub3A_330 = arith.constant 1 : i32
        %sub3A_331 = arith.subi %div3A_310, %sub3A_330 : i32
        %select_n3A_332 = arith.select %and3A_329, %sub3A_331, %div3A_310 : i32
        %add3A_333 = arith.constant 1 : i32
        %add3A_334 = arith.addi %select_n3A_332, %add3A_333 : i32
        %rem3A_335 = arith.constant 2 : i32
        %rem3A_336 = arith.remsi %add3A_334, %rem3A_335 : i32
        %mul3A_337 = arith.constant 10000 : i32
        %mul3A_338 = arith.muli %add3A, %mul3A_337 : i32
        %mul3A_339 = arith.constant 80 : i32
        %mul3A_340 = arith.muli %add3A_308, %mul3A_339 : i32
        %add3A_341 = arith.addi %mul3A_338, %mul3A_340 : i32
        %mul3A_342 = arith.constant 80 : i32
        %mul3A_343 = arith.muli %rem3A_336, %mul3A_342 : i32
        %dma_start3A_344 = tpu.memref_slice %arg10[%mul3A_343] : memref<160xi32, #tpu.memory_space<vmem>> -> memref<80xi32, #tpu.memory_space<vmem>>
        %dma_start3A_345 = tpu.memref_slice %arg4[%add3A_341] : memref<320000xi32, #tpu.memory_space<hbm>> -> memref<80xi32, #tpu.memory_space<hbm>>
        %dma_start3A_346 = tpu.memref_slice %arg10[%mul3A_343] : memref<160xi32, #tpu.memory_space<vmem>> -> memref<80xi32, #tpu.memory_space<vmem>>
        %dma_start3A_347 = tpu.memref_slice %arg4[%add3A_341] : memref<320000xi32, #tpu.memory_space<hbm>> -> memref<80xi32, #tpu.memory_space<hbm>>
        tpu.enqueue_dma source(%dma_start3A_347 : memref<80xi32, #tpu.memory_space<hbm>>) target(%dma_start3A_346 : memref<80xi32, #tpu.memory_space<vmem>>) target_semaphore(%arg18 : memref<!tpu.dma_semaphore, #tpu.memory_space<semaphore_mem>>)
        %mul3A_348 = arith.constant 80 : i32
        %mul3A_349 = arith.muli %rem3A_336, %mul3A_348 : i32
        %dma_start3A_350 = tpu.memref_slice %arg11[%mul3A_349] : memref<160xi32, #tpu.memory_space<vmem>> -> memref<80xi32, #tpu.memory_space<vmem>>
        %dma_start3A_351 = tpu.memref_slice %arg5[%add3A_341] : memref<320000xi32, #tpu.memory_space<hbm>> -> memref<80xi32, #tpu.memory_space<hbm>>
        %dma_start3A_352 = tpu.memref_slice %arg11[%mul3A_349] : memref<160xi32, #tpu.memory_space<vmem>> -> memref<80xi32, #tpu.memory_space<vmem>>
        %dma_start3A_353 = tpu.memref_slice %arg5[%add3A_341] : memref<320000xi32, #tpu.memory_space<hbm>> -> memref<80xi32, #tpu.memory_space<hbm>>
        tpu.enqueue_dma source(%dma_start3A_353 : memref<80xi32, #tpu.memory_space<hbm>>) target(%dma_start3A_352 : memref<80xi32, #tpu.memory_space<vmem>>) target_semaphore(%arg18 : memref<!tpu.dma_semaphore, #tpu.memory_space<semaphore_mem>>)
        %mul3A_354 = arith.constant 80 : i32
        %mul3A_355 = arith.muli %rem3A_336, %mul3A_354 : i32
        %dma_start3A_356 = tpu.memref_slice %arg12[%mul3A_355] : memref<160xi32, #tpu.memory_space<vmem>> -> memref<80xi32, #tpu.memory_space<vmem>>
        %dma_start3A_357 = tpu.memref_slice %arg6[%add3A_341] : memref<320000xi32, #tpu.memory_space<hbm>> -> memref<80xi32, #tpu.memory_space<hbm>>
        %dma_start3A_358 = tpu.memref_slice %arg12[%mul3A_355] : memref<160xi32, #tpu.memory_space<vmem>> -> memref<80xi32, #tpu.memory_space<vmem>>
        %dma_start3A_359 = tpu.memref_slice %arg6[%add3A_341] : memref<320000xi32, #tpu.memory_space<hbm>> -> memref<80xi32, #tpu.memory_space<hbm>>
        tpu.enqueue_dma source(%dma_start3A_359 : memref<80xi32, #tpu.memory_space<hbm>>) target(%dma_start3A_358 : memref<80xi32, #tpu.memory_space<vmem>>) target_semaphore(%arg18 : memref<!tpu.dma_semaphore, #tpu.memory_space<semaphore_mem>>)
        %mul3A_360 = arith.constant 5 : i32
        %mul3A_361 = arith.muli %add3A_341, %mul3A_360 : i32
        %mul3A_362 = arith.constant 416 : i32
        %mul3A_363 = arith.muli %rem3A_336, %mul3A_362 : i32
        %dma_start3A_364 = tpu.memref_slice %arg13[%mul3A_363] : memref<832xf32, #tpu.memory_space<vmem>> -> memref<400xf32, #tpu.memory_space<vmem>>
        %dma_start3A_365 = tpu.memref_slice %arg7[%mul3A_361] : memref<1600000xf32, #tpu.memory_space<hbm>> -> memref<400xf32, #tpu.memory_space<hbm>>
        %dma_start3A_366 = tpu.memref_slice %arg13[%mul3A_363] : memref<832xf32, #tpu.memory_space<vmem>> -> memref<400xf32, #tpu.memory_space<vmem>>
        %dma_start3A_367 = tpu.memref_slice %arg7[%mul3A_361] : memref<1600000xf32, #tpu.memory_space<hbm>> -> memref<400xf32, #tpu.memory_space<hbm>>
        tpu.enqueue_dma source(%dma_start3A_367 : memref<400xf32, #tpu.memory_space<hbm>>) target(%dma_start3A_366 : memref<400xf32, #tpu.memory_space<vmem>>) target_semaphore(%arg18 : memref<!tpu.dma_semaphore, #tpu.memory_space<semaphore_mem>>)
      } else {
      }
    }
    %scan3A_101 = arith.constant 625 : i32
    %dma_wait3A_102 = arith.constant 0 : i32
    %dma_wait3A_103 = arith.constant 0 : i32
    %dma_wait3A_104 = arith.constant 0 : i32
    %dma_wait3A_105 = arith.constant 0 : i32
    %dma_wait3A_106 = tpu.memref_slice %arg16[%dma_wait3A_102, %dma_wait3A_104, %dma_wait3A_105] : memref<2x16x128xf32, #tpu.memory_space<vmem>> -> memref<1x16x128xf32, #tpu.memory_space<vmem>>
    %dma_wait3A_107 = tpu.memref_squeeze %dma_wait3A_106 : memref<1x16x128xf32, #tpu.memory_space<vmem>> -> memref<16x128xf32, #tpu.memory_space<vmem>>
    %dma_wait3A_108 = arith.constant 0 : i32
    %dma_wait3A_109 = arith.constant 0 : i32
    %dma_wait3A_110 = tpu.memref_slice %arg17[%dma_wait3A_108, %dma_wait3A_109] : memref<10000x128xf32, #tpu.memory_space<vmem_shared>> -> memref<16x128xf32, #tpu.memory_space<vmem_shared>>
    %dma_wait3A_111 = tpu.memref_slice %arg20[%dma_wait3A_103] : memref<2x!tpu.dma_semaphore, #tpu.memory_space<semaphore_mem>> -> memref<1x!tpu.dma_semaphore, #tpu.memory_space<semaphore_mem>>
    %dma_wait3A_112 = tpu.memref_squeeze %dma_wait3A_111 : memref<1x!tpu.dma_semaphore, #tpu.memory_space<semaphore_mem>> -> memref<!tpu.dma_semaphore, #tpu.memory_space<semaphore_mem>>
    %dma_wait3A_113 = arith.constant 0 : i32
    %dma_wait3A_114 = arith.constant 0 : i32
    %dma_wait3A_115 = tpu.memref_slice %arg17[%dma_wait3A_113, %dma_wait3A_114] : memref<10000x128xf32, #tpu.memory_space<vmem_shared>> -> memref<16x128xf32, #tpu.memory_space<vmem_shared>>
    %dma_wait3A_116 = arith.constant 0 : i32
    %dma_wait3A_117 = arith.constant 0 : i32
    %dma_wait3A_118 = tpu.memref_slice %arg16[%dma_wait3A_102, %dma_wait3A_116, %dma_wait3A_117] : memref<2x16x128xf32, #tpu.memory_space<vmem>> -> memref<1x16x128xf32, #tpu.memory_space<vmem>>
    %dma_wait3A_119 = tpu.memref_squeeze %dma_wait3A_118 : memref<1x16x128xf32, #tpu.memory_space<vmem>> -> memref<16x128xf32, #tpu.memory_space<vmem>>
    tpu.wait_dma2 semaphore(%dma_wait3A_112 : memref<!tpu.dma_semaphore, #tpu.memory_space<semaphore_mem>>) src(%dma_wait3A_119 : memref<16x128xf32, #tpu.memory_space<vmem>>) dst(%dma_wait3A_115 : memref<16x128xf32, #tpu.memory_space<vmem_shared>>)
    %dma_wait3A_120 = arith.constant 1 : i32
    %dma_wait3A_121 = arith.constant 1 : i32
    %dma_wait3A_122 = arith.constant 0 : i32
    %dma_wait3A_123 = arith.constant 0 : i32
    %dma_wait3A_124 = tpu.memref_slice %arg16[%dma_wait3A_120, %dma_wait3A_122, %dma_wait3A_123] : memref<2x16x128xf32, #tpu.memory_space<vmem>> -> memref<1x16x128xf32, #tpu.memory_space<vmem>>
    %dma_wait3A_125 = tpu.memref_squeeze %dma_wait3A_124 : memref<1x16x128xf32, #tpu.memory_space<vmem>> -> memref<16x128xf32, #tpu.memory_space<vmem>>
    %dma_wait3A_126 = arith.constant 0 : i32
    %dma_wait3A_127 = arith.constant 0 : i32
    %dma_wait3A_128 = tpu.memref_slice %arg17[%dma_wait3A_126, %dma_wait3A_127] : memref<10000x128xf32, #tpu.memory_space<vmem_shared>> -> memref<16x128xf32, #tpu.memory_space<vmem_shared>>
    %dma_wait3A_129 = tpu.memref_slice %arg20[%dma_wait3A_121] : memref<2x!tpu.dma_semaphore, #tpu.memory_space<semaphore_mem>> -> memref<1x!tpu.dma_semaphore, #tpu.memory_space<semaphore_mem>>
    %dma_wait3A_130 = tpu.memref_squeeze %dma_wait3A_129 : memref<1x!tpu.dma_semaphore, #tpu.memory_space<semaphore_mem>> -> memref<!tpu.dma_semaphore, #tpu.memory_space<semaphore_mem>>
    %dma_wait3A_131 = arith.constant 0 : i32
    %dma_wait3A_132 = arith.constant 0 : i32
    %dma_wait3A_133 = tpu.memref_slice %arg17[%dma_wait3A_131, %dma_wait3A_132] : memref<10000x128xf32, #tpu.memory_space<vmem_shared>> -> memref<16x128xf32, #tpu.memory_space<vmem_shared>>
    %dma_wait3A_134 = arith.constant 0 : i32
    %dma_wait3A_135 = arith.constant 0 : i32
    %dma_wait3A_136 = tpu.memref_slice %arg16[%dma_wait3A_120, %dma_wait3A_134, %dma_wait3A_135] : memref<2x16x128xf32, #tpu.memory_space<vmem>> -> memref<1x16x128xf32, #tpu.memory_space<vmem>>
    %dma_wait3A_137 = tpu.memref_squeeze %dma_wait3A_136 : memref<1x16x128xf32, #tpu.memory_space<vmem>> -> memref<16x128xf32, #tpu.memory_space<vmem>>
    tpu.wait_dma2 semaphore(%dma_wait3A_130 : memref<!tpu.dma_semaphore, #tpu.memory_space<semaphore_mem>>) src(%dma_wait3A_137 : memref<16x128xf32, #tpu.memory_space<vmem>>) dst(%dma_wait3A_133 : memref<16x128xf32, #tpu.memory_space<vmem_shared>>)
    %barrier3A_138 = arith.constant 0 : index
    tpu.barrier barrier_id(%barrier3A_138)
    %lt3A_139 = arith.constant 10 : i32
    %lt3A_140 = arith.cmpi slt, %arg1, %lt3A_139 : i32
    %convert_element_type3A_141 = arith.extui %lt3A_140 : i1 to i32
    %cond3A_142 = arith.constant 0 : i32
    %cond3A_143 = arith.cmpi ne, %convert_element_type3A_141, %cond3A_142 : i32
    scf.if %cond3A_143 {
      %mul3A_144 = arith.constant 1000 : i32
      %mul3A_145 = arith.muli %arg1, %mul3A_144 : i32
      %mul3A_146 = arith.constant 1000 : i32
      %mul3A_147 = arith.muli %arg1, %mul3A_146 : i32
      "tpu.region"() ({
        %run_scoped3A = tpu.sem_alloc : memref<!tpu.dma_semaphore, #tpu.memory_space<semaphore_mem>>
        %dma_start3A_148 = arith.constant 0 : i32
        %dma_start3A_149 = tpu.memref_slice %arg9[%arg0, %mul3A_147, %dma_start3A_148] : memref<2x10000x128xf32, #tpu.memory_space<hbm>> -> memref<1x1000x128xf32, #tpu.memory_space<hbm>>
        %dma_start3A_150 = tpu.memref_squeeze %dma_start3A_149 : memref<1x1000x128xf32, #tpu.memory_space<hbm>> -> memref<1000x128xf32, #tpu.memory_space<hbm>>
        %dma_start3A_151 = arith.constant 0 : i32
        %dma_start3A_152 = tpu.memref_slice %arg17[%mul3A_145, %dma_start3A_151] : memref<10000x128xf32, #tpu.memory_space<vmem_shared>> -> memref<1000x128xf32, #tpu.memory_space<vmem_shared>>
        tpu.enqueue_dma source(%dma_start3A_152 : memref<1000x128xf32, #tpu.memory_space<vmem_shared>>) target(%dma_start3A_150 : memref<1000x128xf32, #tpu.memory_space<hbm>>) target_semaphore(%run_scoped3A : memref<!tpu.dma_semaphore, #tpu.memory_space<semaphore_mem>>)
        %dma_wait3A_153 = arith.constant 0 : i32
        %dma_wait3A_154 = tpu.memref_slice %arg9[%arg0, %mul3A_147, %dma_wait3A_153] : memref<2x10000x128xf32, #tpu.memory_space<hbm>> -> memref<1x1000x128xf32, #tpu.memory_space<hbm>>
        %dma_wait3A_155 = tpu.memref_squeeze %dma_wait3A_154 : memref<1x1000x128xf32, #tpu.memory_space<hbm>> -> memref<1000x128xf32, #tpu.memory_space<hbm>>
        %dma_wait3A_156 = arith.constant 0 : i32
        %dma_wait3A_157 = tpu.memref_slice %arg17[%mul3A_145, %dma_wait3A_156] : memref<10000x128xf32, #tpu.memory_space<vmem_shared>> -> memref<1000x128xf32, #tpu.memory_space<vmem_shared>>
        tpu.wait_dma2 semaphore(%run_scoped3A : memref<!tpu.dma_semaphore, #tpu.memory_space<semaphore_mem>>) src(%dma_wait3A_157 : memref<1000x128xf32, #tpu.memory_space<vmem_shared>>) dst(%dma_wait3A_155 : memref<1000x128xf32, #tpu.memory_space<hbm>>)
        tpu.yield
      }) : () -> ()
    } else {
    }
    return
  }
}

module attributes {stable_mosaic.version = 14 : i64} {
  func.func @_prep_body(%arg0: memref<12x128x128xf32, #tpu.memory_space<vmem>>, %arg1: memref<256x128xf32, #tpu.memory_space<vmem>>, %arg2: memref<128x128xf32, #tpu.memory_space<vmem>>, %arg3: memref<128x128xf32, #tpu.memory_space<vmem>>, %arg4: memref<2x128xf32, #tpu.memory_space<vmem>>, %arg5: memref<12x128x128xf32, #tpu.memory_space<vmem>>, %arg6: memref<128x128xf32, #tpu.memory_space<vmem>>, %arg7: memref<1x128xf32, #tpu.memory_space<vmem>>) attributes {dimension_semantics = [], scalar_prefetch = 0 : i64, scratch_operands = 0 : i64, tpu.core_type = #tpu.core_type<tc>} {
    %get3A = arith.constant 0 : index
    %get3A_0 = arith.constant 0 : index
    %get3A_1 = vector.load %arg1[%get3A, %get3A_0] : memref<256x128xf32, #tpu.memory_space<vmem>>, vector<128x128xf32>
    %get3A_2 = arith.constant 128 : index
    %get3A_3 = arith.constant 0 : index
    %get3A_4 = vector.load %arg1[%get3A_2, %get3A_3] : memref<256x128xf32, #tpu.memory_space<vmem>>, vector<128x128xf32>
    %get3A_5 = arith.constant 0 : index
    %get3A_6 = arith.constant 0 : index
    %get3A_7 = arith.constant 0 : index
    %get3A_8 = vector.load %arg0[%get3A_5, %get3A_6, %get3A_7] : memref<12x128x128xf32, #tpu.memory_space<vmem>>, vector<1x128x128xf32>
    %get3A_9 = vector.shape_cast %get3A_8 : vector<1x128x128xf32> to vector<128x128xf32>
    %dot_general3A = arith.constant dense<0.000000e+00> : vector<128x128xf32>
    %dot_general3A_10 = tpu.matmul %get3A_9, %get3A_1, %dot_general3A {dimension_numbers = #tpu.dot_dimension_numbers<[1], [0], [0], [1], [0, 0, 1, 1], [], []>, transpose_lhs_hint = false} : vector<128x128xf32>, vector<128x128xf32>, vector<128x128xf32> -> vector<128x128xf32>
    %swap3A = arith.constant 0 : index
    %swap3A_11 = arith.constant 0 : index
    %swap3A_12 = arith.constant 0 : index
    %swap3A_13 = vector.load %arg5[%swap3A, %swap3A_11, %swap3A_12] : memref<12x128x128xf32, #tpu.memory_space<vmem>>, vector<1x128x128xf32>
    %swap3A_14 = vector.shape_cast %swap3A_13 : vector<1x128x128xf32> to vector<128x128xf32>
    %swap3A_15 = vector.shape_cast %dot_general3A_10 : vector<128x128xf32> to vector<1x128x128xf32>
    tpu.vector_store %arg5[%swap3A, %swap3A_11, %swap3A_12], %swap3A_15 {strides = array<i32>} : memref<12x128x128xf32, #tpu.memory_space<vmem>>, vector<1x128x128xf32>,
    %get3A_16 = arith.constant 1 : index
    %get3A_17 = arith.constant 0 : index
    %get3A_18 = arith.constant 0 : index
    %get3A_19 = vector.load %arg0[%get3A_16, %get3A_17, %get3A_18] : memref<12x128x128xf32, #tpu.memory_space<vmem>>, vector<1x128x128xf32>
    %get3A_20 = vector.shape_cast %get3A_19 : vector<1x128x128xf32> to vector<128x128xf32>
    %dot_general3A_21 = arith.constant dense<0.000000e+00> : vector<128x128xf32>
    %dot_general3A_22 = tpu.matmul %get3A_20, %get3A_1, %dot_general3A_21 {dimension_numbers = #tpu.dot_dimension_numbers<[1], [0], [0], [1], [0, 0, 1, 1], [], []>, transpose_lhs_hint = false} : vector<128x128xf32>, vector<128x128xf32>, vector<128x128xf32> -> vector<128x128xf32>
    %swap3A_23 = arith.constant 1 : index
    %swap3A_24 = arith.constant 0 : index
    %swap3A_25 = arith.constant 0 : index
    %swap3A_26 = vector.load %arg5[%swap3A_23, %swap3A_24, %swap3A_25] : memref<12x128x128xf32, #tpu.memory_space<vmem>>, vector<1x128x128xf32>
    %swap3A_27 = vector.shape_cast %swap3A_26 : vector<1x128x128xf32> to vector<128x128xf32>
    %swap3A_28 = vector.shape_cast %dot_general3A_22 : vector<128x128xf32> to vector<1x128x128xf32>
    tpu.vector_store %arg5[%swap3A_23, %swap3A_24, %swap3A_25], %swap3A_28 {strides = array<i32>} : memref<12x128x128xf32, #tpu.memory_space<vmem>>, vector<1x128x128xf32>,
    %get3A_29 = arith.constant 2 : index
    %get3A_30 = arith.constant 0 : index
    %get3A_31 = arith.constant 0 : index
    %get3A_32 = vector.load %arg0[%get3A_29, %get3A_30, %get3A_31] : memref<12x128x128xf32, #tpu.memory_space<vmem>>, vector<1x128x128xf32>
    %get3A_33 = vector.shape_cast %get3A_32 : vector<1x128x128xf32> to vector<128x128xf32>
    %dot_general3A_34 = arith.constant dense<0.000000e+00> : vector<128x128xf32>
    %dot_general3A_35 = tpu.matmul %get3A_33, %get3A_1, %dot_general3A_34 {dimension_numbers = #tpu.dot_dimension_numbers<[1], [0], [0], [1], [0, 0, 1, 1], [], []>, transpose_lhs_hint = false} : vector<128x128xf32>, vector<128x128xf32>, vector<128x128xf32> -> vector<128x128xf32>
    %swap3A_36 = arith.constant 2 : index
    %swap3A_37 = arith.constant 0 : index
    %swap3A_38 = arith.constant 0 : index
    %swap3A_39 = vector.load %arg5[%swap3A_36, %swap3A_37, %swap3A_38] : memref<12x128x128xf32, #tpu.memory_space<vmem>>, vector<1x128x128xf32>
    %swap3A_40 = vector.shape_cast %swap3A_39 : vector<1x128x128xf32> to vector<128x128xf32>
    %swap3A_41 = vector.shape_cast %dot_general3A_35 : vector<128x128xf32> to vector<1x128x128xf32>
    tpu.vector_store %arg5[%swap3A_36, %swap3A_37, %swap3A_38], %swap3A_41 {strides = array<i32>} : memref<12x128x128xf32, #tpu.memory_space<vmem>>, vector<1x128x128xf32>,
    %get3A_42 = arith.constant 3 : index
    %get3A_43 = arith.constant 0 : index
    %get3A_44 = arith.constant 0 : index
    %get3A_45 = vector.load %arg0[%get3A_42, %get3A_43, %get3A_44] : memref<12x128x128xf32, #tpu.memory_space<vmem>>, vector<1x128x128xf32>
    %get3A_46 = vector.shape_cast %get3A_45 : vector<1x128x128xf32> to vector<128x128xf32>
    %dot_general3A_47 = arith.constant dense<0.000000e+00> : vector<128x128xf32>
    %dot_general3A_48 = tpu.matmul %get3A_46, %get3A_1, %dot_general3A_47 {dimension_numbers = #tpu.dot_dimension_numbers<[1], [0], [0], [1], [0, 0, 1, 1], [], []>, transpose_lhs_hint = false} : vector<128x128xf32>, vector<128x128xf32>, vector<128x128xf32> -> vector<128x128xf32>
    %swap3A_49 = arith.constant 3 : index
    %swap3A_50 = arith.constant 0 : index
    %swap3A_51 = arith.constant 0 : index
    %swap3A_52 = vector.load %arg5[%swap3A_49, %swap3A_50, %swap3A_51] : memref<12x128x128xf32, #tpu.memory_space<vmem>>, vector<1x128x128xf32>
    %swap3A_53 = vector.shape_cast %swap3A_52 : vector<1x128x128xf32> to vector<128x128xf32>
    %swap3A_54 = vector.shape_cast %dot_general3A_48 : vector<128x128xf32> to vector<1x128x128xf32>
    tpu.vector_store %arg5[%swap3A_49, %swap3A_50, %swap3A_51], %swap3A_54 {strides = array<i32>} : memref<12x128x128xf32, #tpu.memory_space<vmem>>, vector<1x128x128xf32>,
    %get3A_55 = arith.constant 4 : index
    %get3A_56 = arith.constant 0 : index
    %get3A_57 = arith.constant 0 : index
    %get3A_58 = vector.load %arg0[%get3A_55, %get3A_56, %get3A_57] : memref<12x128x128xf32, #tpu.memory_space<vmem>>, vector<1x128x128xf32>
    %get3A_59 = vector.shape_cast %get3A_58 : vector<1x128x128xf32> to vector<128x128xf32>
    %dot_general3A_60 = arith.constant dense<0.000000e+00> : vector<128x128xf32>
    %dot_general3A_61 = tpu.matmul %get3A_59, %get3A_1, %dot_general3A_60 {dimension_numbers = #tpu.dot_dimension_numbers<[1], [0], [0], [1], [0, 0, 1, 1], [], []>, transpose_lhs_hint = false} : vector<128x128xf32>, vector<128x128xf32>, vector<128x128xf32> -> vector<128x128xf32>
    %swap3A_62 = arith.constant 4 : index
    %swap3A_63 = arith.constant 0 : index
    %swap3A_64 = arith.constant 0 : index
    %swap3A_65 = vector.load %arg5[%swap3A_62, %swap3A_63, %swap3A_64] : memref<12x128x128xf32, #tpu.memory_space<vmem>>, vector<1x128x128xf32>
    %swap3A_66 = vector.shape_cast %swap3A_65 : vector<1x128x128xf32> to vector<128x128xf32>
    %swap3A_67 = vector.shape_cast %dot_general3A_61 : vector<128x128xf32> to vector<1x128x128xf32>
    tpu.vector_store %arg5[%swap3A_62, %swap3A_63, %swap3A_64], %swap3A_67 {strides = array<i32>} : memref<12x128x128xf32, #tpu.memory_space<vmem>>, vector<1x128x128xf32>,
    %get3A_68 = arith.constant 5 : index
    %get3A_69 = arith.constant 0 : index
    %get3A_70 = arith.constant 0 : index
    %get3A_71 = vector.load %arg0[%get3A_68, %get3A_69, %get3A_70] : memref<12x128x128xf32, #tpu.memory_space<vmem>>, vector<1x128x128xf32>
    %get3A_72 = vector.shape_cast %get3A_71 : vector<1x128x128xf32> to vector<128x128xf32>
    %dot_general3A_73 = arith.constant dense<0.000000e+00> : vector<128x128xf32>
    %dot_general3A_74 = tpu.matmul %get3A_72, %get3A_1, %dot_general3A_73 {dimension_numbers = #tpu.dot_dimension_numbers<[1], [0], [0], [1], [0, 0, 1, 1], [], []>, transpose_lhs_hint = false} : vector<128x128xf32>, vector<128x128xf32>, vector<128x128xf32> -> vector<128x128xf32>
    %swap3A_75 = arith.constant 5 : index
    %swap3A_76 = arith.constant 0 : index
    %swap3A_77 = arith.constant 0 : index
    %swap3A_78 = vector.load %arg5[%swap3A_75, %swap3A_76, %swap3A_77] : memref<12x128x128xf32, #tpu.memory_space<vmem>>, vector<1x128x128xf32>
    %swap3A_79 = vector.shape_cast %swap3A_78 : vector<1x128x128xf32> to vector<128x128xf32>
    %swap3A_80 = vector.shape_cast %dot_general3A_74 : vector<128x128xf32> to vector<1x128x128xf32>
    tpu.vector_store %arg5[%swap3A_75, %swap3A_76, %swap3A_77], %swap3A_80 {strides = array<i32>} : memref<12x128x128xf32, #tpu.memory_space<vmem>>, vector<1x128x128xf32>,
    %get3A_81 = arith.constant 6 : index
    %get3A_82 = arith.constant 0 : index
    %get3A_83 = arith.constant 0 : index
    %get3A_84 = vector.load %arg0[%get3A_81, %get3A_82, %get3A_83] : memref<12x128x128xf32, #tpu.memory_space<vmem>>, vector<1x128x128xf32>
    %get3A_85 = vector.shape_cast %get3A_84 : vector<1x128x128xf32> to vector<128x128xf32>
    %dot_general3A_86 = arith.constant dense<0.000000e+00> : vector<128x128xf32>
    %dot_general3A_87 = tpu.matmul %get3A_85, %get3A_1, %dot_general3A_86 {dimension_numbers = #tpu.dot_dimension_numbers<[1], [0], [0], [1], [0, 0, 1, 1], [], []>, transpose_lhs_hint = false} : vector<128x128xf32>, vector<128x128xf32>, vector<128x128xf32> -> vector<128x128xf32>
    %swap3A_88 = arith.constant 6 : index
    %swap3A_89 = arith.constant 0 : index
    %swap3A_90 = arith.constant 0 : index
    %swap3A_91 = vector.load %arg5[%swap3A_88, %swap3A_89, %swap3A_90] : memref<12x128x128xf32, #tpu.memory_space<vmem>>, vector<1x128x128xf32>
    %swap3A_92 = vector.shape_cast %swap3A_91 : vector<1x128x128xf32> to vector<128x128xf32>
    %swap3A_93 = vector.shape_cast %dot_general3A_87 : vector<128x128xf32> to vector<1x128x128xf32>
    tpu.vector_store %arg5[%swap3A_88, %swap3A_89, %swap3A_90], %swap3A_93 {strides = array<i32>} : memref<12x128x128xf32, #tpu.memory_space<vmem>>, vector<1x128x128xf32>,
    %get3A_94 = arith.constant 7 : index
    %get3A_95 = arith.constant 0 : index
    %get3A_96 = arith.constant 0 : index
    %get3A_97 = vector.load %arg0[%get3A_94, %get3A_95, %get3A_96] : memref<12x128x128xf32, #tpu.memory_space<vmem>>, vector<1x128x128xf32>
    %get3A_98 = vector.shape_cast %get3A_97 : vector<1x128x128xf32> to vector<128x128xf32>
    %dot_general3A_99 = arith.constant dense<0.000000e+00> : vector<128x128xf32>
    %dot_general3A_100 = tpu.matmul %get3A_98, %get3A_1, %dot_general3A_99 {dimension_numbers = #tpu.dot_dimension_numbers<[1], [0], [0], [1], [0, 0, 1, 1], [], []>, transpose_lhs_hint = false} : vector<128x128xf32>, vector<128x128xf32>, vector<128x128xf32> -> vector<128x128xf32>
    %swap3A_101 = arith.constant 7 : index
    %swap3A_102 = arith.constant 0 : index
    %swap3A_103 = arith.constant 0 : index
    %swap3A_104 = vector.load %arg5[%swap3A_101, %swap3A_102, %swap3A_103] : memref<12x128x128xf32, #tpu.memory_space<vmem>>, vector<1x128x128xf32>
    %swap3A_105 = vector.shape_cast %swap3A_104 : vector<1x128x128xf32> to vector<128x128xf32>
    %swap3A_106 = vector.shape_cast %dot_general3A_100 : vector<128x128xf32> to vector<1x128x128xf32>
    tpu.vector_store %arg5[%swap3A_101, %swap3A_102, %swap3A_103], %swap3A_106 {strides = array<i32>} : memref<12x128x128xf32, #tpu.memory_space<vmem>>, vector<1x128x128xf32>,
    %get3A_107 = arith.constant 8 : index
    %get3A_108 = arith.constant 0 : index
    %get3A_109 = arith.constant 0 : index
    %get3A_110 = vector.load %arg0[%get3A_107, %get3A_108, %get3A_109] : memref<12x128x128xf32, #tpu.memory_space<vmem>>, vector<1x128x128xf32>
    %get3A_111 = vector.shape_cast %get3A_110 : vector<1x128x128xf32> to vector<128x128xf32>
    %dot_general3A_112 = arith.constant dense<0.000000e+00> : vector<128x128xf32>
    %dot_general3A_113 = tpu.matmul %get3A_111, %get3A_4, %dot_general3A_112 {dimension_numbers = #tpu.dot_dimension_numbers<[1], [0], [0], [1], [0, 0, 1, 1], [], []>, transpose_lhs_hint = false} : vector<128x128xf32>, vector<128x128xf32>, vector<128x128xf32> -> vector<128x128xf32>
    %swap3A_114 = arith.constant 8 : index
    %swap3A_115 = arith.constant 0 : index
    %swap3A_116 = arith.constant 0 : index
    %swap3A_117 = vector.load %arg5[%swap3A_114, %swap3A_115, %swap3A_116] : memref<12x128x128xf32, #tpu.memory_space<vmem>>, vector<1x128x128xf32>
    %swap3A_118 = vector.shape_cast %swap3A_117 : vector<1x128x128xf32> to vector<128x128xf32>
    %swap3A_119 = vector.shape_cast %dot_general3A_113 : vector<128x128xf32> to vector<1x128x128xf32>
    tpu.vector_store %arg5[%swap3A_114, %swap3A_115, %swap3A_116], %swap3A_119 {strides = array<i32>} : memref<12x128x128xf32, #tpu.memory_space<vmem>>, vector<1x128x128xf32>,
    %get3A_120 = arith.constant 9 : index
    %get3A_121 = arith.constant 0 : index
    %get3A_122 = arith.constant 0 : index
    %get3A_123 = vector.load %arg0[%get3A_120, %get3A_121, %get3A_122] : memref<12x128x128xf32, #tpu.memory_space<vmem>>, vector<1x128x128xf32>
    %get3A_124 = vector.shape_cast %get3A_123 : vector<1x128x128xf32> to vector<128x128xf32>
    %dot_general3A_125 = arith.constant dense<0.000000e+00> : vector<128x128xf32>
    %dot_general3A_126 = tpu.matmul %get3A_124, %get3A_4, %dot_general3A_125 {dimension_numbers = #tpu.dot_dimension_numbers<[1], [0], [0], [1], [0, 0, 1, 1], [], []>, transpose_lhs_hint = false} : vector<128x128xf32>, vector<128x128xf32>, vector<128x128xf32> -> vector<128x128xf32>
    %swap3A_127 = arith.constant 9 : index
    %swap3A_128 = arith.constant 0 : index
    %swap3A_129 = arith.constant 0 : index
    %swap3A_130 = vector.load %arg5[%swap3A_127, %swap3A_128, %swap3A_129] : memref<12x128x128xf32, #tpu.memory_space<vmem>>, vector<1x128x128xf32>
    %swap3A_131 = vector.shape_cast %swap3A_130 : vector<1x128x128xf32> to vector<128x128xf32>
    %swap3A_132 = vector.shape_cast %dot_general3A_126 : vector<128x128xf32> to vector<1x128x128xf32>
    tpu.vector_store %arg5[%swap3A_127, %swap3A_128, %swap3A_129], %swap3A_132 {strides = array<i32>} : memref<12x128x128xf32, #tpu.memory_space<vmem>>, vector<1x128x128xf32>,
    %get3A_133 = arith.constant 10 : index
    %get3A_134 = arith.constant 0 : index
    %get3A_135 = arith.constant 0 : index
    %get3A_136 = vector.load %arg0[%get3A_133, %get3A_134, %get3A_135] : memref<12x128x128xf32, #tpu.memory_space<vmem>>, vector<1x128x128xf32>
    %get3A_137 = vector.shape_cast %get3A_136 : vector<1x128x128xf32> to vector<128x128xf32>
    %dot_general3A_138 = arith.constant dense<0.000000e+00> : vector<128x128xf32>
    %dot_general3A_139 = tpu.matmul %get3A_137, %get3A_4, %dot_general3A_138 {dimension_numbers = #tpu.dot_dimension_numbers<[1], [0], [0], [1], [0, 0, 1, 1], [], []>, transpose_lhs_hint = false} : vector<128x128xf32>, vector<128x128xf32>, vector<128x128xf32> -> vector<128x128xf32>
    %swap3A_140 = arith.constant 10 : index
    %swap3A_141 = arith.constant 0 : index
    %swap3A_142 = arith.constant 0 : index
    %swap3A_143 = vector.load %arg5[%swap3A_140, %swap3A_141, %swap3A_142] : memref<12x128x128xf32, #tpu.memory_space<vmem>>, vector<1x128x128xf32>
    %swap3A_144 = vector.shape_cast %swap3A_143 : vector<1x128x128xf32> to vector<128x128xf32>
    %swap3A_145 = vector.shape_cast %dot_general3A_139 : vector<128x128xf32> to vector<1x128x128xf32>
    tpu.vector_store %arg5[%swap3A_140, %swap3A_141, %swap3A_142], %swap3A_145 {strides = array<i32>} : memref<12x128x128xf32, #tpu.memory_space<vmem>>, vector<1x128x128xf32>,
    %get3A_146 = arith.constant 11 : index
    %get3A_147 = arith.constant 0 : index
    %get3A_148 = arith.constant 0 : index
    %get3A_149 = vector.load %arg0[%get3A_146, %get3A_147, %get3A_148] : memref<12x128x128xf32, #tpu.memory_space<vmem>>, vector<1x128x128xf32>
    %get3A_150 = vector.shape_cast %get3A_149 : vector<1x128x128xf32> to vector<128x128xf32>
    %dot_general3A_151 = arith.constant dense<0.000000e+00> : vector<128x128xf32>
    %dot_general3A_152 = tpu.matmul %get3A_150, %get3A_4, %dot_general3A_151 {dimension_numbers = #tpu.dot_dimension_numbers<[1], [0], [0], [1], [0, 0, 1, 1], [], []>, transpose_lhs_hint = false} : vector<128x128xf32>, vector<128x128xf32>, vector<128x128xf32> -> vector<128x128xf32>
    %swap3A_153 = arith.constant 11 : index
    %swap3A_154 = arith.constant 0 : index
    %swap3A_155 = arith.constant 0 : index
    %swap3A_156 = vector.load %arg5[%swap3A_153, %swap3A_154, %swap3A_155] : memref<12x128x128xf32, #tpu.memory_space<vmem>>, vector<1x128x128xf32>
    %swap3A_157 = vector.shape_cast %swap3A_156 : vector<1x128x128xf32> to vector<128x128xf32>
    %swap3A_158 = vector.shape_cast %dot_general3A_152 : vector<128x128xf32> to vector<1x128x128xf32>
    tpu.vector_store %arg5[%swap3A_153, %swap3A_154, %swap3A_155], %swap3A_158 {strides = array<i32>} : memref<12x128x128xf32, #tpu.memory_space<vmem>>, vector<1x128x128xf32>,
    %get3A_159 = arith.constant 0 : index
    %get3A_160 = arith.constant 0 : index
    %get3A_161 = vector.load %arg2[%get3A_159, %get3A_160] : memref<128x128xf32, #tpu.memory_space<vmem>>, vector<128x128xf32>
    %dot_general3A_162 = arith.constant dense<0.000000e+00> : vector<128x128xf32>
    %dot_general3A_163 = tpu.matmul %get3A_161, %get3A_1, %dot_general3A_162 {dimension_numbers = #tpu.dot_dimension_numbers<[1], [0], [0], [1], [0, 0, 1, 1], [], []>, transpose_lhs_hint = false} : vector<128x128xf32>, vector<128x128xf32>, vector<128x128xf32> -> vector<128x128xf32>
    %get3A_164 = arith.constant 0 : index
    %get3A_165 = arith.constant 0 : index
    %get3A_166 = vector.load %arg3[%get3A_164, %get3A_165] : memref<128x128xf32, #tpu.memory_space<vmem>>, vector<128x128xf32>
    %dot_general3A_167 = arith.constant dense<0.000000e+00> : vector<128x128xf32>
    %dot_general3A_168 = tpu.matmul %get3A_166, %get3A_4, %dot_general3A_167 {dimension_numbers = #tpu.dot_dimension_numbers<[1], [0], [0], [1], [0, 0, 1, 1], [], []>, transpose_lhs_hint = false} : vector<128x128xf32>, vector<128x128xf32>, vector<128x128xf32> -> vector<128x128xf32>
    %add3A = arith.addf %dot_general3A_163, %dot_general3A_168 : vector<128x128xf32>
    %swap3A_169 = arith.constant 0 : index
    %swap3A_170 = arith.constant 0 : index
    %swap3A_171 = vector.load %arg6[%swap3A_169, %swap3A_170] : memref<128x128xf32, #tpu.memory_space<vmem>>, vector<128x128xf32>
    tpu.vector_store %arg6[%swap3A_169, %swap3A_170], %add3A {strides = array<i32>} : memref<128x128xf32, #tpu.memory_space<vmem>>, vector<128x128xf32>,
    %get3A_172 = arith.constant 0 : index
    %get3A_173 = arith.constant 0 : index
    %get3A_174 = vector.load %arg4[%get3A_172, %get3A_173] : memref<2x128xf32, #tpu.memory_space<vmem>>, vector<1x128xf32>
    %dot_general3A_175 = arith.constant dense<0.000000e+00> : vector<1x128xf32>
    %dot_general3A_176 = tpu.matmul %get3A_174, %get3A_1, %dot_general3A_175 {dimension_numbers = #tpu.dot_dimension_numbers<[1], [0], [0], [1], [0, 0, 1, 1], [], []>, transpose_lhs_hint = false} : vector<1x128xf32>, vector<128x128xf32>, vector<1x128xf32> -> vector<1x128xf32>
    %get3A_177 = arith.constant 1 : index
    %get3A_178 = arith.constant 0 : index
    %get3A_179 = vector.load %arg4[%get3A_177, %get3A_178] : memref<2x128xf32, #tpu.memory_space<vmem>>, vector<1x128xf32>
    %dot_general3A_180 = arith.constant dense<0.000000e+00> : vector<1x128xf32>
    %dot_general3A_181 = tpu.matmul %get3A_179, %get3A_4, %dot_general3A_180 {dimension_numbers = #tpu.dot_dimension_numbers<[1], [0], [0], [1], [0, 0, 1, 1], [], []>, transpose_lhs_hint = false} : vector<1x128xf32>, vector<128x128xf32>, vector<1x128xf32> -> vector<1x128xf32>
    %add3A_182 = arith.addf %dot_general3A_176, %dot_general3A_181 : vector<1x128xf32>
    %swap3A_183 = arith.constant 0 : index
    %swap3A_184 = arith.constant 0 : index
    %swap3A_185 = vector.load %arg7[%swap3A_183, %swap3A_184] : memref<1x128xf32, #tpu.memory_space<vmem>>, vector<1x128xf32>
    tpu.vector_store %arg7[%swap3A_183, %swap3A_184], %add3A_182 {strides = array<i32>} : memref<1x128xf32, #tpu.memory_space<vmem>>, vector<1x128xf32>,
    return
  }
}

module attributes {stable_mosaic.version = 14 : i64} {
  func.func @_dense_body(%arg0: i32, %arg1: i32, %arg2: memref<1000x128xf32, #tpu.memory_space<vmem>>, %arg3: memref<1x128x128xf32, #tpu.memory_space<vmem>>, %arg4: memref<1000x128xf32, #tpu.memory_space<vmem>>) attributes {dimension_semantics = [#tpu.dimension_semantics<arbitrary>, #tpu.dimension_semantics<arbitrary>], iteration_bounds = array<i64: 12, 10>, scalar_prefetch = 0 : i64, scratch_operands = 0 : i64, tpu.core_type = #tpu.core_type<tc>, window_params = [{transform_indices = @transform_0, window_bounds = array<i64: 1000, 128>}, {transform_indices = @transform_1, window_bounds = array<i64: 1, 128, 128>}, {transform_indices = @transform_2, window_bounds = array<i64: 1000, 128>}]} {
    %get3A = arith.constant 0 : index
    %get3A_0 = arith.constant 0 : index
    %get3A_1 = vector.load %arg2[%get3A, %get3A_0] : memref<1000x128xf32, #tpu.memory_space<vmem>>, vector<1000x128xf32>
    %get3A_2 = arith.constant 0 : index
    %get3A_3 = arith.constant 0 : index
    %get3A_4 = arith.constant 0 : index
    %get3A_5 = vector.load %arg3[%get3A_2, %get3A_3, %get3A_4] : memref<1x128x128xf32, #tpu.memory_space<vmem>>, vector<1x128x128xf32>
    %get3A_6 = vector.shape_cast %get3A_5 : vector<1x128x128xf32> to vector<128x128xf32>
    %dot_general3A = arith.constant dense<0.000000e+00> : vector<1000x128xf32>
    %dot_general3A_7 = tpu.matmul %get3A_1, %get3A_6, %dot_general3A {dimension_numbers = #tpu.dot_dimension_numbers<[1], [0], [0], [1], [0, 0, 1, 1], [], []>, transpose_lhs_hint = false} : vector<1000x128xf32>, vector<128x128xf32>, vector<1000x128xf32> -> vector<1000x128xf32>
    %swap3A = arith.constant 0 : index
    %swap3A_8 = arith.constant 0 : index
    %swap3A_9 = vector.load %arg4[%swap3A, %swap3A_8] : memref<1000x128xf32, #tpu.memory_space<vmem>>, vector<1000x128xf32>
    tpu.vector_store %arg4[%swap3A, %swap3A_8], %dot_general3A_7 {strides = array<i32>} : memref<1000x128xf32, #tpu.memory_space<vmem>>, vector<1000x128xf32>,
    return
  }
  func.func @transform_0(%arg0: i32, %arg1: i32) -> (i32, i32) {
    %c0_i32 = arith.constant 0 : i32
    %c0_i32_0 = arith.constant 0 : i32
    return %arg1, %c0_i32 : i32, i32
  }
  func.func @transform_1(%arg0: i32, %arg1: i32) -> (i32, i32, i32) {
    %c0_i32 = arith.constant 0 : i32
    %c0_i32_0 = arith.constant 0 : i32
    %c0_i32_1 = arith.constant 0 : i32
    return %arg0, %c0_i32, %c0_i32_0 : i32, i32, i32
  }
  func.func @transform_2(%arg0: i32, %arg1: i32) -> (i32, i32) {
    %c0_i32 = arith.constant 0 : i32
    return %arg1, %arg0 : i32, i32
  }
}

module attributes {stable_mosaic.version = 14 : i64} {
  func.func @_final_body(%arg0: i32, %arg1: memref<1000x128xf32, #tpu.memory_space<vmem>>, %arg2: memref<1000x128xf32, #tpu.memory_space<vmem>>, %arg3: memref<1000x128xf32, #tpu.memory_space<vmem>>, %arg4: memref<128x128xf32, #tpu.memory_space<vmem>>, %arg5: memref<1x128xf32, #tpu.memory_space<vmem>>, %arg6: memref<1000x128xf32, #tpu.memory_space<vmem>>) attributes {dimension_semantics = [#tpu.dimension_semantics<arbitrary>], iteration_bounds = array<i64: 10>, scalar_prefetch = 0 : i64, scratch_operands = 0 : i64, tpu.core_type = #tpu.core_type<tc>, window_params = [{transform_indices = @transform_0, window_bounds = array<i64: 1000, 128>}, {transform_indices = @transform_1, window_bounds = array<i64: 1000, 128>}, {transform_indices = @transform_2, window_bounds = array<i64: 1000, 128>}, {pipeline_mode = #tpu.pipeline_mode<synchronous>, transform_indices = @transform_3, window_bounds = array<i64: 128, 128>}, {pipeline_mode = #tpu.pipeline_mode<synchronous>, transform_indices = @transform_4, window_bounds = array<i64: 1, 128>}, {transform_indices = @transform_5, window_bounds = array<i64: 1000, 128>}]} {
    %get3A = arith.constant 0 : index
    %get3A_0 = arith.constant 0 : index
    %get3A_1 = vector.load %arg1[%get3A, %get3A_0] : memref<1000x128xf32, #tpu.memory_space<vmem>>, vector<1000x128xf32>
    %get3A_2 = arith.constant 0 : index
    %get3A_3 = arith.constant 0 : index
    %get3A_4 = vector.load %arg2[%get3A_2, %get3A_3] : memref<1000x128xf32, #tpu.memory_space<vmem>>, vector<1000x128xf32>
    %add3A = arith.addf %get3A_1, %get3A_4 : vector<1000x128xf32>
    %get3A_5 = arith.constant 0 : index
    %get3A_6 = arith.constant 0 : index
    %get3A_7 = vector.load %arg5[%get3A_5, %get3A_6] : memref<1x128xf32, #tpu.memory_space<vmem>>, vector<1x128xf32>
    %add3A_8 = vector.broadcast %get3A_7 : vector<1x128xf32> to vector<1000x128xf32>
    %add3A_9 = arith.addf %add3A, %add3A_8 : vector<1000x128xf32>
    %get3A_10 = arith.constant 0 : index
    %get3A_11 = arith.constant 0 : index
    %get3A_12 = vector.load %arg3[%get3A_10, %get3A_11] : memref<1000x128xf32, #tpu.memory_space<vmem>>, vector<1000x128xf32>
    %get3A_13 = arith.constant 0 : index
    %get3A_14 = arith.constant 0 : index
    %get3A_15 = vector.load %arg4[%get3A_13, %get3A_14] : memref<128x128xf32, #tpu.memory_space<vmem>>, vector<128x128xf32>
    %dot_general3A = arith.constant dense<0.000000e+00> : vector<1000x128xf32>
    %dot_general3A_16 = tpu.matmul %get3A_12, %get3A_15, %dot_general3A {dimension_numbers = #tpu.dot_dimension_numbers<[1], [0], [0], [1], [0, 0, 1, 1], [], []>, transpose_lhs_hint = false} : vector<1000x128xf32>, vector<128x128xf32>, vector<1000x128xf32> -> vector<1000x128xf32>
    %add3A_17 = arith.addf %add3A_9, %dot_general3A_16 : vector<1000x128xf32>
    %swap3A = arith.constant 0 : index
    %swap3A_18 = arith.constant 0 : index
    %swap3A_19 = vector.load %arg6[%swap3A, %swap3A_18] : memref<1000x128xf32, #tpu.memory_space<vmem>>, vector<1000x128xf32>
    tpu.vector_store %arg6[%swap3A, %swap3A_18], %add3A_17 {strides = array<i32>} : memref<1000x128xf32, #tpu.memory_space<vmem>>, vector<1000x128xf32>,
    return
  }
  func.func @transform_0(%arg0: i32) -> (i32, i32) {
    %c0_i32 = arith.constant 0 : i32
    %c0_i32_0 = arith.constant 0 : i32
    return %arg0, %c0_i32 : i32, i32
  }
  func.func @transform_1(%arg0: i32) -> (i32, i32) {
    %c0_i32 = arith.constant 0 : i32
    %c0_i32_0 = arith.constant 0 : i32
    return %arg0, %c0_i32 : i32, i32
  }
  func.func @transform_2(%arg0: i32) -> (i32, i32) {
    %c0_i32 = arith.constant 0 : i32
    %c0_i32_0 = arith.constant 0 : i32
    return %arg0, %c0_i32 : i32, i32
  }
  func.func @transform_3(%arg0: i32) -> (i32, i32) {
    %c0_i32 = arith.constant 0 : i32
    %c0_i32_0 = arith.constant 0 : i32
    %c0_i32_1 = arith.constant 0 : i32
    return %c0_i32, %c0_i32_0 : i32, i32
  }
  func.func @transform_4(%arg0: i32) -> (i32, i32) {
    %c0_i32 = arith.constant 0 : i32
    %c0_i32_0 = arith.constant 0 : i32
    %c0_i32_1 = arith.constant 0 : i32
    return %c0_i32, %c0_i32_0 : i32, i32
  }
  func.func @transform_5(%arg0: i32) -> (i32, i32) {
    %c0_i32 = arith.constant 0 : i32
    %c0_i32_0 = arith.constant 0 : i32
    return %arg0, %c0_i32 : i32, i32
  }
}

</mosaic_0001>

<sc_bundles>
// kernel: kernel.6.cloned.1.call-start
scs
__scs_entry_jumppad:
0x0: {  	(pc) =	sbr.rel $0x88, $3  }
0x1: {  	(tag) =	ssettag $0x0;
	lr =	simm.s32 $0x1  }
0x2: {  	[smem:$0x3F94] =	sst lr;
	_ =	strace $0xD0000000  }
0x3: {  	_ = 	snop  }
0x4: {  	_ = 	snop  }
0x5: {  	_ = 	snop  }
0x6: {  	_ = 	snop  }
0x7: {  	_ = 	snop  }
__scs_overlays_trampoline_lowered:
0x8: {  	[smem:$0x3FA3] =	sst s0  }
0x9: {  	[smem:$0x3FA4] =	sst s1  }
0xa: {  	[smem:$0x3FA5] =	sst s2  }
0xb: {  	[smem:$0x3FA6] =	sst s3  }
0xc: {  	[smem:$0x3FA7] =	sst s4  }
0xd: {  	[smem:$0x3FA8] =	sst s5  }
0xe: {  	[smem:$0x3FA9] =	sst s6  }
0xf: {  	[smem:$0x3FAA] =	sst s7  }
0x10: {  	[smem:$0x3FAB] =	sst s8  }
0x11: {  	[smem:$0x3FAC] =	sst s9;
	s0 =	simm.s32 @!p0 $0x0  }
0x12: {  	s1 =	sld [smem:$0x3F92];
	s0 =	simm.s32 @p0 $0x1  }
0x13: {  	[smem:$0x3FAD] =	sst s0;
	s0 =	simm.s32 @!p1 $0x0  }
0x14: {  	s2 =	sld [smem:$0x3F91];
	s0 =	simm.s32 @p1 $0x1  }
0x15: {  	[smem:$0x3FAE] =	sst s0;
	s0 =	simm.s32 @!p2 $0x0  }
0x16: {  	s3 =	sld [smem:$0x3FDB];
	s0 =	simm.s32 @p2 $0x1  }
0x17: {  	s4 =	simm.s32 $0x1BF5;
	[smem:$0x3FB0] =	sst s0  }
0x18: {  	s0 =	sld [smem:$0x3F93];
	_ =	swait.ge [sflag:s4], $0x0  }
0x19: {  	s7 =	sld [smem:$0x3F94]  }
0x1a: {  	s8 =	sadd.s32 $0xFFFFE003, lr  }
0x1b: {  	s9 =	sadd.s32 $0xFFFFFEF7, lr;
	s5 =	simm.s32 $0xFFFFFFFF;
	p2 =	slt.u32 s8, $0xFFFFF086  }
0x1c: {  	p1 =	slt.u32 s9, $0xF7A;
	s5 =	simm.s32 @!p2 $0x0  }
0x1d: {  	s5 =	simm.s32 @p1 $0x1;
	p0 =	seq.s32 s7, s2  }
0x1e: {  	s7 =	smul.u32 @!p0 $0xF7A, s2;
	p2 =	seq.s32 @!p0 s5, $0x0  }
0x1f: {  	s9 =	smul.u32 $0xF7A, s1;
	s8 =	simm.s32 @!p0 $0x1BF5;
	p2 =	por !p2, p0  }
0x20: {  	[sflag:s8] =	ssyncset.s32 @!p0 $0xFFFFF086;
	s6 =	sadd.s32 @!p0 s3, s7;
	s7 =	simm.s32 @!p0 $0x108  }
0x21: {  	s3 =	sadd.s32 s3, s9;
	s6 =	sadd.s32 @!p0 $0x88, s6;
	s7 =	simm.s32 @p2 $0x1082  }
0x22: {  	[simem:s7], [sflag:s8] =	dma.local @!p0 [hbm:s6], $0xF7A  }
0x23: {  	s9 =	sor.u32 $0xD0000000, s2;
	s6 =	simm.s32 $0x108;
	_ =	swait.ge @!p0 [sflag:s8], $0x0  }
0x24: {  	s3 =	sadd.s32 $0x88, s3;
	s6 =	simm.s32 @!p1 $0x1082;
	[sflag:s4] =	ssyncset.s32 $0xFFFFF086  }
0x25: {  	[simem:s6], [sflag:s4] =	dma.local [hbm:s3], $0xF7A  }
0x26: {  	[smem:$0x3F94] =	sst s1;
	(tag) =	ssettag s2;
	_ =	strace s9  }
0x27: {  	s1 =	sld [smem:$0x3FA4]  }
0x28: {  	s2 =	sld [smem:$0x3FA5]  }
0x29: {  	s4 =	sld [smem:$0x3FA7]  }
0x2a: {  	p0 =	seq.s32 s5, $0x0;
	s5 =	sld [smem:$0x3FA8]  }
0x2b: {  	s6 =	sld [smem:$0x3FA9]  }
0x2c: {  	s7 =	sld [smem:$0x3FAA]  }
0x2d: {  	s3 =	simm.s32 $0x108;
	s8 =	sld [smem:$0x3FAB]  }
0x2e: {  	s3 =	simm.s32 @!p0 $0x1082;
	s9 =	sld [smem:$0x3FAC]  }
0x2f: {  	lr =	sadd.s32 s0, s3;
	s0 =	sld [smem:$0x3FA3]  }
0x30: {  	s3 =	sld [smem:$0x3FA6]  }
0x31: {  	[smem:$0x3FAF] =	sst s10  }
0x32: {  	s10 =	sld [smem:$0x3FAD];
	_ =	sdelay $0x3  }
0x33: {  	p0 =	seq.s32 s10, $0x1;
	s10 =	sld [smem:$0x3FAF];
	_ =	sdelay $0x3  }
0x34: {  	[smem:$0x3FAF] =	sst s10  }
0x35: {  	s10 =	sld [smem:$0x3FAE];
	_ =	sdelay $0x3  }
0x36: {  	p1 =	seq.s32 s10, $0x1;
	s10 =	sld [smem:$0x3FAF];
	_ =	sdelay $0x3  }
0x37: {  	[smem:$0x3FAF] =	sst s10  }
0x38: {  	s10 =	sld [smem:$0x3FB0]  }
0x39: {  	_ = 	snop;
	(pc) =	sbr.ind lr, $3  }
0x3a: {  	_ = 	snop  }
0x3b: {  	_ = 	snop  }
0x3c: {  	p2 =	seq.s32 s10, $0x1;
	s10 =	sld [smem:$0x3FAF]  }
0x3d: {  	_ =	shalt  }
0x3e: {  	_ =	shalt  }
0x3f: {  	_ =	shalt  }
0x40: {  	_ =	shalt  }
0x41: {  	_ =	shalt  }
0x42: {  	_ =	shalt  }
0x43: {  	_ =	shalt  }
0x44: {  	_ =	shalt  }
0x45: {  	_ =	shalt  }
0x46: {  	_ =	shalt  }
0x47: {  	_ =	shalt  }
0x48: {  	_ =	shalt  }
0x49: {  	_ =	shalt  }
0x4a: {  	_ =	shalt  }
0x4b: {  	_ =	shalt  }
0x4c: {  	_ =	shalt  }
0x4d: {  	_ =	shalt  }
0x4e: {  	_ =	shalt  }
0x4f: {  	_ =	shalt  }
0x50: {  	_ =	shalt  }
0x51: {  	_ =	shalt  }
0x52: {  	_ =	shalt  }
0x53: {  	_ =	shalt  }
0x54: {  	_ =	shalt  }
0x55: {  	_ =	shalt  }
0x56: {  	_ =	shalt  }
0x57: {  	_ =	shalt  }
0x58: {  	_ =	shalt  }
0x59: {  	_ =	shalt  }
0x5a: {  	_ =	shalt  }
0x5b: {  	_ =	shalt  }
0x5c: {  	_ =	shalt  }
0x5d: {  	_ =	shalt  }
0x5e: {  	_ =	shalt  }
0x5f: {  	_ =	shalt  }
0x60: {  	_ =	shalt  }
0x61: {  	_ =	shalt  }
0x62: {  	_ =	shalt  }
0x63: {  	_ =	shalt  }
0x64: {  	_ =	shalt  }
0x65: {  	_ =	shalt  }
0x66: {  	_ =	shalt  }
0x67: {  	_ =	shalt  }
0x68: {  	_ =	shalt  }
0x69: {  	_ =	shalt  }
0x6a: {  	_ =	shalt  }
0x6b: {  	_ =	shalt  }
0x6c: {  	_ =	shalt  }
0x6d: {  	_ =	shalt  }
0x6e: {  	_ =	shalt  }
0x6f: {  	_ =	shalt  }
0x70: {  	_ =	shalt  }
0x71: {  	_ =	shalt  }
0x72: {  	_ =	shalt  }
0x73: {  	_ =	shalt  }
0x74: {  	_ =	shalt  }
0x75: {  	_ =	shalt  }
0x76: {  	_ =	shalt  }
0x77: {  	_ =	shalt  }
0x78: {  	_ =	shalt  }
0x79: {  	_ =	shalt  }
0x7a: {  	_ =	shalt  }
0x7b: {  	_ =	shalt  }
0x7c: {  	_ =	shalt  }
0x7d: {  	_ =	shalt  }
0x7e: {  	_ =	shalt  }
0x7f: {  	_ =	shalt  }
0x80: {  	_ =	shalt  }
0x81: {  	_ =	shalt  }
0x82: {  	_ =	shalt  }
0x83: {  	_ =	shalt  }
0x84: {  	_ =	shalt  }
0x85: {  	_ =	shalt  }
0x86: {  	_ =	shalt  }
0x87: {  	_ =	shalt  }
.Lfunc_end0:
.L_simem_size_0:
called_computation_lowered:
.L_overlay_start_0:
0x88: {  	s2 =	sld [smem:$0x3FD9]  }
0x89: {  	s3 =	sld [smem:$0x3FFE];
	_ =	sdelay $0x1  }
0x8a: {  	s1 =	srdreg.scid  }
0x8b: {  	s0 =	sand.u32 $0x1, s1  }
0x8c: {  	s17 =	sshll.u32 s0, $0xA;
	s2 =	sadd.s32 s3, s2  }
0x8d: {  	s2 =	sadd.s32 s2, s17  }
0x8e: {  	[smem:$0x3FBB] =	sst s2  }
0x8f: {  	_ = 	snop  }
0x90: {  	s2 =	sld [smem:$0x3FD0];
	(tm) =	ssettm $0x1  }
0x91: {  	s18 =	sld [smem:$0x3FFB];
	_ =	sdelay $0x3  }
0x92: {  	_ =	strace s18  }
0x93: {  	s3 =	sld [smem:$0x3FFC];
	_ =	sdelay $0x3  }
0x94: {  	_ =	strace s3  }
0x95: {  	s3 =	sld [smem:$0x3FFD];
	_ =	sdelay $0x3  }
0x96: {  	_ =	strace s3  }
0x97: {  	_ =	strace $0x8FFFFFFF  }
0x98: {  	s19 =	sld [smem:$0x3FDB];
	_ =	sdelay $0x1  }
0x99: {  	s4 =	simm.s32 $_scs_section_size  }
0x9a: {  	s5 =	simm.s32 $_size__tile_overlayer_lowered;
	s6 =	simm.s32 $_tile_overlayer_lowered  }
0x9b: {  	s22 =	simm.s32 $0x1BFF;
	s21 =	sshll.u32 s6, $0x1;
	s3 =	sadd.s32 s4, s19  }
0x9c: {  	s7 =	simm.s32 $0x0;
	s20 =	sshll.u32 s5, $0x1;
	s5 =	sadd.s32 s21, s3  }
0x9d: {  	[timem:s7], [sflag:s22] =	dma.local [hbm:s5], s20  }
0x9e: {  	_ =	swait.ge [sflag:s22], s20  }
0x9f: {  	s4 =	ssub.s32 $0x0, s20;
	[sflag:s22] =	ssyncset.done $0x0  }
0xa0: {  	[sflag:s22] =	ssyncadd.s32 s4;
	_ =	sdelay $0x1  }
0xa1: {  	s23 =	simm.s32 $0x1B8B  }
0xa2: {  	_ =	swait.ge [sflag:s23], $0x1  }
0xa3: {  	[sflag:s23] =	ssyncset.done $0x0  }
0xa4: {  	s25 =	simm.s32 $0x1B8E;
	s24 =	sld [smem:$0x3FFE];
	[sflag:s23] =	ssyncadd.s32 $0xFFFFFFFF  }
0xa5: {  	s26 =	simm.s32 $execute0_lowered;
	[smem:$0x3FD2] =	sst s25  }
0xa6: {  	s5 =	sshll.u32 s26, $0x1;
	_ =	strace $0x80000046;
	[dreg:$0x1] =	wrdreg $0xFFFFFFFF  }
0xa7: {  	s28 =	simm.s32 $_size_execute0_lowered;
	s3 =	sadd.s32 s3, s5;
	[dreg:$0x0] =	wrdreg $0x0  }
0xa8: {  	s5 =	sshll.u32 s28, $0x1;
	[dreg:$0x2] =	wrdreg s3  }
0xa9: {  	[dreg:$0x3] =	wrdreg s5  }
0xaa: {  	[dreg:$0x4] =	wrdreg $0xC0  }
0xab: {  	_ =	task [dreg:s7], $0x5FFFF  }
0xac: {  	[dreg:$0x1] =	wrdreg $0xFFFFFFFF  }
0xad: {  	[dreg:$0x0] =	wrdreg $0x60  }
0xae: {  	[dreg:$0x2] =	wrdreg s24  }
0xaf: {  	[dreg:$0x3] =	wrdreg s2  }
0xb0: {  	[dreg:$0x4] =	wrdreg $0x66800  }
0xb1: {  	[dreg:$0x5] =	wrdreg $0x9  }
0xb2: {  	_ =	task.clear_ibuf [dreg:s7], $0x6FFFF;
	_ =	strace $0x90000046  }
0xb3: {  	s29 =	simm.s32 $0x9;
	_ =	strace $0x80000048  }
0xb4: {  	_ =	swait.ge [sflag:s29], $0x1  }
0xb5: {  	[sflag:s29] =	ssyncadd.s32 $0xFFFFFFFF  }
0xb6: {  	_ =	strace $0x90000048  }
0xb7: {  	_ =	sfence  }
0xb8: {  	s30 =	sld [smem:$0x0];
	_ =	sdelay $0x2  }
0xb9: {  	s31 =	sshll.u32 s1, $0xD;
	s1 =	sshrl.u32 s1, $0x2  }
0xba: {  	s3 =	sand.u32 $0x4000, s31;
	s1 =	sadd.s32 s1, s30  }
0xbb: {  	s0 =	sor.u32 s3, s0;
	s1 =	sshll.u32 s1, $0x11  }
0xbc: {  	s0 =	sor.u32 s1, s0  }
0xbd: {  	s0 =	sadd.s32 $0x8F2B, s0  }
0xbe: {  	[sflag:s0] =	ssyncadd.remote.s32 $0x1  }
0xbf: {  	_ =	sfence.sel $0xFFFF  }
0xc0: {  	[dreg:$0x0] =	wrdreg $0xFFFFFFFF;
	(pc) =	sbr.abs _section_cstart, $3  }
0xc1: {  	[dreg:$0x1] =	wrdreg $0xFFFFFFFF  }
0xc2: {  	_ =	task.clear_ibuf [dreg:s7], $0x2FFFF;
	_ =	strace $0x9FFFFFFF  }
0xc3: {  	(tm) =	ssettm $0x7FFFFFFF  }
tec
execute0_lowered:
.L_overlay_start_1:
0x0: {  	(tag) =	ssettag $0x1  }
0x1: {  	s0 =	rddreg [dreg:$0x0]  }
0x2: {  	s3 =	rddreg [dreg:$0x1]  }
0x3: {  	s1 =	rddreg [dreg:$0x2]  }
0x4: {  	s2 =	simm.s32 $0x0;
	s4 =	srdreg.scid;
	s17 =	stileid.u32  }
0x5: {  	[smem:$0x7FF] =	sst s2;
	s10 =	sand.u32 $0x1, s4;
	s4 =	sadd.s32 $0x1D6A00, s0  }
0x6: {  	s11 =	smul.u32 $0x1F400, s17;
	s5 =	sadd.s32 $0x3AB600, s0;
	s6 =	sadd.s32 $0x46800, s0  }
0x7: {  	s7 =	sadd.s32 $0x3CA00, s0;
	s8 =	sadd.s32 $0x32C00, s0;
	s14 =	smul.u32 $0x7D000, s17  }
0x8: {  	s24 =	smul.u32 $0x3E80, s17;
	p0 =	sgt.u32 s17, $0x9;
	_ =	strace $0x80000047  }
0x9: {  	s9 =	smul.u32 $0x138800, s10;
	s12 =	sshll.u32 s10, $0x4;
	s13 =	ssub.s32 $0x2, s10  }
0xa: {  	s12 =	sor.u32 s17, s12;
	s15 =	sshrl.u32 s13, $0x1;
	s14 =	sshrl.u32 s14, $0x2  }
0xb: {  	s3 =	sadd.s32 s3, s24;
	s11 =	sadd.s32 s11, s9;
	s9 =	sadd.s32 $0x1E00, s0  }
0xc: {  	s10 =	smul.u32 $0x2710, s12;
	s13 =	ssub.s32 s13, s15;
	s14 =	sadd.s32 s14, s1  }
0xd: {  	s12 =	smul.u32 $0x186A, s12;
	[dreg:$0x4] =	wrdreg s3;
	s31 =	smax.u32 s13, $0x1  }
0xe: {  	s11 =	sshrl.u32 s11, $0x3;
	s13 =	sshrl.u32 @!p0 s14, $0x3;
	[dreg:$0xa] =	wrdreg s31  }
0xf: {  	s16 =	sshrl.u32 s10, $0x3;
	s29 =	sadd.s32 s9, s12;
	[dreg:$0xc] =	wrdreg s13  }
0x10: {  	s11 =	sadd.s32 s11, s0;
	s25 =	sadd.s32 s6, s16;
	[dreg:$0x8] =	wrdreg s29  }
.Ltmp0:
0x11: {  	s26 =	sadd.s32 s7, s16;
	[dreg:$0x5] =	wrdreg s25;
	(pc) =	sbr.rel .LBB2_1-.Ltmp0, $4  }
0x12: {  	s28 =	sadd.s32 s8, s16;
	s16 =	sadd.s32 $0x3AB700, s0;
	[dreg:$0x6] =	wrdreg s26  }
0x13: {  	v2 =	vlaneseq.u32;
	s30 =	sadd.s32 $0x50600, s11;
	s0 =	sshll.u32 @!p0 s17, $0x6;
	[dreg:$0x7] =	wrdreg s28  }
0x14: {  	s23 =	simm.s32 $0x300;
	vm0 =	vmmov $0xffff;
	v1 =	vshrl.u32 v2, $0x3;
	[dreg:$0x9] =	wrdreg s30;
	s12 =	sor.u32 @!p0 $0x1C06, s0  }
0x15: {  	v0 =	vand.u32 $0x7, v2;
	v2 =	vor.u32 $0x8, v2;
	v1 =	vmul.u32 $0x8, v1;
	s24 =	simm.s32 $0x1;
	s3 =	simm.s32 $0x0;
	[dreg:$0xb] =	wrdreg s12  }
.LBB2_9:
0x16: {  	s0 =	simm.s32 $0x4  }
0x17: {  	_ =	swait.ge [sflag:s0], $0x800  }
0x18: {  	[sflag:s0] =	ssyncset.done $0x0  }
0x19: {  	s31 =	simm.s32 $0x5;
	[sflag:s0] =	ssyncadd.s32 $0xFFFFF800  }
0x1a: {  	_ =	swait.ge [sflag:s31], $0x800  }
0x1b: {  	[sflag:s31] =	ssyncset.done $0x0  }
0x1c: {  	[sflag:s31] =	ssyncadd.s32 $0xFFFFF800  }
0x1d: {  	[bflag:$0x0] =	sbarrier.arrive $0xFFFF  }
0x1e: {  	s0 =	rddreg [dreg:$0x9]  }
0x1f: {  	s12 =	rddreg [dreg:$0xb]  }
0x20: {  	s13 =	rddreg [dreg:$0xc]  }
0x21: {  	[hbm:s0], [sflag:s12] =	dma.local @!p0 [spmem:s13], $0x3E80  }
0x22: {  	s0 =	simm.s32 @!p0 $0x6  }
0x23: {  	_ =	swait.ge @!p0 [sflag:s0], $0x3E80  }
0x24: {  	s3 =	sadd.s32 $0x1, s3;
	s11 =	rddreg [dreg:$0xa]  }
0x25: {  	p1 =	sne.s32 s3, s11  }
.Ltmp1:
0x26: {  	_ = 	snop;
	(pc) =	sbr.rel @!p1 .LBB2_10-.Ltmp1, $3  }
0x27: {  	_ =	sdelay $0x1  }
0x28: {  	[sflag:s0] =	ssyncset.done @!p0 $0x0  }
0x29: {  	[sflag:s0] =	ssyncadd.s32 @!p0 $0xFFFFC180  }
.LBB2_1:
0x2a: {  	s0 =	rddreg [dreg:$0x4]  }
0x2b: {  	[spmem:s13], [sflag:s12] =	dma.local @!p0 [hbm:s0], $0x3E80  }
0x2c: {  	s0 =	simm.s32 @!p0 $0x6  }
0x2d: {  	_ =	swait.ge @!p0 [sflag:s0], $0x3E80  }
0x2e: {  	[sflag:s0] =	ssyncset.done @!p0 $0x0  }
0x2f: {  	[sflag:s0] =	ssyncadd.s32 @!p0 $0xFFFFC180  }
0x30: {  	[bflag:$0x0] =	sbarrier.arrive $0xFFFF  }
0x31: {  	s19 =	rddreg [dreg:$0x5]  }
0x32: {  	[tilespmem:s2], [sflag:$0x1] =	stream.linear.gather [hbm4b:s19+s2], $0x50, $0x38;
	[tilespmem:$0x19F00] =	vst v63  }
0x33: {  	s11 =	simm.s32 $0x100;
	s20 =	rddreg [dreg:$0x6]  }
0x34: {  	[tilespmem:s11], [sflag:$0x1] =	stream.linear.gather [hbm4b:s20+s2], $0x50, $0x38;
	[tilespmem:$0x19F00] =	vst v63  }
0x35: {  	s22 =	simm.s32 $0x200;
	s21 =	rddreg [dreg:$0x7]  }
0x36: {  	[tilespmem:s22], [sflag:$0x1] =	stream.linear.gather [hbm4b:s21+s2], $0x50, $0x38;
	[tilespmem:$0x19F00] =	vst v63  }
0x37: {  	s25 =	rddreg [dreg:$0x8]  }
0x38: {  	[tilespmem:s23], [sflag:$0x1] =	stream.linear.gather [hbm4b:s25+s2], $0x190, $0x38;
	[tilespmem:$0x19F00] =	vst v63  }
0x39: {  	_ =	swait.ge [sflag:s24], $0x50  }
0x3a: {  	[sflag:s24] =	ssyncset.done $0x0  }
0x3b: {  	[sflag:s24] =	ssyncadd.s32 $0xFFFFFFB0  }
0x3c: {  	_ =	swait.ge [sflag:s24], $0x50  }
0x3d: {  	[sflag:s24] =	ssyncset.done $0x0  }
0x3e: {  	[sflag:s24] =	ssyncadd.s32 $0xFFFFFFB0  }
0x3f: {  	_ =	swait.ge [sflag:s24], $0x50  }
0x40: {  	[sflag:s24] =	ssyncset.done $0x0  }
0x41: {  	[sflag:s24] =	ssyncadd.s32 $0xFFFFFFB0  }
0x42: {  	_ =	swait.ge [sflag:s24], $0x190  }
0x43: {  	[sflag:s24] =	ssyncset.done $0x0  }
0x44: {  	[sflag:s24] =	ssyncadd.s32 $0xFFFFFE70  }
0x45: {  	v3 =	vld [tilespmem:$0x100];
	_ =	sdelay $0x4  }
0x46: {  	v4 =	vld [tilespmem:$0x0];
	v5 =	vshll.u32 v3, $0x2  }
0x47: {  	v3 =	vand.u32 $0x7, v3;
	v5 =	vand.u32 $0xFFFFFFE0, v5  }
0x48: {  	v3 =	vor.u32 v3, v5  }
0x49: {  	v5 =	vperm.xlane v3, v0;
	_ =	sdelay $0x1  }
0x4a: {  	v5 =	vadd.s32 v1, v5;
	_ =	sdelay $0x1  }
0x4b: {  	s26 =	simm.s32 $0x680;
	v3 =	vperm.xlane v3, v2  }
0x4c: {  	[tilespmem:s26], [sflag:$0x2] =	stream.indirect_vreg.gather [hbm4b:s4+s2], $0x80, v4, vm0, $0xb8;
	[tilespmem:$0x19F00] =	vst v63  }
0x4d: {  	s28 =	simm.s32 $0x1680;
	v3 =	vadd.s32 v1, v3  }
0x4e: {  	[tilespmem:s28], [sflag:$0x2] =	stream.indirect_vreg.gather [hbm4b:s5+s2], $0x80, v5, vm0, $0xb8;
	[tilespmem:$0x19F00] =	vst v63  }
0x4f: {  	s29 =	simm.s32 $0x1E80  }
0x50: {  	[tilespmem:s29], [sflag:$0x2] =	stream.indirect_vreg.gather [hbm4b:s16+s2], $0x80, v5, vm0, $0xb8;
	[tilespmem:$0x19F00] =	vst v63  }
0x51: {  	s30 =	simm.s32 $0x2680;
	s31 =	simm.s32 $0x2E80  }
0x52: {  	[tilespmem:s30], [sflag:$0x2] =	stream.indirect_vreg.gather [hbm4b:s5+s2], $0x80, v3, vm0, $0xb8;
	[tilespmem:$0x19F00] =	vst v63  }
0x53: {  	p1 =	por $0x0, $0x0;
	s21 =	simm.s32 $0x0;
	s22 =	simm.s32 $0x0  }
0x54: {  	[tilespmem:s31], [sflag:$0x2] =	stream.indirect_vreg.gather [hbm4b:s16+s2], $0x80, v3, vm0, $0xb8;
	[tilespmem:$0x19F00] =	vst v63  }
.LBB2_2:
0x55: {  	s13 =	smul.u32 $0xCCCD, s22;
	_ =	sdelay $0x1  }
0x56: {  	s0 =	sadd.s32 $0xCCCD, s13  }
0x57: {  	s0 =	sshrl.u32 s0, $0x12  }
0x58: {  	s11 =	smul.u32 $0x5, s0  }
0x59: {  	s25 =	sadd.s32 $0x1, s22  }
0x5a: {  	p2 =	seq.s32 s22, $0x270;
	s11 =	ssub.s32 s25, s11  }
0x5b: {  	s12 =	sand.u32 @!p2 $0xFFFF, s11  }
0x5c: {  	p3 =	sne.s32 @!p2 s12, $0x0  }
0x5d: {  	p3 =	por p2, p3  }
.Ltmp2:
0x5e: {  	_ = 	snop;
	(pc) =	sbr.rel @p3 .LBB2_4-.Ltmp2, $1  }
0x5f: {  	_ =	sdelay $0x3  }
0x60: {  	_ =	swait.ge [sflag:s24], $0x50  }
0x61: {  	[sflag:s24] =	ssyncset.done $0x0  }
0x62: {  	[sflag:s24] =	ssyncadd.s32 $0xFFFFFFB0  }
0x63: {  	_ =	swait.ge [sflag:s24], $0x50  }
0x64: {  	[sflag:s24] =	ssyncset.done $0x0  }
0x65: {  	[sflag:s24] =	ssyncadd.s32 $0xFFFFFFB0  }
0x66: {  	_ =	swait.ge [sflag:s24], $0x50  }
0x67: {  	[sflag:s24] =	ssyncset.done $0x0  }
0x68: {  	[sflag:s24] =	ssyncadd.s32 $0xFFFFFFB0  }
0x69: {  	_ =	swait.ge [sflag:s24], $0x190  }
0x6a: {  	[sflag:s24] =	ssyncset.done $0x0  }
0x6b: {  	[sflag:s24] =	ssyncadd.s32 $0xFFFFFE70  }
.LBB2_5:
0x6c: {  	s0 =	sand.u32 $0x1, s0  }
0x6d: {  	s11 =	sshll.u32 s11, $0x4;
	p2 =	seq.s32 s0, $0x1;
	s0 =	simm.s32 $0x50  }
0x6e: {  	s11 =	sand.u32 $0xFFF0, s11;
	s0 =	simm.s32 @!p2 $0x0  }
0x6f: {  	s0 =	sadd.s32 s11, s0  }
0x70: {  	v3 =	vld [tilespmem:s0+$0x100];
	_ =	sdelay $0x4  }
0x71: {  	v4 =	vld [tilespmem:s0+$0x0];
	v5 =	vshll.u32 v3, $0x2  }
0x72: {  	v3 =	vand.u32 $0x7, v3;
	v5 =	vand.u32 $0xFFFFFFE0, v5  }
0x73: {  	v3 =	vor.u32 v3, v5  }
0x74: {  	v5 =	vperm.xlane v3, v0  }
0x75: {  	s26 =	sand.u32 $0x1, s25  }
0x76: {  	s28 =	sshll.u32 s26, $0xD;
	v5 =	vadd.s32 v1, v5  }
0x77: {  	s12 =	sshrl.u32 s28, $0x2  }
0x78: {  	s12 =	sor.u32 $0x680, s12;
	s0 =	sor.u32 $0x2, s26;
	v3 =	vperm.xlane v3, v2  }
0x79: {  	[tilespmem:s12], [sflag:s0] =	stream.indirect_vreg.gather [hbm4b:s4+s2], $0x80, v4, vm0, $0xb8;
	[tilespmem:$0x19F00] =	vst v63  }
0x7a: {  	s29 =	sor.u32 $0x1680, s28;
	v3 =	vadd.s32 v1, v3  }
0x7b: {  	[tilespmem:s29], [sflag:s0] =	stream.indirect_vreg.gather [hbm4b:s5+s2], $0x80, v5, vm0, $0xb8;
	[tilespmem:$0x19F00] =	vst v63  }
0x7c: {  	s30 =	sor.u32 $0x1E80, s28  }
0x7d: {  	[tilespmem:s30], [sflag:s0] =	stream.indirect_vreg.gather [hbm4b:s16+s2], $0x80, v5, vm0, $0xb8;
	[tilespmem:$0x19F00] =	vst v63  }
0x7e: {  	s31 =	sadd.s32 $0x2680, s28  }
0x7f: {  	[tilespmem:s31], [sflag:s0] =	stream.indirect_vreg.gather [hbm4b:s5+s2], $0x80, v3, vm0, $0xb8;
	[tilespmem:$0x19F00] =	vst v63  }
0x80: {  	s11 =	sadd.s32 $0x2E80, s28  }
0x81: {  	[tilespmem:s11], [sflag:s0] =	stream.indirect_vreg.gather [hbm4b:s16+s2], $0x80, v3, vm0, $0xb8;
	[tilespmem:$0x19F00] =	vst v63  }
.LBB2_6:
0x82: {  	s0 =	smulhi.u32 $0xCCCCCCCD, s22;
	s26 =	sand.u32 $0x1, s22  }
0x83: {  	s14 =	simm.s32 $0x1;
	s12 =	sor.u32 $0x2, s26  }
0x84: {  	p2 =	slt.u32 s22, $0x2;
	s0 =	sshrl.u32 s0, $0x2;
	_ =	swait.ge [sflag:s12], $0x800  }
0x85: {  	s14 =	simm.s32 @!p1 $0x0;
	s11 =	sand.u32 $0x1, s0;
	[sflag:s12] =	ssyncset.done $0x0  }
0x86: {  	s18 =	sshll.u32 s14, $0xB;
	s11 =	smul.u32 $0x1A0, s11;
	[sflag:s12] =	ssyncadd.s32 $0xFFFFF800  }
0x87: {  	s0 =	smul.u32 $0x190, s0;
	s14 =	sor.u32 $0x700, s18;
	_ =	swait.ge [sflag:s12], $0x2000  }
0x88: {  	s28 =	sshll.u32 s26, $0xD;
	v3 =	vmov s14;
	s11 =	sadd.s32 s11, s21;
	[sflag:s12] =	ssyncset.done $0x0  }
0x89: {  	s17 =	ssub.s32 s11, s0;
	[sflag:s12] =	ssyncadd.s32 $0xFFFFE000;
	s0 =	sor.u32 @!p2 $0x4, s26  }
0x8a: {  	s14 =	simm.s32 $0x0;
	s12 =	simm.s32 $0x0;
	_ =	swait.ge @!p2 [sflag:s0], $0x800;
	v4 =	vmov s17  }
0x8b: {  	s11 =	sor.u32 $0x1680, s28;
	s20 =	sand.u32 $0x1000, s12;
	[sflag:s0] =	ssyncset.done @!p2 $0x0;
	v5 =	vor.u32 $0x1, v4  }
0x8c: {  	s15 =	sand.u32 $0x300, s12;
	[sflag:s0] =	ssyncadd.s32 @!p2 $0xFFFFF800;
	s0 =	sadd.s32 s20, s11  }
0x8d: {  	v6 =	vadd.s32 $0x2, v4;
	v7 =	vld.idx.msk [tilespmem:v3+s14+$0xFFFFFF80 ss:$0x1], $0xffff;
	s15 =	sadd.s32 s15, s0  }
0x8e: {  	v10 =	vld [tilespmem:s15+$0x0]  }
0x8f: {  	v8 =	vadd.s32 $0x3, v4;
	v9 =	vld.idx.msk [tilespmem:v4+s23+$0x0], $0xffff  }
0x90: {  	v4 =	vadd.s32 $0x4, v4;
	v5 =	vld.idx.msk [tilespmem:v5+s23+$0x0], $0xffff  }
0x91: {  	v11 =	vld [tilespmem:s15+$0x400]  }
0x92: {  	v6 =	vld.idx.msk [tilespmem:v6+s23+$0x0], $0xffff  }
0x93: {  	v12 =	vld [tilespmem:s15+$0x800]  }
0x94: {  	v8 =	vld.idx.msk [tilespmem:v8+s23+$0x0], $0xffff  }
0x95: {  	v13 =	vld.idx.msk [tilespmem:v4+s23+$0x0], $0xffff;
	v4 =	vmul.f32 v7, v9;
	v7 =	vmul.f32 v10, v5  }
0x96: {  	v18 =	vld [tilespmem:s15+$0xC00]  }
0x97: {  	v4 =	vadd.f32 v7, v4;
	v7 =	vmul.f32 v11, v6;
	_ =	sdelay $0x1  }
0x98: {  	s18 =	sor.u32 $0x5700, s18;
	v19 =	vmul.f32 v12, v8;
	v7 =	vadd.f32 v7, v4  }
0x99: {  	v4 =	vmov s18  }
0x9a: {  	v10 =	vmul.f32 v18, v13;
	v7 =	vadd.f32 v19, v7;
	_ =	sdelay $0x1  }
0x9b: {  	v7 =	vadd.f32 v10, v7;
	_ =	sdelay $0x1  }
0x9c: {  	[tilespmem:v4+s14+$0xFFFFFF80 ss:$0x1] =	vst.idx.msk $0xffff, v7  }
0x9d: {  	v7 =	vld.idx.msk [tilespmem:v3+s14+$0xFFFFFF90 ss:$0x1], $0xffff  }
0x9e: {  	v20 =	vld [tilespmem:s15+$0x10];
	_ =	sdelay $0x1  }
0x9f: {  	v21 =	vld [tilespmem:s15+$0x410];
	_ =	sdelay $0x1  }
0xa0: {  	v22 =	vld [tilespmem:s15+$0x810]  }
0xa1: {  	v7 =	vmul.f32 v7, v9;
	v10 =	vmul.f32 v20, v5  }
0xa2: {  	v14 =	vld [tilespmem:s15+$0xC10]  }
0xa3: {  	v23 =	vmul.f32 v21, v6;
	v7 =	vadd.f32 v10, v7;
	_ =	sdelay $0x1  }
0xa4: {  	v24 =	vmul.f32 v22, v8;
	v7 =	vadd.f32 v23, v7;
	_ =	sdelay $0x1  }
0xa5: {  	v25 =	vmul.f32 v14, v13;
	v7 =	vadd.f32 v24, v7;
	_ =	sdelay $0x1  }
0xa6: {  	v7 =	vadd.f32 v25, v7;
	_ =	sdelay $0x1  }
0xa7: {  	[tilespmem:v4+s14+$0xFFFFFF90 ss:$0x1] =	vst.idx.msk $0xffff, v7  }
0xa8: {  	v7 =	vld.idx.msk [tilespmem:v3+s14+$0xFFFFFFA0 ss:$0x1], $0xffff  }
0xa9: {  	v26 =	vld [tilespmem:s15+$0x20];
	_ =	sdelay $0x1  }
0xaa: {  	v27 =	vld [tilespmem:s15+$0x420];
	_ =	sdelay $0x1  }
0xab: {  	v28 =	vld [tilespmem:s15+$0x820]  }
0xac: {  	v7 =	vmul.f32 v7, v9;
	v10 =	vmul.f32 v26, v5  }
0xad: {  	v29 =	vld [tilespmem:s15+$0xC20]  }
0xae: {  	v30 =	vmul.f32 v27, v6;
	v7 =	vadd.f32 v10, v7;
	_ =	sdelay $0x1  }
0xaf: {  	v31 =	vmul.f32 v28, v8;
	v7 =	vadd.f32 v30, v7;
	_ =	sdelay $0x1  }
0xb0: {  	v32 =	vmul.f32 v29, v13;
	v7 =	vadd.f32 v31, v7;
	_ =	sdelay $0x1  }
0xb1: {  	v7 =	vadd.f32 v32, v7;
	_ =	sdelay $0x1  }
0xb2: {  	[tilespmem:v4+s14+$0xFFFFFFA0 ss:$0x1] =	vst.idx.msk $0xffff, v7  }
0xb3: {  	v7 =	vld.idx.msk [tilespmem:v3+s14+$0xFFFFFFB0 ss:$0x1], $0xffff  }
0xb4: {  	v33 =	vld [tilespmem:s15+$0x30];
	_ =	sdelay $0x1  }
0xb5: {  	v34 =	vld [tilespmem:s15+$0x430];
	_ =	sdelay $0x1  }
0xb6: {  	v35 =	vld [tilespmem:s15+$0x830]  }
0xb7: {  	v7 =	vmul.f32 v7, v9;
	v10 =	vmul.f32 v33, v5  }
0xb8: {  	v36 =	vld [tilespmem:s15+$0xC30]  }
0xb9: {  	v37 =	vmul.f32 v34, v6;
	v7 =	vadd.f32 v10, v7;
	_ =	sdelay $0x1  }
0xba: {  	v38 =	vmul.f32 v35, v8;
	v7 =	vadd.f32 v37, v7;
	_ =	sdelay $0x1  }
0xbb: {  	v39 =	vmul.f32 v36, v13;
	v7 =	vadd.f32 v38, v7;
	_ =	sdelay $0x1  }
0xbc: {  	v7 =	vadd.f32 v39, v7;
	_ =	sdelay $0x1  }
0xbd: {  	[tilespmem:v4+s14+$0xFFFFFFB0 ss:$0x1] =	vst.idx.msk $0xffff, v7  }
0xbe: {  	v7 =	vld.idx.msk [tilespmem:v3+s14+$0xFFFFFFC0 ss:$0x1], $0xffff  }
0xbf: {  	v40 =	vld [tilespmem:s15+$0x40];
	_ =	sdelay $0x1  }
0xc0: {  	v41 =	vld [tilespmem:s15+$0x440];
	_ =	sdelay $0x1  }
0xc1: {  	v42 =	vld [tilespmem:s15+$0x840]  }
0xc2: {  	v7 =	vmul.f32 v7, v9;
	v10 =	vmul.f32 v40, v5  }
0xc3: {  	v43 =	vld [tilespmem:s15+$0xC40]  }
0xc4: {  	v44 =	vmul.f32 v41, v6;
	v7 =	vadd.f32 v10, v7;
	_ =	sdelay $0x1  }
0xc5: {  	v45 =	vmul.f32 v42, v8;
	v7 =	vadd.f32 v44, v7;
	_ =	sdelay $0x1  }
0xc6: {  	v46 =	vmul.f32 v43, v13;
	v7 =	vadd.f32 v45, v7;
	_ =	sdelay $0x1  }
0xc7: {  	v7 =	vadd.f32 v46, v7;
	_ =	sdelay $0x1  }
0xc8: {  	[tilespmem:v4+s14+$0xFFFFFFC0 ss:$0x1] =	vst.idx.msk $0xffff, v7  }
0xc9: {  	v7 =	vld.idx.msk [tilespmem:v3+s14+$0xFFFFFFD0 ss:$0x1], $0xffff  }
0xca: {  	v47 =	vld [tilespmem:s15+$0x50];
	_ =	sdelay $0x1  }
0xcb: {  	v48 =	vld [tilespmem:s15+$0x450];
	_ =	sdelay $0x1  }
0xcc: {  	v49 =	vld [tilespmem:s15+$0x850]  }
0xcd: {  	v7 =	vmul.f32 v7, v9;
	v10 =	vmul.f32 v47, v5  }
0xce: {  	v50 =	vld [tilespmem:s15+$0xC50]  }
0xcf: {  	v51 =	vmul.f32 v48, v6;
	v7 =	vadd.f32 v10, v7;
	_ =	sdelay $0x1  }
0xd0: {  	v52 =	vmul.f32 v49, v8;
	v7 =	vadd.f32 v51, v7;
	_ =	sdelay $0x1  }
0xd1: {  	v53 =	vmul.f32 v50, v13;
	v7 =	vadd.f32 v52, v7;
	_ =	sdelay $0x1  }
0xd2: {  	v7 =	vadd.f32 v53, v7;
	_ =	sdelay $0x1  }
0xd3: {  	[tilespmem:v4+s14+$0xFFFFFFD0 ss:$0x1] =	vst.idx.msk $0xffff, v7  }
0xd4: {  	v7 =	vld.idx.msk [tilespmem:v3+s14+$0xFFFFFFE0 ss:$0x1], $0xffff  }
0xd5: {  	v54 =	vld [tilespmem:s15+$0x60];
	_ =	sdelay $0x1  }
0xd6: {  	v55 =	vld [tilespmem:s15+$0x460];
	_ =	sdelay $0x1  }
0xd7: {  	v56 =	vld [tilespmem:s15+$0x860]  }
0xd8: {  	v7 =	vmul.f32 v7, v9;
	v10 =	vmul.f32 v54, v5  }
0xd9: {  	v57 =	vld [tilespmem:s15+$0xC60]  }
0xda: {  	v58 =	vmul.f32 v55, v6;
	v7 =	vadd.f32 v10, v7;
	_ =	sdelay $0x1  }
0xdb: {  	v59 =	vmul.f32 v56, v8;
	v7 =	vadd.f32 v58, v7;
	_ =	sdelay $0x1  }
0xdc: {  	v60 =	vmul.f32 v57, v13;
	v7 =	vadd.f32 v59, v7;
	_ =	sdelay $0x1  }
0xdd: {  	v7 =	vadd.f32 v60, v7;
	_ =	sdelay $0x1  }
0xde: {  	[tilespmem:v4+s14+$0xFFFFFFE0 ss:$0x1] =	vst.idx.msk $0xffff, v7  }
0xdf: {  	v7 =	vld.idx.msk [tilespmem:v3+s14+$0xFFFFFFF0 ss:$0x1], $0xffff  }
0xe0: {  	v61 =	vld [tilespmem:s15+$0x70];
	_ =	sdelay $0x1  }
0xe1: {  	v62 =	vld [tilespmem:s15+$0x470];
	_ =	sdelay $0x1  }
0xe2: {  	v63 =	vld [tilespmem:s15+$0x870]  }
0xe3: {  	v7 =	vmul.f32 v7, v9;
	v5 =	vmul.f32 v61, v5  }
0xe4: {  	v15 =	vld [tilespmem:s15+$0xC70]  }
0xe5: {  	v6 =	vmul.f32 v62, v6;
	v5 =	vadd.f32 v5, v7;
	_ =	sdelay $0x1  }
0xe6: {  	v5 =	vadd.f32 v6, v5;
	v6 =	vmul.f32 v63, v8;
	_ =	sdelay $0x1  }
0xe7: {  	v5 =	vadd.f32 v6, v5;
	v6 =	vmul.f32 v15, v13  }
0xe8: {  	s18 =	sadd.s32 $0x5, s17  }
0xe9: {  	s19 =	simm.s32 $0x80;
	v7 =	vmov s18;
	v5 =	vadd.f32 v6, v5  }
0xea: {  	s15 =	sand.u32 $0x380, s19;
	v6 =	vadd.s32 $0x1, v7  }
0xeb: {  	s0 =	sadd.s32 s15, s0;
	[tilespmem:v4+s14+$0xFFFFFFF0 ss:$0x1] =	vst.idx.msk $0xffff, v5  }
0xec: {  	v5 =	vadd.s32 $0x2, v7;
	v8 =	vld [tilespmem:s0+$0x0]  }
0xed: {  	v16 =	vadd.s32 $0x3, v7;
	v17 =	vld.idx.msk [tilespmem:v3+s14+$0x0 ss:$0x1], $0xffff  }
0xee: {  	v18 =	vld.idx.msk [tilespmem:v7+s23+$0x0], $0xffff  }
0xef: {  	v6 =	vld.idx.msk [tilespmem:v6+s23+$0x0], $0xffff  }
0xf0: {  	v7 =	vadd.s32 $0x4, v7;
	v19 =	vld [tilespmem:s0+$0x400]  }
0xf1: {  	v5 =	vld.idx.msk [tilespmem:v5+s23+$0x0], $0xffff  }
0xf2: {  	v9 =	vld.idx.msk [tilespmem:v16+s23+$0x0], $0xffff  }
0xf3: {  	v20 =	vld [tilespmem:s0+$0x800]  }
0xf4: {  	v21 =	vld [tilespmem:s0+$0xC00];
	v10 =	vmul.f32 v17, v18;
	v8 =	vmul.f32 v8, v6  }
0xf5: {  	v7 =	vld.idx.msk [tilespmem:v7+s23+$0x0], $0xffff  }
0xf6: {  	v12 =	vmul.f32 v19, v5;
	v8 =	vadd.f32 v8, v10;
	_ =	sdelay $0x1  }
0xf7: {  	v22 =	vmul.f32 v20, v9;
	v8 =	vadd.f32 v12, v8;
	_ =	sdelay $0x1  }
0xf8: {  	v23 =	vmul.f32 v21, v7;
	v8 =	vadd.f32 v22, v8;
	_ =	sdelay $0x1  }
0xf9: {  	v8 =	vadd.f32 v23, v8;
	_ =	sdelay $0x1  }
0xfa: {  	[tilespmem:v4+s14+$0x0 ss:$0x1] =	vst.idx.msk $0xffff, v8  }
0xfb: {  	v8 =	vld.idx.msk [tilespmem:v3+s14+$0x10 ss:$0x1], $0xffff  }
0xfc: {  	v24 =	vld [tilespmem:s0+$0x10];
	_ =	sdelay $0x1  }
0xfd: {  	v25 =	vld [tilespmem:s0+$0x410];
	_ =	sdelay $0x1  }
0xfe: {  	v26 =	vld [tilespmem:s0+$0x810]  }
0xff: {  	v8 =	vmul.f32 v8, v18;
	v10 =	vmul.f32 v24, v6  }
0x100: {  	v27 =	vld [tilespmem:s0+$0xC10]  }
0x101: {  	v12 =	vmul.f32 v25, v5;
	v8 =	vadd.f32 v10, v8;
	_ =	sdelay $0x1  }
0x102: {  	v28 =	vmul.f32 v26, v9;
	v8 =	vadd.f32 v12, v8;
	_ =	sdelay $0x1  }
0x103: {  	v29 =	vmul.f32 v27, v7;
	v8 =	vadd.f32 v28, v8;
	_ =	sdelay $0x1  }
0x104: {  	v8 =	vadd.f32 v29, v8;
	_ =	sdelay $0x1  }
0x105: {  	[tilespmem:v4+s14+$0x10 ss:$0x1] =	vst.idx.msk $0xffff, v8  }
0x106: {  	v8 =	vld.idx.msk [tilespmem:v3+s14+$0x20 ss:$0x1], $0xffff  }
0x107: {  	v30 =	vld [tilespmem:s0+$0x20];
	_ =	sdelay $0x1  }
0x108: {  	v31 =	vld [tilespmem:s0+$0x420];
	_ =	sdelay $0x1  }
0x109: {  	v32 =	vld [tilespmem:s0+$0x820]  }
0x10a: {  	v8 =	vmul.f32 v8, v18;
	v10 =	vmul.f32 v30, v6  }
0x10b: {  	v33 =	vld [tilespmem:s0+$0xC20]  }
0x10c: {  	v12 =	vmul.f32 v31, v5;
	v8 =	vadd.f32 v10, v8;
	_ =	sdelay $0x1  }
0x10d: {  	v34 =	vmul.f32 v32, v9;
	v8 =	vadd.f32 v12, v8;
	_ =	sdelay $0x1  }
0x10e: {  	v35 =	vmul.f32 v33, v7;
	v8 =	vadd.f32 v34, v8;
	_ =	sdelay $0x1  }
0x10f: {  	v8 =	vadd.f32 v35, v8;
	_ =	sdelay $0x1  }
0x110: {  	[tilespmem:v4+s14+$0x20 ss:$0x1] =	vst.idx.msk $0xffff, v8  }
0x111: {  	v8 =	vld.idx.msk [tilespmem:v3+s14+$0x30 ss:$0x1], $0xffff  }
0x112: {  	v36 =	vld [tilespmem:s0+$0x30];
	_ =	sdelay $0x1  }
0x113: {  	v37 =	vld [tilespmem:s0+$0x430];
	_ =	sdelay $0x1  }
0x114: {  	v38 =	vld [tilespmem:s0+$0x830]  }
0x115: {  	v8 =	vmul.f32 v8, v18;
	v10 =	vmul.f32 v36, v6  }
0x116: {  	v39 =	vld [tilespmem:s0+$0xC30]  }
0x117: {  	v12 =	vmul.f32 v37, v5;
	v8 =	vadd.f32 v10, v8;
	_ =	sdelay $0x1  }
0x118: {  	v40 =	vmul.f32 v38, v9;
	v8 =	vadd.f32 v12, v8;
	_ =	sdelay $0x1  }
0x119: {  	v41 =	vmul.f32 v39, v7;
	v8 =	vadd.f32 v40, v8;
	_ =	sdelay $0x1  }
0x11a: {  	v8 =	vadd.f32 v41, v8;
	_ =	sdelay $0x1  }
0x11b: {  	[tilespmem:v4+s14+$0x30 ss:$0x1] =	vst.idx.msk $0xffff, v8  }
0x11c: {  	v8 =	vld.idx.msk [tilespmem:v3+s14+$0x40 ss:$0x1], $0xffff  }
0x11d: {  	v42 =	vld [tilespmem:s0+$0x40];
	_ =	sdelay $0x1  }
0x11e: {  	v43 =	vld [tilespmem:s0+$0x440];
	_ =	sdelay $0x1  }
0x11f: {  	v44 =	vld [tilespmem:s0+$0x840]  }
0x120: {  	v8 =	vmul.f32 v8, v18;
	v10 =	vmul.f32 v42, v6  }
0x121: {  	v45 =	vld [tilespmem:s0+$0xC40]  }
0x122: {  	v12 =	vmul.f32 v43, v5;
	v8 =	vadd.f32 v10, v8;
	_ =	sdelay $0x1  }
0x123: {  	v46 =	vmul.f32 v44, v9;
	v8 =	vadd.f32 v12, v8;
	_ =	sdelay $0x1  }
0x124: {  	v47 =	vmul.f32 v45, v7;
	v8 =	vadd.f32 v46, v8;
	_ =	sdelay $0x1  }
0x125: {  	v8 =	vadd.f32 v47, v8;
	_ =	sdelay $0x1  }
0x126: {  	[tilespmem:v4+s14+$0x40 ss:$0x1] =	vst.idx.msk $0xffff, v8  }
0x127: {  	v8 =	vld.idx.msk [tilespmem:v3+s14+$0x50 ss:$0x1], $0xffff  }
0x128: {  	v48 =	vld [tilespmem:s0+$0x50];
	_ =	sdelay $0x1  }
0x129: {  	v49 =	vld [tilespmem:s0+$0x450];
	_ =	sdelay $0x1  }
0x12a: {  	v50 =	vld [tilespmem:s0+$0x850]  }
0x12b: {  	v8 =	vmul.f32 v8, v18;
	v10 =	vmul.f32 v48, v6  }
0x12c: {  	v51 =	vld [tilespmem:s0+$0xC50]  }
0x12d: {  	v12 =	vmul.f32 v49, v5;
	v8 =	vadd.f32 v10, v8;
	_ =	sdelay $0x1  }
0x12e: {  	v52 =	vmul.f32 v50, v9;
	v8 =	vadd.f32 v12, v8;
	_ =	sdelay $0x1  }
0x12f: {  	v53 =	vmul.f32 v51, v7;
	v8 =	vadd.f32 v52, v8;
	_ =	sdelay $0x1  }
0x130: {  	v8 =	vadd.f32 v53, v8;
	_ =	sdelay $0x1  }
0x131: {  	[tilespmem:v4+s14+$0x50 ss:$0x1] =	vst.idx.msk $0xffff, v8  }
0x132: {  	v8 =	vld.idx.msk [tilespmem:v3+s14+$0x60 ss:$0x1], $0xffff  }
0x133: {  	v54 =	vld [tilespmem:s0+$0x60];
	_ =	sdelay $0x1  }
0x134: {  	v55 =	vld [tilespmem:s0+$0x460];
	_ =	sdelay $0x1  }
0x135: {  	v56 =	vld [tilespmem:s0+$0x860]  }
0x136: {  	v8 =	vmul.f32 v8, v18;
	v10 =	vmul.f32 v54, v6  }
0x137: {  	v57 =	vld [tilespmem:s0+$0xC60]  }
0x138: {  	v12 =	vmul.f32 v55, v5;
	v8 =	vadd.f32 v10, v8;
	_ =	sdelay $0x1  }
0x139: {  	v58 =	vmul.f32 v56, v9;
	v8 =	vadd.f32 v12, v8;
	_ =	sdelay $0x1  }
0x13a: {  	v59 =	vmul.f32 v57, v7;
	v8 =	vadd.f32 v58, v8;
	_ =	sdelay $0x1  }
0x13b: {  	v8 =	vadd.f32 v59, v8;
	_ =	sdelay $0x1  }
0x13c: {  	[tilespmem:v4+s14+$0x60 ss:$0x1] =	vst.idx.msk $0xffff, v8  }
0x13d: {  	v8 =	vld.idx.msk [tilespmem:v3+s14+$0x70 ss:$0x1], $0xffff  }
0x13e: {  	v60 =	vld [tilespmem:s0+$0x70];
	_ =	sdelay $0x1  }
0x13f: {  	v61 =	vld [tilespmem:s0+$0x470];
	_ =	sdelay $0x1  }
0x140: {  	v62 =	vld [tilespmem:s0+$0x870]  }
0x141: {  	v8 =	vmul.f32 v8, v18;
	v6 =	vmul.f32 v60, v6  }
0x142: {  	s29 =	sshrl.u32 s13, $0x12;
	v63 =	vld [tilespmem:s0+$0xC70]  }
0x143: {  	s20 =	smul.u32 $0x5, s29;
	v5 =	vmul.f32 v61, v5;
	v6 =	vadd.f32 v6, v8;
	_ =	sdelay $0x1  }
0x144: {  	s30 =	ssub.s32 s22, s20;
	v8 =	vmul.f32 v62, v9;
	v6 =	vadd.f32 v5, v6  }
0x145: {  	s31 =	simm.s32 $0x800;
	s13 =	sand.u32 $0xFFFF, s30  }
0x146: {  	s17 =	sadd.s32 $0xA, s17;
	s15 =	sand.u32 $0x1, s29;
	s18 =	simm.s32 $0x400;
	v5 =	vmul.f32 v63, v7;
	v6 =	vadd.f32 v8, v6  }
.LBB2_7:
0x147: {  	p2 =	sne.s32 s31, $0x1C00  }
0x148: {  	v7 =	vmov s17;
	s12 =	sadd.s32 $0x100, s12;
	s0 =	smov.u32 s31;
	s31 =	sadd.s32 $0x400, s31  }
0x149: {  	v8 =	vor.u32 $0x1, v7;
	v9 =	vadd.s32 $0x2, v7;
	v5 =	vadd.f32 v5, v6  }
0x14a: {  	v10 =	vadd.s32 $0x3, v7;
	v11 =	vadd.s32 $0x4, v7  }
0x14b: {  	[tilespmem:v4+s14+$0x70 ss:$0x1] =	vst.idx.msk $0xffff, v5;
	s14 =	sshra.s32 s18, $0x2  }
0x14c: {  	s19 =	sand.u32 $0x1000, s18;
	s18 =	smov.u32 s0;
	v12 =	vld.idx.msk [tilespmem:v3+s14+$0xFFFFFF80 ss:$0x1], $0xffff  }
0x14d: {  	s20 =	sand.u32 $0x300, s12;
	s0 =	sadd.s32 s19, s11;
	v5 =	vld.idx.msk [tilespmem:v7+s23+$0x0], $0xffff  }
0x14e: {  	s19 =	sadd.s32 s20, s0;
	v6 =	vld.idx.msk [tilespmem:v8+s23+$0x0], $0xffff  }
0x14f: {  	v13 =	vld [tilespmem:s19+$0x0]  }
0x150: {  	v7 =	vld.idx.msk [tilespmem:v9+s23+$0x0], $0xffff  }
0x151: {  	v14 =	vld [tilespmem:s19+$0x400]  }
0x152: {  	v8 =	vld.idx.msk [tilespmem:v10+s23+$0x0], $0xffff  }
0x153: {  	v10 =	vld [tilespmem:s19+$0x800]  }
0x154: {  	v9 =	vld.idx.msk [tilespmem:v11+s23+$0x0], $0xffff;
	v11 =	vmul.f32 v12, v5;
	v12 =	vmul.f32 v13, v6  }
0x155: {  	v13 =	vld [tilespmem:s19+$0xC00]  }
0x156: {  	v11 =	vadd.f32 v12, v11;
	v12 =	vmul.f32 v14, v7;
	_ =	sdelay $0x1  }
0x157: {  	v11 =	vadd.f32 v12, v11;
	v10 =	vmul.f32 v10, v8;
	_ =	sdelay $0x1  }
0x158: {  	v10 =	vadd.f32 v10, v11;
	v11 =	vmul.f32 v13, v9;
	_ =	sdelay $0x1  }
0x159: {  	v10 =	vadd.f32 v11, v10;
	_ =	sdelay $0x1  }
0x15a: {  	[tilespmem:v4+s14+$0xFFFFFF80 ss:$0x1] =	vst.idx.msk $0xffff, v10  }
0x15b: {  	v10 =	vld.idx.msk [tilespmem:v3+s14+$0xFFFFFF90 ss:$0x1], $0xffff  }
0x15c: {  	v11 =	vld [tilespmem:s19+$0x10];
	_ =	sdelay $0x1  }
0x15d: {  	v12 =	vld [tilespmem:s19+$0x410];
	_ =	sdelay $0x1  }
0x15e: {  	v13 =	vld [tilespmem:s19+$0x810]  }
0x15f: {  	v10 =	vmul.f32 v10, v5;
	v11 =	vmul.f32 v11, v6  }
0x160: {  	v14 =	vld [tilespmem:s19+$0xC10]  }
0x161: {  	v10 =	vadd.f32 v11, v10;
	v11 =	vmul.f32 v12, v7;
	_ =	sdelay $0x1  }
0x162: {  	v10 =	vadd.f32 v11, v10;
	v11 =	vmul.f32 v13, v8;
	_ =	sdelay $0x1  }
0x163: {  	v10 =	vadd.f32 v11, v10;
	v11 =	vmul.f32 v14, v9;
	_ =	sdelay $0x1  }
0x164: {  	v10 =	vadd.f32 v11, v10;
	_ =	sdelay $0x1  }
0x165: {  	[tilespmem:v4+s14+$0xFFFFFF90 ss:$0x1] =	vst.idx.msk $0xffff, v10  }
0x166: {  	v10 =	vld.idx.msk [tilespmem:v3+s14+$0xFFFFFFA0 ss:$0x1], $0xffff  }
0x167: {  	v11 =	vld [tilespmem:s19+$0x20];
	_ =	sdelay $0x1  }
0x168: {  	v12 =	vld [tilespmem:s19+$0x420];
	_ =	sdelay $0x1  }
0x169: {  	v13 =	vld [tilespmem:s19+$0x820]  }
0x16a: {  	v10 =	vmul.f32 v10, v5;
	v11 =	vmul.f32 v11, v6  }
0x16b: {  	v14 =	vld [tilespmem:s19+$0xC20]  }
0x16c: {  	v10 =	vadd.f32 v11, v10;
	v11 =	vmul.f32 v12, v7;
	_ =	sdelay $0x1  }
0x16d: {  	v10 =	vadd.f32 v11, v10;
	v11 =	vmul.f32 v13, v8;
	_ =	sdelay $0x1  }
0x16e: {  	v10 =	vadd.f32 v11, v10;
	v11 =	vmul.f32 v14, v9;
	_ =	sdelay $0x1  }
0x16f: {  	v10 =	vadd.f32 v11, v10;
	_ =	sdelay $0x1  }
0x170: {  	[tilespmem:v4+s14+$0xFFFFFFA0 ss:$0x1] =	vst.idx.msk $0xffff, v10  }
0x171: {  	v10 =	vld.idx.msk [tilespmem:v3+s14+$0xFFFFFFB0 ss:$0x1], $0xffff  }
0x172: {  	v11 =	vld [tilespmem:s19+$0x30];
	_ =	sdelay $0x1  }
0x173: {  	v12 =	vld [tilespmem:s19+$0x430];
	_ =	sdelay $0x1  }
0x174: {  	v13 =	vld [tilespmem:s19+$0x830]  }
0x175: {  	v10 =	vmul.f32 v10, v5;
	v11 =	vmul.f32 v11, v6  }
0x176: {  	v14 =	vld [tilespmem:s19+$0xC30]  }
0x177: {  	v10 =	vadd.f32 v11, v10;
	v11 =	vmul.f32 v12, v7;
	_ =	sdelay $0x1  }
0x178: {  	v10 =	vadd.f32 v11, v10;
	v11 =	vmul.f32 v13, v8;
	_ =	sdelay $0x1  }
0x179: {  	v10 =	vadd.f32 v11, v10;
	v11 =	vmul.f32 v14, v9;
	_ =	sdelay $0x1  }
0x17a: {  	v10 =	vadd.f32 v11, v10;
	_ =	sdelay $0x1  }
0x17b: {  	[tilespmem:v4+s14+$0xFFFFFFB0 ss:$0x1] =	vst.idx.msk $0xffff, v10  }
0x17c: {  	v10 =	vld.idx.msk [tilespmem:v3+s14+$0xFFFFFFC0 ss:$0x1], $0xffff  }
0x17d: {  	v11 =	vld [tilespmem:s19+$0x40];
	_ =	sdelay $0x1  }
0x17e: {  	v12 =	vld [tilespmem:s19+$0x440];
	_ =	sdelay $0x1  }
0x17f: {  	v13 =	vld [tilespmem:s19+$0x840]  }
0x180: {  	v10 =	vmul.f32 v10, v5;
	v11 =	vmul.f32 v11, v6  }
0x181: {  	v14 =	vld [tilespmem:s19+$0xC40]  }
0x182: {  	v10 =	vadd.f32 v11, v10;
	v11 =	vmul.f32 v12, v7;
	_ =	sdelay $0x1  }
0x183: {  	v10 =	vadd.f32 v11, v10;
	v11 =	vmul.f32 v13, v8;
	_ =	sdelay $0x1  }
0x184: {  	v10 =	vadd.f32 v11, v10;
	v11 =	vmul.f32 v14, v9;
	_ =	sdelay $0x1  }
0x185: {  	v10 =	vadd.f32 v11, v10;
	_ =	sdelay $0x1  }
0x186: {  	[tilespmem:v4+s14+$0xFFFFFFC0 ss:$0x1] =	vst.idx.msk $0xffff, v10  }
0x187: {  	v10 =	vld.idx.msk [tilespmem:v3+s14+$0xFFFFFFD0 ss:$0x1], $0xffff  }
0x188: {  	v11 =	vld [tilespmem:s19+$0x50];
	_ =	sdelay $0x1  }
0x189: {  	v12 =	vld [tilespmem:s19+$0x450];
	_ =	sdelay $0x1  }
0x18a: {  	v13 =	vld [tilespmem:s19+$0x850]  }
0x18b: {  	v10 =	vmul.f32 v10, v5;
	v11 =	vmul.f32 v11, v6  }
0x18c: {  	v14 =	vld [tilespmem:s19+$0xC50]  }
0x18d: {  	v10 =	vadd.f32 v11, v10;
	v11 =	vmul.f32 v12, v7;
	_ =	sdelay $0x1  }
0x18e: {  	v10 =	vadd.f32 v11, v10;
	v11 =	vmul.f32 v13, v8;
	_ =	sdelay $0x1  }
0x18f: {  	v10 =	vadd.f32 v11, v10;
	v11 =	vmul.f32 v14, v9;
	_ =	sdelay $0x1  }
0x190: {  	v10 =	vadd.f32 v11, v10;
	_ =	sdelay $0x1  }
0x191: {  	[tilespmem:v4+s14+$0xFFFFFFD0 ss:$0x1] =	vst.idx.msk $0xffff, v10  }
0x192: {  	v10 =	vld.idx.msk [tilespmem:v3+s14+$0xFFFFFFE0 ss:$0x1], $0xffff  }
0x193: {  	v11 =	vld [tilespmem:s19+$0x60];
	_ =	sdelay $0x1  }
0x194: {  	v12 =	vld [tilespmem:s19+$0x460];
	_ =	sdelay $0x1  }
0x195: {  	v13 =	vld [tilespmem:s19+$0x860]  }
0x196: {  	v10 =	vmul.f32 v10, v5;
	v11 =	vmul.f32 v11, v6  }
0x197: {  	v14 =	vld [tilespmem:s19+$0xC60]  }
0x198: {  	v10 =	vadd.f32 v11, v10;
	v11 =	vmul.f32 v12, v7;
	_ =	sdelay $0x1  }
0x199: {  	v10 =	vadd.f32 v11, v10;
	v11 =	vmul.f32 v13, v8;
	_ =	sdelay $0x1  }
0x19a: {  	v10 =	vadd.f32 v11, v10;
	v11 =	vmul.f32 v14, v9;
	_ =	sdelay $0x1  }
0x19b: {  	v10 =	vadd.f32 v11, v10;
	_ =	sdelay $0x1  }
0x19c: {  	[tilespmem:v4+s14+$0xFFFFFFE0 ss:$0x1] =	vst.idx.msk $0xffff, v10  }
0x19d: {  	v10 =	vld.idx.msk [tilespmem:v3+s14+$0xFFFFFFF0 ss:$0x1], $0xffff  }
0x19e: {  	v11 =	vld [tilespmem:s19+$0x70];
	_ =	sdelay $0x1  }
0x19f: {  	v12 =	vld [tilespmem:s19+$0x470];
	_ =	sdelay $0x1  }
0x1a0: {  	v13 =	vld [tilespmem:s19+$0x870]  }
0x1a1: {  	v5 =	vmul.f32 v10, v5;
	v6 =	vmul.f32 v11, v6  }
0x1a2: {  	v10 =	vld [tilespmem:s19+$0xC70]  }
0x1a3: {  	v5 =	vadd.f32 v6, v5;
	v6 =	vmul.f32 v12, v7;
	_ =	sdelay $0x1  }
0x1a4: {  	v5 =	vadd.f32 v6, v5;
	v6 =	vmul.f32 v13, v8;
	_ =	sdelay $0x1  }
0x1a5: {  	s19 =	sadd.s32 $0x5, s17;
	v5 =	vadd.f32 v6, v5;
	v6 =	vmul.f32 v10, v9  }
0x1a6: {  	v7 =	vmov s19  }
0x1a7: {  	s19 =	sadd.s32 $0x80, s12;
	v5 =	vadd.f32 v6, v5;
	v6 =	vadd.s32 $0x1, v7  }
0x1a8: {  	s19 =	sand.u32 $0x380, s19  }
0x1a9: {  	v8 =	vadd.s32 $0x2, v7;
	s0 =	sadd.s32 s19, s0;
	[tilespmem:v4+s14+$0xFFFFFFF0 ss:$0x1] =	vst.idx.msk $0xffff, v5  }
0x1aa: {  	v10 =	vld [tilespmem:s0+$0x0]  }
0x1ab: {  	v9 =	vadd.s32 $0x3, v7;
	v11 =	vld.idx.msk [tilespmem:v3+s14+$0x0 ss:$0x1], $0xffff  }
0x1ac: {  	v5 =	vld.idx.msk [tilespmem:v7+s23+$0x0], $0xffff  }
0x1ad: {  	v12 =	vadd.s32 $0x4, v7;
	v6 =	vld.idx.msk [tilespmem:v6+s23+$0x0], $0xffff  }
0x1ae: {  	v7 =	vld.idx.msk [tilespmem:v8+s23+$0x0], $0xffff  }
0x1af: {  	v13 =	vld [tilespmem:s0+$0x400]  }
0x1b0: {  	v8 =	vld.idx.msk [tilespmem:v9+s23+$0x0], $0xffff  }
0x1b1: {  	v14 =	vld [tilespmem:s0+$0x800]  }
0x1b2: {  	v11 =	vmul.f32 v11, v5;
	v9 =	vld.idx.msk [tilespmem:v12+s23+$0x0], $0xffff  }
0x1b3: {  	v10 =	vmul.f32 v10, v6;
	v12 =	vld [tilespmem:s0+$0xC00]  }
0x1b4: {  	v13 =	vmul.f32 v13, v7  }
0x1b5: {  	v10 =	vadd.f32 v10, v11  }
0x1b6: {  	v11 =	vmul.f32 v14, v8  }
0x1b7: {  	v10 =	vadd.f32 v13, v10  }
0x1b8: {  	v12 =	vmul.f32 v12, v9  }
0x1b9: {  	v10 =	vadd.f32 v11, v10;
	_ =	sdelay $0x1  }
0x1ba: {  	v10 =	vadd.f32 v12, v10;
	_ =	sdelay $0x1  }
0x1bb: {  	[tilespmem:v4+s14+$0x0 ss:$0x1] =	vst.idx.msk $0xffff, v10  }
0x1bc: {  	v10 =	vld.idx.msk [tilespmem:v3+s14+$0x10 ss:$0x1], $0xffff  }
0x1bd: {  	v11 =	vld [tilespmem:s0+$0x10]  }
0x1be: {  	v12 =	vld [tilespmem:s0+$0x410]  }
0x1bf: {  	v13 =	vld [tilespmem:s0+$0x810]  }
0x1c0: {  	v14 =	vld [tilespmem:s0+$0xC10];
	_ =	sdelay $0x1  }
0x1c1: {  	v10 =	vmul.f32 v10, v5;
	v11 =	vmul.f32 v11, v6  }
0x1c2: {  	v12 =	vmul.f32 v12, v7  }
0x1c3: {  	v10 =	vadd.f32 v11, v10  }
0x1c4: {  	v11 =	vmul.f32 v13, v8  }
0x1c5: {  	v10 =	vadd.f32 v12, v10  }
0x1c6: {  	v12 =	vmul.f32 v14, v9  }
0x1c7: {  	v10 =	vadd.f32 v11, v10;
	_ =	sdelay $0x1  }
0x1c8: {  	v10 =	vadd.f32 v12, v10;
	_ =	sdelay $0x1  }
0x1c9: {  	[tilespmem:v4+s14+$0x10 ss:$0x1] =	vst.idx.msk $0xffff, v10  }
0x1ca: {  	v10 =	vld.idx.msk [tilespmem:v3+s14+$0x20 ss:$0x1], $0xffff  }
0x1cb: {  	v11 =	vld [tilespmem:s0+$0x20]  }
0x1cc: {  	v12 =	vld [tilespmem:s0+$0x420]  }
0x1cd: {  	v13 =	vld [tilespmem:s0+$0x820]  }
0x1ce: {  	v14 =	vld [tilespmem:s0+$0xC20];
	_ =	sdelay $0x1  }
0x1cf: {  	v10 =	vmul.f32 v10, v5;
	v11 =	vmul.f32 v11, v6  }
0x1d0: {  	v12 =	vmul.f32 v12, v7  }
0x1d1: {  	v10 =	vadd.f32 v11, v10  }
0x1d2: {  	v11 =	vmul.f32 v13, v8  }
0x1d3: {  	v10 =	vadd.f32 v12, v10  }
0x1d4: {  	v12 =	vmul.f32 v14, v9  }
0x1d5: {  	v10 =	vadd.f32 v11, v10;
	_ =	sdelay $0x1  }
0x1d6: {  	v10 =	vadd.f32 v12, v10;
	_ =	sdelay $0x1  }
0x1d7: {  	[tilespmem:v4+s14+$0x20 ss:$0x1] =	vst.idx.msk $0xffff, v10  }
0x1d8: {  	v10 =	vld.idx.msk [tilespmem:v3+s14+$0x30 ss:$0x1], $0xffff  }
0x1d9: {  	v11 =	vld [tilespmem:s0+$0x30]  }
0x1da: {  	v12 =	vld [tilespmem:s0+$0x430]  }
0x1db: {  	v13 =	vld [tilespmem:s0+$0x830]  }
0x1dc: {  	v14 =	vld [tilespmem:s0+$0xC30];
	_ =	sdelay $0x1  }
0x1dd: {  	v10 =	vmul.f32 v10, v5;
	v11 =	vmul.f32 v11, v6  }
0x1de: {  	v12 =	vmul.f32 v12, v7  }
0x1df: {  	v10 =	vadd.f32 v11, v10  }
0x1e0: {  	v11 =	vmul.f32 v13, v8  }
0x1e1: {  	v10 =	vadd.f32 v12, v10  }
0x1e2: {  	v12 =	vmul.f32 v14, v9  }
0x1e3: {  	v10 =	vadd.f32 v11, v10;
	_ =	sdelay $0x1  }
0x1e4: {  	v10 =	vadd.f32 v12, v10;
	_ =	sdelay $0x1  }
0x1e5: {  	[tilespmem:v4+s14+$0x30 ss:$0x1] =	vst.idx.msk $0xffff, v10  }
0x1e6: {  	v10 =	vld.idx.msk [tilespmem:v3+s14+$0x40 ss:$0x1], $0xffff  }
0x1e7: {  	v11 =	vld [tilespmem:s0+$0x40]  }
0x1e8: {  	v12 =	vld [tilespmem:s0+$0x440]  }
0x1e9: {  	v13 =	vld [tilespmem:s0+$0x840]  }
0x1ea: {  	v14 =	vld [tilespmem:s0+$0xC40];
	_ =	sdelay $0x1  }
0x1eb: {  	v10 =	vmul.f32 v10, v5;
	v11 =	vmul.f32 v11, v6  }
0x1ec: {  	v12 =	vmul.f32 v12, v7  }
0x1ed: {  	v10 =	vadd.f32 v11, v10  }
0x1ee: {  	v11 =	vmul.f32 v13, v8  }
0x1ef: {  	v10 =	vadd.f32 v12, v10  }
0x1f0: {  	v12 =	vmul.f32 v14, v9  }
0x1f1: {  	v10 =	vadd.f32 v11, v10;
	_ =	sdelay $0x1  }
0x1f2: {  	v10 =	vadd.f32 v12, v10;
	_ =	sdelay $0x1  }
0x1f3: {  	[tilespmem:v4+s14+$0x40 ss:$0x1] =	vst.idx.msk $0xffff, v10  }
0x1f4: {  	v10 =	vld.idx.msk [tilespmem:v3+s14+$0x50 ss:$0x1], $0xffff  }
0x1f5: {  	v11 =	vld [tilespmem:s0+$0x50]  }
0x1f6: {  	v12 =	vld [tilespmem:s0+$0x450]  }
0x1f7: {  	v13 =	vld [tilespmem:s0+$0x850]  }
0x1f8: {  	v14 =	vld [tilespmem:s0+$0xC50];
	_ =	sdelay $0x1  }
0x1f9: {  	v10 =	vmul.f32 v10, v5;
	v11 =	vmul.f32 v11, v6  }
0x1fa: {  	v12 =	vmul.f32 v12, v7  }
0x1fb: {  	v10 =	vadd.f32 v11, v10  }
0x1fc: {  	v11 =	vmul.f32 v13, v8  }
0x1fd: {  	v10 =	vadd.f32 v12, v10  }
0x1fe: {  	v12 =	vmul.f32 v14, v9  }
0x1ff: {  	v10 =	vadd.f32 v11, v10;
	_ =	sdelay $0x1  }
0x200: {  	v10 =	vadd.f32 v12, v10;
	_ =	sdelay $0x1  }
0x201: {  	[tilespmem:v4+s14+$0x50 ss:$0x1] =	vst.idx.msk $0xffff, v10  }
0x202: {  	v10 =	vld.idx.msk [tilespmem:v3+s14+$0x60 ss:$0x1], $0xffff  }
0x203: {  	v11 =	vld [tilespmem:s0+$0x60]  }
0x204: {  	v12 =	vld [tilespmem:s0+$0x460]  }
0x205: {  	v13 =	vld [tilespmem:s0+$0x860]  }
0x206: {  	v14 =	vld [tilespmem:s0+$0xC60];
	_ =	sdelay $0x1  }
0x207: {  	v10 =	vmul.f32 v10, v5;
	v11 =	vmul.f32 v11, v6  }
0x208: {  	v12 =	vmul.f32 v12, v7  }
0x209: {  	v10 =	vadd.f32 v11, v10  }
0x20a: {  	v11 =	vmul.f32 v13, v8  }
0x20b: {  	v10 =	vadd.f32 v12, v10  }
0x20c: {  	v12 =	vmul.f32 v14, v9  }
0x20d: {  	v10 =	vadd.f32 v11, v10;
	_ =	sdelay $0x1  }
0x20e: {  	v10 =	vadd.f32 v12, v10;
	_ =	sdelay $0x1  }
0x20f: {  	[tilespmem:v4+s14+$0x60 ss:$0x1] =	vst.idx.msk $0xffff, v10  }
0x210: {  	v10 =	vld.idx.msk [tilespmem:v3+s14+$0x70 ss:$0x1], $0xffff  }
0x211: {  	v11 =	vld [tilespmem:s0+$0x70]  }
0x212: {  	v12 =	vld [tilespmem:s0+$0x470]  }
0x213: {  	v13 =	vld [tilespmem:s0+$0x870]  }
0x214: {  	v14 =	vld [tilespmem:s0+$0xC70];
	_ =	sdelay $0x1  }
0x215: {  	v5 =	vmul.f32 v10, v5;
	v6 =	vmul.f32 v11, v6  }
0x216: {  	v7 =	vmul.f32 v12, v7  }
.Ltmp3:
0x217: {  	v5 =	vadd.f32 v6, v5;
	(pc) =	sbr.rel @p2 .LBB2_7-.Ltmp3, $4  }
0x218: {  	v6 =	vmul.f32 v13, v8  }
0x219: {  	v7 =	vadd.f32 v7, v5  }
0x21a: {  	v5 =	vmul.f32 v14, v9  }
0x21b: {  	s17 =	sadd.s32 $0xA, s17;
	v6 =	vadd.f32 v6, v7  }
0x21c: {  	_ =	sdelay $0x1  }
0x21d: {  	v7 =	vmov s17;
	v5 =	vadd.f32 v5, v6  }
0x21e: {  	s0 =	sadd.s32 $0x100, s12;
	s19 =	sand.u32 $0x1000, s18;
	v8 =	vor.u32 $0x1, v7  }
0x21f: {  	s31 =	sshra.s32 s18, $0x2;
	s20 =	sand.u32 $0x300, s0;
	s11 =	sadd.s32 s19, s11;
	[tilespmem:v4+s14+$0x70 ss:$0x1] =	vst.idx.msk $0xffff, v5  }
0x220: {  	v56 =	vadd.s32 $0x2, v7;
	s12 =	sadd.s32 s20, s11;
	v5 =	vld.idx.msk [tilespmem:v3+s31+$0xFFFFFF80 ss:$0x1], $0xffff  }
0x221: {  	v11 =	vld [tilespmem:s12+$0x0]  }
0x222: {  	v9 =	vadd.s32 $0x3, v7;
	v10 =	vld.idx.msk [tilespmem:v7+s23+$0x0], $0xffff  }
0x223: {  	v8 =	vld.idx.msk [tilespmem:v8+s23+$0x0], $0xffff  }
0x224: {  	v12 =	vld [tilespmem:s12+$0x400];
	v7 =	vadd.s32 $0x4, v7  }
0x225: {  	v6 =	vld.idx.msk [tilespmem:v56+s23+$0x0], $0xffff  }
0x226: {  	v13 =	vld [tilespmem:s12+$0x800]  }
0x227: {  	v9 =	vld.idx.msk [tilespmem:v9+s23+$0x0], $0xffff  }
0x228: {  	v14 =	vld [tilespmem:s12+$0xC00];
	v5 =	vmul.f32 v5, v10;
	v11 =	vmul.f32 v11, v8  }
0x229: {  	v7 =	vld.idx.msk [tilespmem:v7+s23+$0x0], $0xffff  }
0x22a: {  	v57 =	vmul.f32 v12, v6;
	v5 =	vadd.f32 v11, v5;
	_ =	sdelay $0x1  }
0x22b: {  	v58 =	vmul.f32 v13, v9;
	v5 =	vadd.f32 v57, v5;
	_ =	sdelay $0x1  }
0x22c: {  	v59 =	vmul.f32 v14, v7;
	v5 =	vadd.f32 v58, v5;
	_ =	sdelay $0x1  }
0x22d: {  	v5 =	vadd.f32 v59, v5;
	_ =	sdelay $0x1  }
0x22e: {  	[tilespmem:v4+s31+$0xFFFFFF80 ss:$0x1] =	vst.idx.msk $0xffff, v5  }
0x22f: {  	v5 =	vld.idx.msk [tilespmem:v3+s31+$0xFFFFFF90 ss:$0x1], $0xffff  }
0x230: {  	v60 =	vld [tilespmem:s12+$0x10];
	_ =	sdelay $0x1  }
0x231: {  	v61 =	vld [tilespmem:s12+$0x410];
	_ =	sdelay $0x1  }
0x232: {  	v62 =	vld [tilespmem:s12+$0x810]  }
0x233: {  	v5 =	vmul.f32 v5, v10;
	v11 =	vmul.f32 v60, v8  }
0x234: {  	v63 =	vld [tilespmem:s12+$0xC10]  }
0x235: {  	v15 =	vmul.f32 v61, v6;
	v5 =	vadd.f32 v11, v5;
	_ =	sdelay $0x1  }
0x236: {  	v16 =	vmul.f32 v62, v9;
	v5 =	vadd.f32 v15, v5;
	_ =	sdelay $0x1  }
0x237: {  	v17 =	vmul.f32 v63, v7;
	v5 =	vadd.f32 v16, v5;
	_ =	sdelay $0x1  }
0x238: {  	v5 =	vadd.f32 v17, v5;
	_ =	sdelay $0x1  }
0x239: {  	[tilespmem:v4+s31+$0xFFFFFF90 ss:$0x1] =	vst.idx.msk $0xffff, v5  }
0x23a: {  	v5 =	vld.idx.msk [tilespmem:v3+s31+$0xFFFFFFA0 ss:$0x1], $0xffff  }
0x23b: {  	v18 =	vld [tilespmem:s12+$0x20];
	_ =	sdelay $0x1  }
0x23c: {  	v19 =	vld [tilespmem:s12+$0x420];
	_ =	sdelay $0x1  }
0x23d: {  	v20 =	vld [tilespmem:s12+$0x820]  }
0x23e: {  	v5 =	vmul.f32 v5, v10;
	v11 =	vmul.f32 v18, v8  }
0x23f: {  	v21 =	vld [tilespmem:s12+$0xC20]  }
0x240: {  	v22 =	vmul.f32 v19, v6;
	v5 =	vadd.f32 v11, v5;
	_ =	sdelay $0x1  }
0x241: {  	v23 =	vmul.f32 v20, v9;
	v5 =	vadd.f32 v22, v5;
	_ =	sdelay $0x1  }
0x242: {  	v24 =	vmul.f32 v21, v7;
	v5 =	vadd.f32 v23, v5;
	_ =	sdelay $0x1  }
0x243: {  	v5 =	vadd.f32 v24, v5;
	_ =	sdelay $0x1  }
0x244: {  	[tilespmem:v4+s31+$0xFFFFFFA0 ss:$0x1] =	vst.idx.msk $0xffff, v5  }
0x245: {  	v5 =	vld.idx.msk [tilespmem:v3+s31+$0xFFFFFFB0 ss:$0x1], $0xffff  }
0x246: {  	v25 =	vld [tilespmem:s12+$0x30];
	_ =	sdelay $0x1  }
0x247: {  	v26 =	vld [tilespmem:s12+$0x430];
	_ =	sdelay $0x1  }
0x248: {  	v27 =	vld [tilespmem:s12+$0x830]  }
0x249: {  	v5 =	vmul.f32 v5, v10;
	v11 =	vmul.f32 v25, v8  }
0x24a: {  	v28 =	vld [tilespmem:s12+$0xC30]  }
0x24b: {  	v29 =	vmul.f32 v26, v6;
	v5 =	vadd.f32 v11, v5;
	_ =	sdelay $0x1  }
0x24c: {  	v30 =	vmul.f32 v27, v9;
	v5 =	vadd.f32 v29, v5;
	_ =	sdelay $0x1  }
0x24d: {  	v31 =	vmul.f32 v28, v7;
	v5 =	vadd.f32 v30, v5;
	_ =	sdelay $0x1  }
0x24e: {  	v5 =	vadd.f32 v31, v5;
	_ =	sdelay $0x1  }
0x24f: {  	[tilespmem:v4+s31+$0xFFFFFFB0 ss:$0x1] =	vst.idx.msk $0xffff, v5  }
0x250: {  	v5 =	vld.idx.msk [tilespmem:v3+s31+$0xFFFFFFC0 ss:$0x1], $0xffff  }
0x251: {  	v32 =	vld [tilespmem:s12+$0x40];
	_ =	sdelay $0x1  }
0x252: {  	v33 =	vld [tilespmem:s12+$0x440];
	_ =	sdelay $0x1  }
0x253: {  	v34 =	vld [tilespmem:s12+$0x840]  }
0x254: {  	v5 =	vmul.f32 v5, v10;
	v11 =	vmul.f32 v32, v8  }
0x255: {  	v35 =	vld [tilespmem:s12+$0xC40]  }
0x256: {  	v36 =	vmul.f32 v33, v6;
	v5 =	vadd.f32 v11, v5;
	_ =	sdelay $0x1  }
0x257: {  	v37 =	vmul.f32 v34, v9;
	v5 =	vadd.f32 v36, v5;
	_ =	sdelay $0x1  }
0x258: {  	v38 =	vmul.f32 v35, v7;
	v5 =	vadd.f32 v37, v5;
	_ =	sdelay $0x1  }
0x259: {  	v5 =	vadd.f32 v38, v5;
	_ =	sdelay $0x1  }
0x25a: {  	[tilespmem:v4+s31+$0xFFFFFFC0 ss:$0x1] =	vst.idx.msk $0xffff, v5  }
0x25b: {  	v5 =	vld.idx.msk [tilespmem:v3+s31+$0xFFFFFFD0 ss:$0x1], $0xffff  }
0x25c: {  	v39 =	vld [tilespmem:s12+$0x50];
	_ =	sdelay $0x1  }
0x25d: {  	v40 =	vld [tilespmem:s12+$0x450];
	_ =	sdelay $0x1  }
0x25e: {  	v41 =	vld [tilespmem:s12+$0x850]  }
0x25f: {  	v5 =	vmul.f32 v5, v10;
	v11 =	vmul.f32 v39, v8  }
0x260: {  	v42 =	vld [tilespmem:s12+$0xC50]  }
0x261: {  	v43 =	vmul.f32 v40, v6;
	v5 =	vadd.f32 v11, v5;
	_ =	sdelay $0x1  }
0x262: {  	v44 =	vmul.f32 v41, v9;
	v5 =	vadd.f32 v43, v5;
	_ =	sdelay $0x1  }
0x263: {  	v45 =	vmul.f32 v42, v7;
	v5 =	vadd.f32 v44, v5;
	_ =	sdelay $0x1  }
0x264: {  	v5 =	vadd.f32 v45, v5;
	_ =	sdelay $0x1  }
0x265: {  	[tilespmem:v4+s31+$0xFFFFFFD0 ss:$0x1] =	vst.idx.msk $0xffff, v5  }
0x266: {  	v5 =	vld.idx.msk [tilespmem:v3+s31+$0xFFFFFFE0 ss:$0x1], $0xffff  }
0x267: {  	v46 =	vld [tilespmem:s12+$0x60];
	_ =	sdelay $0x1  }
0x268: {  	v47 =	vld [tilespmem:s12+$0x460];
	_ =	sdelay $0x1  }
0x269: {  	v48 =	vld [tilespmem:s12+$0x860]  }
0x26a: {  	v5 =	vmul.f32 v5, v10;
	v11 =	vmul.f32 v46, v8  }
0x26b: {  	v49 =	vld [tilespmem:s12+$0xC60]  }
0x26c: {  	v50 =	vmul.f32 v47, v6;
	v5 =	vadd.f32 v11, v5;
	_ =	sdelay $0x1  }
0x26d: {  	v51 =	vmul.f32 v48, v9;
	v5 =	vadd.f32 v50, v5;
	_ =	sdelay $0x1  }
0x26e: {  	v52 =	vmul.f32 v49, v7;
	v5 =	vadd.f32 v51, v5;
	_ =	sdelay $0x1  }
0x26f: {  	v5 =	vadd.f32 v52, v5;
	_ =	sdelay $0x1  }
0x270: {  	[tilespmem:v4+s31+$0xFFFFFFE0 ss:$0x1] =	vst.idx.msk $0xffff, v5  }
0x271: {  	v5 =	vld.idx.msk [tilespmem:v3+s31+$0xFFFFFFF0 ss:$0x1], $0xffff  }
0x272: {  	v53 =	vld [tilespmem:s12+$0x70];
	_ =	sdelay $0x1  }
0x273: {  	v54 =	vld [tilespmem:s12+$0x470];
	_ =	sdelay $0x1  }
0x274: {  	v55 =	vld [tilespmem:s12+$0x870]  }
0x275: {  	v5 =	vmul.f32 v5, v10;
	v8 =	vmul.f32 v53, v8  }
0x276: {  	v56 =	vld [tilespmem:s12+$0xC70]  }
0x277: {  	v6 =	vmul.f32 v54, v6;
	v5 =	vadd.f32 v8, v5;
	_ =	sdelay $0x1  }
0x278: {  	v57 =	vmul.f32 v55, v9;
	v5 =	vadd.f32 v6, v5;
	_ =	sdelay $0x1  }
0x279: {  	v58 =	vmul.f32 v56, v7;
	v5 =	vadd.f32 v57, v5  }
0x27a: {  	s18 =	sadd.s32 $0x5, s17  }
0x27b: {  	s0 =	sadd.s32 $0x80, s0;
	v59 =	vmov s18;
	v5 =	vadd.f32 v58, v5  }
0x27c: {  	s0 =	sand.u32 $0x380, s0;
	v60 =	vadd.s32 $0x1, v59  }
0x27d: {  	s0 =	sadd.s32 s0, s11;
	v61 =	vadd.s32 $0x2, v59;
	[tilespmem:v4+s31+$0xFFFFFFF0 ss:$0x1] =	vst.idx.msk $0xffff, v5  }
0x27e: {  	v62 =	vld [tilespmem:s0+$0x0]  }
0x27f: {  	v63 =	vadd.s32 $0x3, v59;
	v16 =	vld.idx.msk [tilespmem:v3+s31+$0x0 ss:$0x1], $0xffff  }
0x280: {  	v17 =	vld.idx.msk [tilespmem:v59+s23+$0x0], $0xffff  }
0x281: {  	v7 =	vadd.s32 $0x4, v59;
	v6 =	vld.idx.msk [tilespmem:v60+s23+$0x0], $0xffff  }
0x282: {  	v5 =	vld.idx.msk [tilespmem:v61+s23+$0x0], $0xffff  }
0x283: {  	v18 =	vld [tilespmem:s0+$0x400]  }
0x284: {  	v9 =	vld.idx.msk [tilespmem:v63+s23+$0x0], $0xffff  }
0x285: {  	v19 =	vld [tilespmem:s0+$0x800]  }
0x286: {  	v7 =	vld.idx.msk [tilespmem:v7+s23+$0x0], $0xffff;
	v10 =	vmul.f32 v16, v17;
	v8 =	vmul.f32 v62, v6  }
0x287: {  	v20 =	vld [tilespmem:s0+$0xC00]  }
0x288: {  	v12 =	vmul.f32 v18, v5;
	v8 =	vadd.f32 v8, v10;
	_ =	sdelay $0x1  }
0x289: {  	v21 =	vmul.f32 v19, v9;
	v8 =	vadd.f32 v12, v8;
	_ =	sdelay $0x1  }
0x28a: {  	v22 =	vmul.f32 v20, v7;
	v8 =	vadd.f32 v21, v8;
	_ =	sdelay $0x1  }
0x28b: {  	v8 =	vadd.f32 v22, v8;
	_ =	sdelay $0x1  }
0x28c: {  	[tilespmem:v4+s31+$0x0 ss:$0x1] =	vst.idx.msk $0xffff, v8  }
0x28d: {  	v8 =	vld.idx.msk [tilespmem:v3+s31+$0x10 ss:$0x1], $0xffff  }
0x28e: {  	v23 =	vld [tilespmem:s0+$0x10];
	_ =	sdelay $0x1  }
0x28f: {  	v24 =	vld [tilespmem:s0+$0x410];
	_ =	sdelay $0x1  }
0x290: {  	v25 =	vld [tilespmem:s0+$0x810]  }
0x291: {  	v8 =	vmul.f32 v8, v17;
	v10 =	vmul.f32 v23, v6  }
0x292: {  	v26 =	vld [tilespmem:s0+$0xC10]  }
0x293: {  	v12 =	vmul.f32 v24, v5;
	v8 =	vadd.f32 v10, v8;
	_ =	sdelay $0x1  }
0x294: {  	v27 =	vmul.f32 v25, v9;
	v8 =	vadd.f32 v12, v8;
	_ =	sdelay $0x1  }
0x295: {  	v28 =	vmul.f32 v26, v7;
	v8 =	vadd.f32 v27, v8;
	_ =	sdelay $0x1  }
0x296: {  	v8 =	vadd.f32 v28, v8;
	_ =	sdelay $0x1  }
0x297: {  	[tilespmem:v4+s31+$0x10 ss:$0x1] =	vst.idx.msk $0xffff, v8  }
0x298: {  	v8 =	vld.idx.msk [tilespmem:v3+s31+$0x20 ss:$0x1], $0xffff  }
0x299: {  	v29 =	vld [tilespmem:s0+$0x20];
	_ =	sdelay $0x1  }
0x29a: {  	v30 =	vld [tilespmem:s0+$0x420];
	_ =	sdelay $0x1  }
0x29b: {  	v31 =	vld [tilespmem:s0+$0x820]  }
0x29c: {  	v8 =	vmul.f32 v8, v17;
	v10 =	vmul.f32 v29, v6  }
0x29d: {  	v32 =	vld [tilespmem:s0+$0xC20]  }
0x29e: {  	v12 =	vmul.f32 v30, v5;
	v8 =	vadd.f32 v10, v8;
	_ =	sdelay $0x1  }
0x29f: {  	v33 =	vmul.f32 v31, v9;
	v8 =	vadd.f32 v12, v8;
	_ =	sdelay $0x1  }
0x2a0: {  	v34 =	vmul.f32 v32, v7;
	v8 =	vadd.f32 v33, v8;
	_ =	sdelay $0x1  }
0x2a1: {  	v8 =	vadd.f32 v34, v8;
	_ =	sdelay $0x1  }
0x2a2: {  	[tilespmem:v4+s31+$0x20 ss:$0x1] =	vst.idx.msk $0xffff, v8  }
0x2a3: {  	v8 =	vld.idx.msk [tilespmem:v3+s31+$0x30 ss:$0x1], $0xffff  }
0x2a4: {  	v35 =	vld [tilespmem:s0+$0x30];
	_ =	sdelay $0x1  }
0x2a5: {  	v36 =	vld [tilespmem:s0+$0x430];
	_ =	sdelay $0x1  }
0x2a6: {  	v37 =	vld [tilespmem:s0+$0x830]  }
0x2a7: {  	v8 =	vmul.f32 v8, v17;
	v10 =	vmul.f32 v35, v6  }
0x2a8: {  	v38 =	vld [tilespmem:s0+$0xC30]  }
0x2a9: {  	v12 =	vmul.f32 v36, v5;
	v8 =	vadd.f32 v10, v8;
	_ =	sdelay $0x1  }
0x2aa: {  	v39 =	vmul.f32 v37, v9;
	v8 =	vadd.f32 v12, v8;
	_ =	sdelay $0x1  }
0x2ab: {  	v40 =	vmul.f32 v38, v7;
	v8 =	vadd.f32 v39, v8;
	_ =	sdelay $0x1  }
0x2ac: {  	v8 =	vadd.f32 v40, v8;
	_ =	sdelay $0x1  }
0x2ad: {  	[tilespmem:v4+s31+$0x30 ss:$0x1] =	vst.idx.msk $0xffff, v8  }
0x2ae: {  	v8 =	vld.idx.msk [tilespmem:v3+s31+$0x40 ss:$0x1], $0xffff  }
0x2af: {  	v41 =	vld [tilespmem:s0+$0x40];
	_ =	sdelay $0x1  }
0x2b0: {  	v42 =	vld [tilespmem:s0+$0x440];
	_ =	sdelay $0x1  }
0x2b1: {  	v43 =	vld [tilespmem:s0+$0x840]  }
0x2b2: {  	v8 =	vmul.f32 v8, v17;
	v10 =	vmul.f32 v41, v6  }
0x2b3: {  	v44 =	vld [tilespmem:s0+$0xC40]  }
0x2b4: {  	v12 =	vmul.f32 v42, v5;
	v8 =	vadd.f32 v10, v8;
	_ =	sdelay $0x1  }
0x2b5: {  	v45 =	vmul.f32 v43, v9;
	v8 =	vadd.f32 v12, v8;
	_ =	sdelay $0x1  }
0x2b6: {  	v46 =	vmul.f32 v44, v7;
	v8 =	vadd.f32 v45, v8;
	_ =	sdelay $0x1  }
0x2b7: {  	v8 =	vadd.f32 v46, v8;
	_ =	sdelay $0x1  }
0x2b8: {  	[tilespmem:v4+s31+$0x40 ss:$0x1] =	vst.idx.msk $0xffff, v8  }
0x2b9: {  	v8 =	vld.idx.msk [tilespmem:v3+s31+$0x50 ss:$0x1], $0xffff  }
0x2ba: {  	v47 =	vld [tilespmem:s0+$0x50];
	_ =	sdelay $0x1  }
0x2bb: {  	v48 =	vld [tilespmem:s0+$0x450];
	_ =	sdelay $0x1  }
0x2bc: {  	v49 =	vld [tilespmem:s0+$0x850]  }
0x2bd: {  	v8 =	vmul.f32 v8, v17;
	v10 =	vmul.f32 v47, v6  }
0x2be: {  	v50 =	vld [tilespmem:s0+$0xC50]  }
0x2bf: {  	v12 =	vmul.f32 v48, v5;
	v8 =	vadd.f32 v10, v8;
	_ =	sdelay $0x1  }
0x2c0: {  	v51 =	vmul.f32 v49, v9;
	v8 =	vadd.f32 v12, v8;
	_ =	sdelay $0x1  }
0x2c1: {  	v52 =	vmul.f32 v50, v7;
	v8 =	vadd.f32 v51, v8;
	_ =	sdelay $0x1  }
0x2c2: {  	v8 =	vadd.f32 v52, v8;
	_ =	sdelay $0x1  }
0x2c3: {  	[tilespmem:v4+s31+$0x50 ss:$0x1] =	vst.idx.msk $0xffff, v8  }
0x2c4: {  	v8 =	vld.idx.msk [tilespmem:v3+s31+$0x60 ss:$0x1], $0xffff  }
0x2c5: {  	v53 =	vld [tilespmem:s0+$0x60];
	_ =	sdelay $0x1  }
0x2c6: {  	v54 =	vld [tilespmem:s0+$0x460];
	_ =	sdelay $0x1  }
0x2c7: {  	v55 =	vld [tilespmem:s0+$0x860]  }
0x2c8: {  	v8 =	vmul.f32 v8, v17;
	v10 =	vmul.f32 v53, v6  }
0x2c9: {  	v56 =	vld [tilespmem:s0+$0xC60]  }
0x2ca: {  	v12 =	vmul.f32 v54, v5;
	v8 =	vadd.f32 v10, v8;
	_ =	sdelay $0x1  }
0x2cb: {  	v57 =	vmul.f32 v55, v9;
	v8 =	vadd.f32 v12, v8;
	_ =	sdelay $0x1  }
0x2cc: {  	v58 =	vmul.f32 v56, v7;
	v8 =	vadd.f32 v57, v8;
	_ =	sdelay $0x1  }
0x2cd: {  	v8 =	vadd.f32 v58, v8;
	_ =	sdelay $0x1  }
0x2ce: {  	[tilespmem:v4+s31+$0x60 ss:$0x1] =	vst.idx.msk $0xffff, v8  }
0x2cf: {  	v3 =	vld.idx.msk [tilespmem:v3+s31+$0x70 ss:$0x1], $0xffff  }
0x2d0: {  	v8 =	vld [tilespmem:s0+$0x70];
	_ =	sdelay $0x1  }
0x2d1: {  	v59 =	vld [tilespmem:s0+$0x470];
	_ =	sdelay $0x1  }
0x2d2: {  	v60 =	vld [tilespmem:s0+$0x870]  }
0x2d3: {  	v3 =	vmul.f32 v3, v17;
	v6 =	vmul.f32 v8, v6  }
0x2d4: {  	v61 =	vld [tilespmem:s0+$0xC70]  }
0x2d5: {  	v5 =	vmul.f32 v59, v5;
	v3 =	vadd.f32 v6, v3;
	_ =	sdelay $0x1  }
0x2d6: {  	v62 =	vmul.f32 v60, v9;
	v3 =	vadd.f32 v5, v3;
	_ =	sdelay $0x1  }
0x2d7: {  	v63 =	vmul.f32 v61, v7;
	v3 =	vadd.f32 v62, v3  }
0x2d8: {  	s19 =	smul.u32 $0x140, s15  }
0x2d9: {  	v3 =	vadd.f32 v63, v3  }
0x2da: {  	s20 =	sshll.u32 s13, $0x4;
	s0 =	sshrl.u32 s19, $0x2  }
0x2db: {  	s0 =	sadd.s32 s20, s0;
	[tilespmem:v4+s31+$0x70 ss:$0x1] =	vst.idx.msk $0xffff, v3  }
0x2dc: {  	v3 =	vld [tilespmem:s0+$0x200];
	_ =	sdelay $0x1  }
0x2dd: {  	p2 =	sgt.u32 s22, $0x26B  }
0x2de: {  	s0 =	sand.u32 @!p2 $0xFFFF, s30  }
0x2df: {  	p3 =	sne.s32 @!p2 s0, $0x1  }
0x2e0: {  	p2 =	por p3, p2  }
0x2e1: {  	s30 =	sshrl.u32 s28, $0x2;
	s11 =	sadd.s32 @!p2 $0x1, s29  }
0x2e2: {  	s31 =	sor.u32 $0x4, s26;
	s0 =	sadd.s32 $0x5680, s30;
	s13 =	smul.u32 @!p2 $0x50, s11  }
0x2e3: {  	[spmem:s1] =	stream.indirect_vreg.scatter.add.f32 [tilespmem:s0], [sflag:s31], $0x80, v3, vm0, $0xb8;
	[tilespmem:$0x19F00] =	vst v63  }
0x2e4: {  	s0 =	sand.u32 @!p2 $0x1, s11  }
0x2e5: {  	s11 =	sadd.s32 @!p2 s10, s13;
	s12 =	smul.u32 @!p2 $0x50, s0  }
0x2e6: {  	s13 =	sshrl.u32 @!p2 s11, $0x3;
	s0 =	smul.u32 @!p2 $0x680, s0  }
0x2e7: {  	s15 =	simm.s32 @!p2 $0x0;
	s11 =	smul.u32 @!p2 $0x5, s11;
	s14 =	sadd.s32 @!p2 s6, s13  }
0x2e8: {  	[tilespmem:s12], [sflag:$0x1] =	stream.linear.gather @!p2 [hbm4b:s14+s15], $0x50, $0x38;
	[tilespmem:$0x19F00] =	vst v63  }
0x2e9: {  	s17 =	sadd.s32 @!p2 s7, s13;
	s13 =	sadd.s32 @!p2 s8, s13;
	s14 =	sor.u32 @!p2 $0x100, s12  }
0x2ea: {  	[tilespmem:s14], [sflag:$0x1] =	stream.linear.gather @!p2 [hbm4b:s17+s15], $0x50, $0x38;
	[tilespmem:$0x19F00] =	vst v63  }
0x2eb: {  	s12 =	sor.u32 @!p2 $0x200, s12;
	s0 =	sshrl.u32 @!p2 s0, $0x2;
	s11 =	sshrl.u32 @!p2 s11, $0x3  }
0x2ec: {  	[tilespmem:s12], [sflag:$0x1] =	stream.linear.gather @!p2 [hbm4b:s13+s15], $0x50, $0x38;
	[tilespmem:$0x19F00] =	vst v63  }
0x2ed: {  	s0 =	sadd.s32 @!p2 $0x300, s0;
	s11 =	sadd.s32 @!p2 s9, s11  }
0x2ee: {  	[tilespmem:s0], [sflag:$0x1] =	stream.linear.gather @!p2 [hbm4b:s11+s15], $0x190, $0x38;
	[tilespmem:$0x19F00] =	vst v63  }
0x2ef: {  	p2 =	sne.s32 s25, $0x271  }
.Ltmp4:
0x2f0: {  	_ = 	snop;
	(pc) =	sbr.rel @p2 .LBB2_2-.Ltmp4, $4  }
.Ltmp5:
0x2f1: {  	_ = 	snop;
	(pc) =	sbr.rel @!p2 .LBB2_9-.Ltmp5, $4  }
0x2f2: {  	_ = 	snop  }
0x2f3: {  	_ = 	snop  }
0x2f4: {  	s21 =	sadd.s32 $0x50, s21;
	p1 =	por !p1, !p1;
	s22 =	smov.u32 s25  }
0x2f5: {  	_ = 	snop  }
.LBB2_4:
.Ltmp6:
0x2f6: {  	(pc) =	sbr.rel @p2 .LBB2_6-.Ltmp6, $4  }
.Ltmp7:
0x2f7: {  	(pc) =	sbr.rel @!p2 .LBB2_5-.Ltmp7, $4  }
0x2f8: {  	_ = 	snop  }
0x2f9: {  	_ = 	snop  }
0x2fa: {  	_ = 	snop  }
0x2fb: {  	_ = 	snop  }
.LBB2_10:
0x2fc: {  	_ =	sfence.sel $0x180000  }
0x2fd: {  	[bflag:$0x0] =	sbarrier.arrive $0xFFFF  }
0x2fe: {  	_ =	strace $0x90000047  }
0x2ff: {  	s0 =	stileid.u32;
	[bflag:$0x2] =	sbarrier.arrive $0xFFFF  }
0x300: {  	p0 =	sne.s32 s0, $0x0;
	s0 =	rddreg [dreg:$0x3]  }
0x301: {  	s0 =	sadd.s32 @!p0 $0x100000, s0  }
0x302: {  	[sflag:s0] =	ssyncadd.tile.s32 @!p0 $0x1;
	_ =	shalt  }
.Lfunc_end2:
_tile_overlayer_lowered:
.L_overlay_start_2:
0x303: {  	(tag) =	ssettag $0x2  }
0x304: {  	s0 =	rddreg [dreg:$0x0];
	s2 =	stileid.u32  }
0x305: {  	s1 =	rddreg [dreg:$0x1];
	p0 =	sne.s32 s2, $0x0  }
0x306: {  	s3 =	rddreg [dreg:$0x2];
	[bflag:$0x3] =	sbarrier.arrive $0xFFFF;
	s2 =	simm.s32 @!p0 $0x1C06  }
0x307: {  	[timem:s3], [sflag:s2] =	dma.local @!p0 [hbm:s0], s1  }
0x308: {  	s0 =	simm.s32 @!p0 $0x6  }
0x309: {  	_ =	swait.ge @!p0 [sflag:s0], s1  }
0x30a: {  	s1 =	ssub.s32 @!p0 $0x0, s1;
	[sflag:s0] =	ssyncset.done @!p0 $0x0  }
0x30b: {  	[sflag:s0] =	ssyncadd.s32 @!p0 s1  }
0x30c: {  	[bflag:$0x3] =	sbarrier.arrive $0xFFFF  }
0x30d: {  	_ =	shalt  }

</sc_bundles>
